<compile_context>
chip_gen: v7x
topology: tpu7x:2x2x1
jax: 0.10.2.dev20260603
libtpu: 0.0.44.dev20260713+nightly
codegen_flags: <defaults>
</compile_context>

<pallas_src>
import functools

import jax
import jax.numpy as jnp
from jax import lax
from jax.experimental import pallas as pl
from jax.experimental.pallas import tpu as pltpu
from jax.experimental.pallas import tpu_sc as plsc

_L = 16
_CH = 128


def _make_kernel(B, H, V, D, num_cores, num_subcores):
    NW = num_cores * num_subcores
    BW = B // NW
    CH, L = _CH, _L
    NQ = BW // CH
    assert NQ == 4

    mesh = plsc.VectorSubcoreMesh(core_axis_name="c", subcore_axis_name="s")

    scratch = [
        pltpu.VMEM((H, BW), jnp.int32),
        pltpu.VMEM((4, CH), jnp.int32),
        pltpu.VMEM((4, CH, D), jnp.float32),
        pltpu.SemaphoreType.DMA,
        pltpu.SemaphoreType.DMA,
        pltpu.SemaphoreType.DMA,
        pltpu.SemaphoreType.DMA,
        pltpu.SemaphoreType.DMA,
        pltpu.SemaphoreType.DMA,
        pltpu.SemaphoreType.DMA,
        pltpu.SemaphoreType.DMA,
    ]

    @functools.partial(
        pl.kernel,
        mesh=mesh,
        out_type=jax.ShapeDtypeStruct((H * B, D), jnp.float32),
        scratch_types=scratch,
        compiler_params=pltpu.CompilerParams(use_tc_tiling_on_sc=False),
    )
    def body(idx_hbm, table_hbm, out_hbm, idx_v, phs, bufs, *sems):
        gsem = sems[:4]
        wsem = sems[4:]
        wid = lax.axis_index("s") * num_cores + lax.axis_index("c")
        col0 = lax.mul(wid, BW)

        pltpu.sync_copy(idx_hbm.at[:, pl.ds(col0, BW)], idx_v)

        def fire_gather(h, q, s):
            for r in range(CH // L):
                phs[s, pl.ds(r * L, L)] = idx_v[h, pl.ds(CH * q + r * L, L)]
            pltpu.async_copy(table_hbm.at[phs.at[s]], bufs.at[s], gsem[s])

        def gather_wait(s):
            pltpu.make_async_copy(
                table_hbm.at[phs.at[s]], bufs.at[s], gsem[s]
            ).wait()

        def out_slice(h, q):
            row0 = lax.add(lax.mul(h, B), col0 + CH * q)
            return out_hbm.at[pl.ds(row0, CH)]

        def wb_fire(h, q, s):
            pltpu.async_copy(bufs.at[s], out_slice(h, q), wsem[s])

        def wb_wait(h, q, s):
            pltpu.make_async_copy(bufs.at[s], out_slice(h, q), wsem[s]).wait()

        def step(h, q, first, last):
            s = q
            gather_wait(s)
            wb_fire(h, q, s)
            s2 = (q + 2) % 4
            if not first:
                if q < 2:
                    wb_wait(h - 1, q + 2, s2)
                else:
                    wb_wait(h, q - 2, s2)
            if not last:
                if q < 2:
                    fire_gather(h, q + 2, s2)
                else:
                    fire_gather(h + 1, q - 2, s2)

        fire_gather(0, 0, 0)
        fire_gather(0, 1, 1)
        step(0, 0, first=True, last=False)
        step(0, 1, first=True, last=False)
        step(0, 2, first=False, last=False)
        step(0, 3, first=False, last=False)

        def hbody(h, carry):
            for q in range(4):
                step(h, q, first=False, last=False)
            return carry

        lax.fori_loop(1, H - 1, hbody, 0)

        step(H - 1, 0, first=False, last=False)
        step(H - 1, 1, first=False, last=False)
        step(H - 1, 2, first=False, last=True)
        step(H - 1, 3, first=False, last=True)
        wb_wait(H - 1, 2, 2)
        wb_wait(H - 1, 3, 3)

    return body


def kernel(token_ids, embeddings):
    B, H = token_ids.shape
    V, D = embeddings.shape
    info = plsc.get_sparse_core_info()
    ids_t = token_ids.T.astype(jnp.int32)
    out = _make_kernel(B, H, V, D, info.num_cores, info.num_subcores)(
        ids_t, embeddings
    )
    return out.reshape(H, B, D).swapaxes(0, 1)

# --- scband reference (transcript-rebuilt; emitter-appended) ---
"""Pipeline reference for scband-embedding-60593398612502 (READ-ONLY COPY).

The authoritative reference and input builder live on the scoring server;
editing this copy changes nothing except your own understanding.
"""

import jax, jax.numpy as jnp
import numpy as np
import math

NUM_EMBEDDINGS = 1000000
EMBEDDING_DIM = 64
BATCH = 16384
HIST = 50

def setup_inputs(seed: int = 0) -> dict:
    key = jax.random.key(seed)
    k_idx, k_w = jax.random.split(key)
    token_ids = jax.random.randint(k_idx, (BATCH, HIST), 0, NUM_EMBEDDINGS, dtype=jnp.int64 if jax.config.jax_enable_x64 else jnp.int32)
    std = 2.0 / math.sqrt(NUM_EMBEDDINGS + EMBEDDING_DIM)
    # truncated normal in [-3*std, 3*std]
    embeddings = jax.random.truncated_normal(k_w, -3.0, 3.0, (NUM_EMBEDDINGS, EMBEDDING_DIM), dtype=jnp.float32) * std
    return {"token_ids": token_ids, "embeddings": embeddings}

def reference(token_ids, embeddings):
    # Faithful translation of Embedding.forward: self.embeddings[token_ids]
    return jnp.take(embeddings, token_ids, axis=0)

if __name__ == "__main__":
    import jax
    _d = setup_inputs()
    print(jax.jit(kernel)(*tuple(_d.values())))

</pallas_src>

<mosaic_0001>
#map = affine_map<(d0, d1) -> (0, 0)>
module attributes {stable_mosaic.version = 14 : i64} {
  func.func @body(%arg0: i32, %arg1: i32, %arg2: memref<50x16384xi32, #tpu.memory_space<hbm>>, %arg3: memref<1000000x64xf32, #tpu.memory_space<hbm>>, %arg4: memref<819200x64xf32, #tpu.memory_space<hbm>>, %arg5: memref<50x512xi32, #tpu.memory_space<vmem>>, %arg6: memref<4x128xi32, #tpu.memory_space<vmem>>, %arg7: memref<4x128x64xf32, #tpu.memory_space<vmem>>, %arg8: memref<!tpu.dma_semaphore, #tpu.memory_space<semaphore_mem>>, %arg9: memref<!tpu.dma_semaphore, #tpu.memory_space<semaphore_mem>>, %arg10: memref<!tpu.dma_semaphore, #tpu.memory_space<semaphore_mem>>, %arg11: memref<!tpu.dma_semaphore, #tpu.memory_space<semaphore_mem>>, %arg12: memref<!tpu.dma_semaphore, #tpu.memory_space<semaphore_mem>>, %arg13: memref<!tpu.dma_semaphore, #tpu.memory_space<semaphore_mem>>, %arg14: memref<!tpu.dma_semaphore, #tpu.memory_space<semaphore_mem>>, %arg15: memref<!tpu.dma_semaphore, #tpu.memory_space<semaphore_mem>>) attributes {dimension_semantics = [#tpu.dimension_semantics<core_parallel>, #tpu.dimension_semantics<subcore_parallel>], iteration_bounds = array<i64: 2, 16>, scalar_prefetch = 0 : i64, scratch_operands = 11 : i64, tpu.core_type = #tpu.core_type<sc_vector_subcore>, window_params = [{transform_indices = #map}, {transform_indices = #map}, {transform_indices = #map}]} {
    %mul3A = arith.constant 2 : i32
    %mul3A_0 = arith.muli %arg1, %mul3A : i32
    %add3A = arith.addi %mul3A_0, %arg0 : i32
    %mul3A_1 = arith.constant 512 : i32
    %mul3A_2 = arith.muli %add3A, %mul3A_1 : i32
    "tpu.region"() ({
      %run_scoped3A = tpu.sem_alloc : memref<!tpu.dma_semaphore, #tpu.memory_space<semaphore_mem>>
      %dma_start3A_1204 = arith.constant 0 : i32
      %dma_start3A_1205 = tpu.memref_slice %arg2[%dma_start3A_1204, %mul3A_2] : memref<50x16384xi32, #tpu.memory_space<hbm>> -> memref<50x512xi32, #tpu.memory_space<hbm>>
      %dma_start3A_1206 = arith.constant 0 : i32
      %dma_start3A_1207 = tpu.memref_slice %arg2[%dma_start3A_1206, %mul3A_2] : memref<50x16384xi32, #tpu.memory_space<hbm>> -> memref<50x512xi32, #tpu.memory_space<hbm>>
      tpu.enqueue_dma source(%dma_start3A_1207 : memref<50x512xi32, #tpu.memory_space<hbm>>) target(%arg5 : memref<50x512xi32, #tpu.memory_space<vmem>>) target_semaphore(%run_scoped3A : memref<!tpu.dma_semaphore, #tpu.memory_space<semaphore_mem>>)
      %dma_wait3A_1208 = arith.constant 0 : i32
      %dma_wait3A_1209 = tpu.memref_slice %arg2[%dma_wait3A_1208, %mul3A_2] : memref<50x16384xi32, #tpu.memory_space<hbm>> -> memref<50x512xi32, #tpu.memory_space<hbm>>
      %dma_wait3A_1210 = arith.constant 0 : i32
      %dma_wait3A_1211 = tpu.memref_slice %arg2[%dma_wait3A_1210, %mul3A_2] : memref<50x16384xi32, #tpu.memory_space<hbm>> -> memref<50x512xi32, #tpu.memory_space<hbm>>
      tpu.wait_dma2 semaphore(%run_scoped3A : memref<!tpu.dma_semaphore, #tpu.memory_space<semaphore_mem>>) src(%dma_wait3A_1211 : memref<50x512xi32, #tpu.memory_space<hbm>>) dst(%arg5 : memref<50x512xi32, #tpu.memory_space<vmem>>)
      tpu.yield
    }) : () -> ()
    %get3A = arith.constant 0 : i32
    %get3A_3 = arith.index_cast %get3A : i32 to index
    %get3A_4 = arith.constant 0 : index
    %get3A_5 = tpu.vector_load %arg5[%get3A_3, %get3A_4] {strides = array<i32>} : memref<50x512xi32, #tpu.memory_space<vmem>>, vector<1x16xi32>,
    %get3A_6 = vector.shape_cast %get3A_5 : vector<1x16xi32> to vector<16xi32>
    %swap3A = arith.constant 0 : i32
    %swap3A_7 = arith.index_cast %swap3A : i32 to index
    %swap3A_8 = arith.constant 0 : index
    %swap3A_9 = tpu.vector_load %arg6[%swap3A_7, %swap3A_8] {strides = array<i32>} : memref<4x128xi32, #tpu.memory_space<vmem>>, vector<1x16xi32>,
    %swap3A_10 = vector.shape_cast %swap3A_9 : vector<1x16xi32> to vector<16xi32>
    %swap3A_11 = vector.shape_cast %get3A_6 : vector<16xi32> to vector<1x16xi32>
    tpu.vector_store %arg6[%swap3A_7, %swap3A_8], %swap3A_11 {strides = array<i32>} : memref<4x128xi32, #tpu.memory_space<vmem>>, vector<1x16xi32>,
    %get3A_12 = arith.constant 0 : i32
    %get3A_13 = arith.index_cast %get3A_12 : i32 to index
    %get3A_14 = arith.constant 16 : index
    %get3A_15 = tpu.vector_load %arg5[%get3A_13, %get3A_14] {strides = array<i32>} : memref<50x512xi32, #tpu.memory_space<vmem>>, vector<1x16xi32>,
    %get3A_16 = vector.shape_cast %get3A_15 : vector<1x16xi32> to vector<16xi32>
    %swap3A_17 = arith.constant 0 : i32
    %swap3A_18 = arith.index_cast %swap3A_17 : i32 to index
    %swap3A_19 = arith.constant 16 : index
    %swap3A_20 = tpu.vector_load %arg6[%swap3A_18, %swap3A_19] {strides = array<i32>} : memref<4x128xi32, #tpu.memory_space<vmem>>, vector<1x16xi32>,
    %swap3A_21 = vector.shape_cast %swap3A_20 : vector<1x16xi32> to vector<16xi32>
    %swap3A_22 = vector.shape_cast %get3A_16 : vector<16xi32> to vector<1x16xi32>
    tpu.vector_store %arg6[%swap3A_18, %swap3A_19], %swap3A_22 {strides = array<i32>} : memref<4x128xi32, #tpu.memory_space<vmem>>, vector<1x16xi32>,
    %get3A_23 = arith.constant 0 : i32
    %get3A_24 = arith.index_cast %get3A_23 : i32 to index
    %get3A_25 = arith.constant 32 : index
    %get3A_26 = tpu.vector_load %arg5[%get3A_24, %get3A_25] {strides = array<i32>} : memref<50x512xi32, #tpu.memory_space<vmem>>, vector<1x16xi32>,
    %get3A_27 = vector.shape_cast %get3A_26 : vector<1x16xi32> to vector<16xi32>
    %swap3A_28 = arith.constant 0 : i32
    %swap3A_29 = arith.index_cast %swap3A_28 : i32 to index
    %swap3A_30 = arith.constant 32 : index
    %swap3A_31 = tpu.vector_load %arg6[%swap3A_29, %swap3A_30] {strides = array<i32>} : memref<4x128xi32, #tpu.memory_space<vmem>>, vector<1x16xi32>,
    %swap3A_32 = vector.shape_cast %swap3A_31 : vector<1x16xi32> to vector<16xi32>
    %swap3A_33 = vector.shape_cast %get3A_27 : vector<16xi32> to vector<1x16xi32>
    tpu.vector_store %arg6[%swap3A_29, %swap3A_30], %swap3A_33 {strides = array<i32>} : memref<4x128xi32, #tpu.memory_space<vmem>>, vector<1x16xi32>,
    %get3A_34 = arith.constant 0 : i32
    %get3A_35 = arith.index_cast %get3A_34 : i32 to index
    %get3A_36 = arith.constant 48 : index
    %get3A_37 = tpu.vector_load %arg5[%get3A_35, %get3A_36] {strides = array<i32>} : memref<50x512xi32, #tpu.memory_space<vmem>>, vector<1x16xi32>,
    %get3A_38 = vector.shape_cast %get3A_37 : vector<1x16xi32> to vector<16xi32>
    %swap3A_39 = arith.constant 0 : i32
    %swap3A_40 = arith.index_cast %swap3A_39 : i32 to index
    %swap3A_41 = arith.constant 48 : index
    %swap3A_42 = tpu.vector_load %arg6[%swap3A_40, %swap3A_41] {strides = array<i32>} : memref<4x128xi32, #tpu.memory_space<vmem>>, vector<1x16xi32>,
    %swap3A_43 = vector.shape_cast %swap3A_42 : vector<1x16xi32> to vector<16xi32>
    %swap3A_44 = vector.shape_cast %get3A_38 : vector<16xi32> to vector<1x16xi32>
    tpu.vector_store %arg6[%swap3A_40, %swap3A_41], %swap3A_44 {strides = array<i32>} : memref<4x128xi32, #tpu.memory_space<vmem>>, vector<1x16xi32>,
    %get3A_45 = arith.constant 0 : i32
    %get3A_46 = arith.index_cast %get3A_45 : i32 to index
    %get3A_47 = arith.constant 64 : index
    %get3A_48 = tpu.vector_load %arg5[%get3A_46, %get3A_47] {strides = array<i32>} : memref<50x512xi32, #tpu.memory_space<vmem>>, vector<1x16xi32>,
    %get3A_49 = vector.shape_cast %get3A_48 : vector<1x16xi32> to vector<16xi32>
    %swap3A_50 = arith.constant 0 : i32
    %swap3A_51 = arith.index_cast %swap3A_50 : i32 to index
    %swap3A_52 = arith.constant 64 : index
    %swap3A_53 = tpu.vector_load %arg6[%swap3A_51, %swap3A_52] {strides = array<i32>} : memref<4x128xi32, #tpu.memory_space<vmem>>, vector<1x16xi32>,
    %swap3A_54 = vector.shape_cast %swap3A_53 : vector<1x16xi32> to vector<16xi32>
    %swap3A_55 = vector.shape_cast %get3A_49 : vector<16xi32> to vector<1x16xi32>
    tpu.vector_store %arg6[%swap3A_51, %swap3A_52], %swap3A_55 {strides = array<i32>} : memref<4x128xi32, #tpu.memory_space<vmem>>, vector<1x16xi32>,
    %get3A_56 = arith.constant 0 : i32
    %get3A_57 = arith.index_cast %get3A_56 : i32 to index
    %get3A_58 = arith.constant 80 : index
    %get3A_59 = tpu.vector_load %arg5[%get3A_57, %get3A_58] {strides = array<i32>} : memref<50x512xi32, #tpu.memory_space<vmem>>, vector<1x16xi32>,
    %get3A_60 = vector.shape_cast %get3A_59 : vector<1x16xi32> to vector<16xi32>
    %swap3A_61 = arith.constant 0 : i32
    %swap3A_62 = arith.index_cast %swap3A_61 : i32 to index
    %swap3A_63 = arith.constant 80 : index
    %swap3A_64 = tpu.vector_load %arg6[%swap3A_62, %swap3A_63] {strides = array<i32>} : memref<4x128xi32, #tpu.memory_space<vmem>>, vector<1x16xi32>,
    %swap3A_65 = vector.shape_cast %swap3A_64 : vector<1x16xi32> to vector<16xi32>
    %swap3A_66 = vector.shape_cast %get3A_60 : vector<16xi32> to vector<1x16xi32>
    tpu.vector_store %arg6[%swap3A_62, %swap3A_63], %swap3A_66 {strides = array<i32>} : memref<4x128xi32, #tpu.memory_space<vmem>>, vector<1x16xi32>,
    %get3A_67 = arith.constant 0 : i32
    %get3A_68 = arith.index_cast %get3A_67 : i32 to index
    %get3A_69 = arith.constant 96 : index
    %get3A_70 = tpu.vector_load %arg5[%get3A_68, %get3A_69] {strides = array<i32>} : memref<50x512xi32, #tpu.memory_space<vmem>>, vector<1x16xi32>,
    %get3A_71 = vector.shape_cast %get3A_70 : vector<1x16xi32> to vector<16xi32>
    %swap3A_72 = arith.constant 0 : i32
    %swap3A_73 = arith.index_cast %swap3A_72 : i32 to index
    %swap3A_74 = arith.constant 96 : index
    %swap3A_75 = tpu.vector_load %arg6[%swap3A_73, %swap3A_74] {strides = array<i32>} : memref<4x128xi32, #tpu.memory_space<vmem>>, vector<1x16xi32>,
    %swap3A_76 = vector.shape_cast %swap3A_75 : vector<1x16xi32> to vector<16xi32>
    %swap3A_77 = vector.shape_cast %get3A_71 : vector<16xi32> to vector<1x16xi32>
    tpu.vector_store %arg6[%swap3A_73, %swap3A_74], %swap3A_77 {strides = array<i32>} : memref<4x128xi32, #tpu.memory_space<vmem>>, vector<1x16xi32>,
    %get3A_78 = arith.constant 0 : i32
    %get3A_79 = arith.index_cast %get3A_78 : i32 to index
    %get3A_80 = arith.constant 112 : index
    %get3A_81 = tpu.vector_load %arg5[%get3A_79, %get3A_80] {strides = array<i32>} : memref<50x512xi32, #tpu.memory_space<vmem>>, vector<1x16xi32>,
    %get3A_82 = vector.shape_cast %get3A_81 : vector<1x16xi32> to vector<16xi32>
    %swap3A_83 = arith.constant 0 : i32
    %swap3A_84 = arith.index_cast %swap3A_83 : i32 to index
    %swap3A_85 = arith.constant 112 : index
    %swap3A_86 = tpu.vector_load %arg6[%swap3A_84, %swap3A_85] {strides = array<i32>} : memref<4x128xi32, #tpu.memory_space<vmem>>, vector<1x16xi32>,
    %swap3A_87 = vector.shape_cast %swap3A_86 : vector<1x16xi32> to vector<16xi32>
    %swap3A_88 = vector.shape_cast %get3A_82 : vector<16xi32> to vector<1x16xi32>
    tpu.vector_store %arg6[%swap3A_84, %swap3A_85], %swap3A_88 {strides = array<i32>} : memref<4x128xi32, #tpu.memory_space<vmem>>, vector<1x16xi32>,
    %dma_start3A = arith.constant 0 : i32
    %dma_start3A_89 = arith.constant 0 : i32
    %dma_start3A_90 = arith.constant 0 : i32
    %dma_start3A_91 = arith.constant 0 : i32
    %dma_start3A_92 = tpu.memref_slice %arg7[%dma_start3A_89, %dma_start3A_90, %dma_start3A_91] : memref<4x128x64xf32, #tpu.memory_space<vmem>> -> memref<1x128x64xf32, #tpu.memory_space<vmem>>
    %dma_start3A_93 = tpu.memref_squeeze %dma_start3A_92 : memref<1x128x64xf32, #tpu.memory_space<vmem>> -> memref<128x64xf32, #tpu.memory_space<vmem>>
    %dma_start3A_94 = arith.constant 0 : i32
    %dma_start3A_95 = tpu.memref_slice %arg6[%dma_start3A, %dma_start3A_94] : memref<4x128xi32, #tpu.memory_space<vmem>> -> memref<1x128xi32, #tpu.memory_space<vmem>>
    %dma_start3A_96 = tpu.memref_squeeze %dma_start3A_95 : memref<1x128xi32, #tpu.memory_space<vmem>> -> memref<128xi32, #tpu.memory_space<vmem>>
    %dma_start3A_97 = arith.constant 0 : i32
    %dma_start3A_98 = arith.constant 0 : i32
    %dma_start3A_99 = tpu.memref_slice %arg3[%dma_start3A_97, %dma_start3A_98] : memref<1000000x64xf32, #tpu.memory_space<hbm>> -> memref<1000000x64xf32, #tpu.memory_space<hbm>>
    tpu.enqueue_indirect_dma source(%dma_start3A_99 : memref<1000000x64xf32, #tpu.memory_space<hbm>>) target(%dma_start3A_93 : memref<128x64xf32, #tpu.memory_space<vmem>>) offsets(%dma_start3A_96 : memref<128xi32, #tpu.memory_space<vmem>>) semaphore(%arg8 : memref<!tpu.dma_semaphore, #tpu.memory_space<semaphore_mem>>)
    %get3A_100 = arith.constant 0 : i32
    %get3A_101 = arith.index_cast %get3A_100 : i32 to index
    %get3A_102 = arith.constant 128 : index
    %get3A_103 = tpu.vector_load %arg5[%get3A_101, %get3A_102] {strides = array<i32>} : memref<50x512xi32, #tpu.memory_space<vmem>>, vector<1x16xi32>,
    %get3A_104 = vector.shape_cast %get3A_103 : vector<1x16xi32> to vector<16xi32>
    %swap3A_105 = arith.constant 1 : i32
    %swap3A_106 = arith.index_cast %swap3A_105 : i32 to index
    %swap3A_107 = arith.constant 0 : index
    %swap3A_108 = tpu.vector_load %arg6[%swap3A_106, %swap3A_107] {strides = array<i32>} : memref<4x128xi32, #tpu.memory_space<vmem>>, vector<1x16xi32>,
    %swap3A_109 = vector.shape_cast %swap3A_108 : vector<1x16xi32> to vector<16xi32>
    %swap3A_110 = vector.shape_cast %get3A_104 : vector<16xi32> to vector<1x16xi32>
    tpu.vector_store %arg6[%swap3A_106, %swap3A_107], %swap3A_110 {strides = array<i32>} : memref<4x128xi32, #tpu.memory_space<vmem>>, vector<1x16xi32>,
    %get3A_111 = arith.constant 0 : i32
    %get3A_112 = arith.index_cast %get3A_111 : i32 to index
    %get3A_113 = arith.constant 144 : index
    %get3A_114 = tpu.vector_load %arg5[%get3A_112, %get3A_113] {strides = array<i32>} : memref<50x512xi32, #tpu.memory_space<vmem>>, vector<1x16xi32>,
    %get3A_115 = vector.shape_cast %get3A_114 : vector<1x16xi32> to vector<16xi32>
    %swap3A_116 = arith.constant 1 : i32
    %swap3A_117 = arith.index_cast %swap3A_116 : i32 to index
    %swap3A_118 = arith.constant 16 : index
    %swap3A_119 = tpu.vector_load %arg6[%swap3A_117, %swap3A_118] {strides = array<i32>} : memref<4x128xi32, #tpu.memory_space<vmem>>, vector<1x16xi32>,
    %swap3A_120 = vector.shape_cast %swap3A_119 : vector<1x16xi32> to vector<16xi32>
    %swap3A_121 = vector.shape_cast %get3A_115 : vector<16xi32> to vector<1x16xi32>
    tpu.vector_store %arg6[%swap3A_117, %swap3A_118], %swap3A_121 {strides = array<i32>} : memref<4x128xi32, #tpu.memory_space<vmem>>, vector<1x16xi32>,
    %get3A_122 = arith.constant 0 : i32
    %get3A_123 = arith.index_cast %get3A_122 : i32 to index
    %get3A_124 = arith.constant 160 : index
    %get3A_125 = tpu.vector_load %arg5[%get3A_123, %get3A_124] {strides = array<i32>} : memref<50x512xi32, #tpu.memory_space<vmem>>, vector<1x16xi32>,
    %get3A_126 = vector.shape_cast %get3A_125 : vector<1x16xi32> to vector<16xi32>
    %swap3A_127 = arith.constant 1 : i32
    %swap3A_128 = arith.index_cast %swap3A_127 : i32 to index
    %swap3A_129 = arith.constant 32 : index
    %swap3A_130 = tpu.vector_load %arg6[%swap3A_128, %swap3A_129] {strides = array<i32>} : memref<4x128xi32, #tpu.memory_space<vmem>>, vector<1x16xi32>,
    %swap3A_131 = vector.shape_cast %swap3A_130 : vector<1x16xi32> to vector<16xi32>
    %swap3A_132 = vector.shape_cast %get3A_126 : vector<16xi32> to vector<1x16xi32>
    tpu.vector_store %arg6[%swap3A_128, %swap3A_129], %swap3A_132 {strides = array<i32>} : memref<4x128xi32, #tpu.memory_space<vmem>>, vector<1x16xi32>,
    %get3A_133 = arith.constant 0 : i32
    %get3A_134 = arith.index_cast %get3A_133 : i32 to index
    %get3A_135 = arith.constant 176 : index
    %get3A_136 = tpu.vector_load %arg5[%get3A_134, %get3A_135] {strides = array<i32>} : memref<50x512xi32, #tpu.memory_space<vmem>>, vector<1x16xi32>,
    %get3A_137 = vector.shape_cast %get3A_136 : vector<1x16xi32> to vector<16xi32>
    %swap3A_138 = arith.constant 1 : i32
    %swap3A_139 = arith.index_cast %swap3A_138 : i32 to index
    %swap3A_140 = arith.constant 48 : index
    %swap3A_141 = tpu.vector_load %arg6[%swap3A_139, %swap3A_140] {strides = array<i32>} : memref<4x128xi32, #tpu.memory_space<vmem>>, vector<1x16xi32>,
    %swap3A_142 = vector.shape_cast %swap3A_141 : vector<1x16xi32> to vector<16xi32>
    %swap3A_143 = vector.shape_cast %get3A_137 : vector<16xi32> to vector<1x16xi32>
    tpu.vector_store %arg6[%swap3A_139, %swap3A_140], %swap3A_143 {strides = array<i32>} : memref<4x128xi32, #tpu.memory_space<vmem>>, vector<1x16xi32>,
    %get3A_144 = arith.constant 0 : i32
    %get3A_145 = arith.index_cast %get3A_144 : i32 to index
    %get3A_146 = arith.constant 192 : index
    %get3A_147 = tpu.vector_load %arg5[%get3A_145, %get3A_146] {strides = array<i32>} : memref<50x512xi32, #tpu.memory_space<vmem>>, vector<1x16xi32>,
    %get3A_148 = vector.shape_cast %get3A_147 : vector<1x16xi32> to vector<16xi32>
    %swap3A_149 = arith.constant 1 : i32
    %swap3A_150 = arith.index_cast %swap3A_149 : i32 to index
    %swap3A_151 = arith.constant 64 : index
    %swap3A_152 = tpu.vector_load %arg6[%swap3A_150, %swap3A_151] {strides = array<i32>} : memref<4x128xi32, #tpu.memory_space<vmem>>, vector<1x16xi32>,
    %swap3A_153 = vector.shape_cast %swap3A_152 : vector<1x16xi32> to vector<16xi32>
    %swap3A_154 = vector.shape_cast %get3A_148 : vector<16xi32> to vector<1x16xi32>
    tpu.vector_store %arg6[%swap3A_150, %swap3A_151], %swap3A_154 {strides = array<i32>} : memref<4x128xi32, #tpu.memory_space<vmem>>, vector<1x16xi32>,
    %get3A_155 = arith.constant 0 : i32
    %get3A_156 = arith.index_cast %get3A_155 : i32 to index
    %get3A_157 = arith.constant 208 : index
    %get3A_158 = tpu.vector_load %arg5[%get3A_156, %get3A_157] {strides = array<i32>} : memref<50x512xi32, #tpu.memory_space<vmem>>, vector<1x16xi32>,
    %get3A_159 = vector.shape_cast %get3A_158 : vector<1x16xi32> to vector<16xi32>
    %swap3A_160 = arith.constant 1 : i32
    %swap3A_161 = arith.index_cast %swap3A_160 : i32 to index
    %swap3A_162 = arith.constant 80 : index
    %swap3A_163 = tpu.vector_load %arg6[%swap3A_161, %swap3A_162] {strides = array<i32>} : memref<4x128xi32, #tpu.memory_space<vmem>>, vector<1x16xi32>,
    %swap3A_164 = vector.shape_cast %swap3A_163 : vector<1x16xi32> to vector<16xi32>
    %swap3A_165 = vector.shape_cast %get3A_159 : vector<16xi32> to vector<1x16xi32>
    tpu.vector_store %arg6[%swap3A_161, %swap3A_162], %swap3A_165 {strides = array<i32>} : memref<4x128xi32, #tpu.memory_space<vmem>>, vector<1x16xi32>,
    %get3A_166 = arith.constant 0 : i32
    %get3A_167 = arith.index_cast %get3A_166 : i32 to index
    %get3A_168 = arith.constant 224 : index
    %get3A_169 = tpu.vector_load %arg5[%get3A_167, %get3A_168] {strides = array<i32>} : memref<50x512xi32, #tpu.memory_space<vmem>>, vector<1x16xi32>,
    %get3A_170 = vector.shape_cast %get3A_169 : vector<1x16xi32> to vector<16xi32>
    %swap3A_171 = arith.constant 1 : i32
    %swap3A_172 = arith.index_cast %swap3A_171 : i32 to index
    %swap3A_173 = arith.constant 96 : index
    %swap3A_174 = tpu.vector_load %arg6[%swap3A_172, %swap3A_173] {strides = array<i32>} : memref<4x128xi32, #tpu.memory_space<vmem>>, vector<1x16xi32>,
    %swap3A_175 = vector.shape_cast %swap3A_174 : vector<1x16xi32> to vector<16xi32>
    %swap3A_176 = vector.shape_cast %get3A_170 : vector<16xi32> to vector<1x16xi32>
    tpu.vector_store %arg6[%swap3A_172, %swap3A_173], %swap3A_176 {strides = array<i32>} : memref<4x128xi32, #tpu.memory_space<vmem>>, vector<1x16xi32>,
    %get3A_177 = arith.constant 0 : i32
    %get3A_178 = arith.index_cast %get3A_177 : i32 to index
    %get3A_179 = arith.constant 240 : index
    %get3A_180 = tpu.vector_load %arg5[%get3A_178, %get3A_179] {strides = array<i32>} : memref<50x512xi32, #tpu.memory_space<vmem>>, vector<1x16xi32>,
    %get3A_181 = vector.shape_cast %get3A_180 : vector<1x16xi32> to vector<16xi32>
    %swap3A_182 = arith.constant 1 : i32
    %swap3A_183 = arith.index_cast %swap3A_182 : i32 to index
    %swap3A_184 = arith.constant 112 : index
    %swap3A_185 = tpu.vector_load %arg6[%swap3A_183, %swap3A_184] {strides = array<i32>} : memref<4x128xi32, #tpu.memory_space<vmem>>, vector<1x16xi32>,
    %swap3A_186 = vector.shape_cast %swap3A_185 : vector<1x16xi32> to vector<16xi32>
    %swap3A_187 = vector.shape_cast %get3A_181 : vector<16xi32> to vector<1x16xi32>
    tpu.vector_store %arg6[%swap3A_183, %swap3A_184], %swap3A_187 {strides = array<i32>} : memref<4x128xi32, #tpu.memory_space<vmem>>, vector<1x16xi32>,
    %dma_start3A_188 = arith.constant 1 : i32
    %dma_start3A_189 = arith.constant 1 : i32
    %dma_start3A_190 = arith.constant 0 : i32
    %dma_start3A_191 = arith.constant 0 : i32
    %dma_start3A_192 = tpu.memref_slice %arg7[%dma_start3A_189, %dma_start3A_190, %dma_start3A_191] : memref<4x128x64xf32, #tpu.memory_space<vmem>> -> memref<1x128x64xf32, #tpu.memory_space<vmem>>
    %dma_start3A_193 = tpu.memref_squeeze %dma_start3A_192 : memref<1x128x64xf32, #tpu.memory_space<vmem>> -> memref<128x64xf32, #tpu.memory_space<vmem>>
    %dma_start3A_194 = arith.constant 0 : i32
    %dma_start3A_195 = tpu.memref_slice %arg6[%dma_start3A_188, %dma_start3A_194] : memref<4x128xi32, #tpu.memory_space<vmem>> -> memref<1x128xi32, #tpu.memory_space<vmem>>
    %dma_start3A_196 = tpu.memref_squeeze %dma_start3A_195 : memref<1x128xi32, #tpu.memory_space<vmem>> -> memref<128xi32, #tpu.memory_space<vmem>>
    %dma_start3A_197 = arith.constant 0 : i32
    %dma_start3A_198 = arith.constant 0 : i32
    %dma_start3A_199 = tpu.memref_slice %arg3[%dma_start3A_197, %dma_start3A_198] : memref<1000000x64xf32, #tpu.memory_space<hbm>> -> memref<1000000x64xf32, #tpu.memory_space<hbm>>
    tpu.enqueue_indirect_dma source(%dma_start3A_199 : memref<1000000x64xf32, #tpu.memory_space<hbm>>) target(%dma_start3A_193 : memref<128x64xf32, #tpu.memory_space<vmem>>) offsets(%dma_start3A_196 : memref<128xi32, #tpu.memory_space<vmem>>) semaphore(%arg9 : memref<!tpu.dma_semaphore, #tpu.memory_space<semaphore_mem>>)
    %dma_wait3A = arith.constant 0 : i32
    %dma_wait3A_200 = arith.constant 0 : i32
    %dma_wait3A_201 = arith.constant 0 : i32
    %dma_wait3A_202 = arith.constant 0 : i32
    %dma_wait3A_203 = tpu.memref_slice %arg7[%dma_wait3A_200, %dma_wait3A_201, %dma_wait3A_202] : memref<4x128x64xf32, #tpu.memory_space<vmem>> -> memref<1x128x64xf32, #tpu.memory_space<vmem>>
    %dma_wait3A_204 = tpu.memref_squeeze %dma_wait3A_203 : memref<1x128x64xf32, #tpu.memory_space<vmem>> -> memref<128x64xf32, #tpu.memory_space<vmem>>
    %dma_wait3A_205 = arith.constant 0 : i32
    %dma_wait3A_206 = tpu.memref_slice %arg6[%dma_wait3A, %dma_wait3A_205] : memref<4x128xi32, #tpu.memory_space<vmem>> -> memref<1x128xi32, #tpu.memory_space<vmem>>
    %dma_wait3A_207 = tpu.memref_squeeze %dma_wait3A_206 : memref<1x128xi32, #tpu.memory_space<vmem>> -> memref<128xi32, #tpu.memory_space<vmem>>
    %dma_wait3A_208 = arith.constant 0 : i32
    %dma_wait3A_209 = arith.constant 0 : i32
    %dma_wait3A_210 = tpu.memref_slice %arg3[%dma_wait3A_208, %dma_wait3A_209] : memref<1000000x64xf32, #tpu.memory_space<hbm>> -> memref<1000000x64xf32, #tpu.memory_space<hbm>>
    tpu.wait_indirect_dma semaphore(%arg8 : memref<!tpu.dma_semaphore, #tpu.memory_space<semaphore_mem>>) src(%dma_wait3A_210 : memref<1000000x64xf32, #tpu.memory_space<hbm>>) dst(%dma_wait3A_204 : memref<128x64xf32, #tpu.memory_space<vmem>>)
    %mul3A_211 = arith.constant 0 : i32
    %mul3A_212 = arith.constant 16384 : i32
    %mul3A_213 = arith.muli %mul3A_211, %mul3A_212 : i32
    %add3A_214 = arith.constant 0 : i32
    %add3A_215 = arith.addi %mul3A_2, %add3A_214 : i32
    %add3A_216 = arith.addi %mul3A_213, %add3A_215 : i32
    %dma_start3A_217 = arith.constant 0 : i32
    %dma_start3A_218 = arith.constant 0 : i32
    %dma_start3A_219 = arith.constant 0 : i32
    %dma_start3A_220 = tpu.memref_slice %arg7[%dma_start3A_217, %dma_start3A_218, %dma_start3A_219] : memref<4x128x64xf32, #tpu.memory_space<vmem>> -> memref<1x128x64xf32, #tpu.memory_space<vmem>>
    %dma_start3A_221 = tpu.memref_squeeze %dma_start3A_220 : memref<1x128x64xf32, #tpu.memory_space<vmem>> -> memref<128x64xf32, #tpu.memory_space<vmem>>
    %dma_start3A_222 = arith.constant 0 : i32
    %dma_start3A_223 = tpu.memref_slice %arg4[%add3A_216, %dma_start3A_222] : memref<819200x64xf32, #tpu.memory_space<hbm>> -> memref<128x64xf32, #tpu.memory_space<hbm>>
    %dma_start3A_224 = arith.constant 0 : i32
    %dma_start3A_225 = tpu.memref_slice %arg4[%add3A_216, %dma_start3A_224] : memref<819200x64xf32, #tpu.memory_space<hbm>> -> memref<128x64xf32, #tpu.memory_space<hbm>>
    %dma_start3A_226 = arith.constant 0 : i32
    %dma_start3A_227 = arith.constant 0 : i32
    %dma_start3A_228 = tpu.memref_slice %arg7[%dma_start3A_217, %dma_start3A_226, %dma_start3A_227] : memref<4x128x64xf32, #tpu.memory_space<vmem>> -> memref<1x128x64xf32, #tpu.memory_space<vmem>>
    %dma_start3A_229 = tpu.memref_squeeze %dma_start3A_228 : memref<1x128x64xf32, #tpu.memory_space<vmem>> -> memref<128x64xf32, #tpu.memory_space<vmem>>
    tpu.enqueue_dma source(%dma_start3A_229 : memref<128x64xf32, #tpu.memory_space<vmem>>) target(%dma_start3A_225 : memref<128x64xf32, #tpu.memory_space<hbm>>) target_semaphore(%arg12 : memref<!tpu.dma_semaphore, #tpu.memory_space<semaphore_mem>>)
    %get3A_230 = arith.constant 0 : i32
    %get3A_231 = arith.index_cast %get3A_230 : i32 to index
    %get3A_232 = arith.constant 256 : index
    %get3A_233 = tpu.vector_load %arg5[%get3A_231, %get3A_232] {strides = array<i32>} : memref<50x512xi32, #tpu.memory_space<vmem>>, vector<1x16xi32>,
    %get3A_234 = vector.shape_cast %get3A_233 : vector<1x16xi32> to vector<16xi32>
    %swap3A_235 = arith.constant 2 : i32
    %swap3A_236 = arith.index_cast %swap3A_235 : i32 to index
    %swap3A_237 = arith.constant 0 : index
    %swap3A_238 = tpu.vector_load %arg6[%swap3A_236, %swap3A_237] {strides = array<i32>} : memref<4x128xi32, #tpu.memory_space<vmem>>, vector<1x16xi32>,
    %swap3A_239 = vector.shape_cast %swap3A_238 : vector<1x16xi32> to vector<16xi32>
    %swap3A_240 = vector.shape_cast %get3A_234 : vector<16xi32> to vector<1x16xi32>
    tpu.vector_store %arg6[%swap3A_236, %swap3A_237], %swap3A_240 {strides = array<i32>} : memref<4x128xi32, #tpu.memory_space<vmem>>, vector<1x16xi32>,
    %get3A_241 = arith.constant 0 : i32
    %get3A_242 = arith.index_cast %get3A_241 : i32 to index
    %get3A_243 = arith.constant 272 : index
    %get3A_244 = tpu.vector_load %arg5[%get3A_242, %get3A_243] {strides = array<i32>} : memref<50x512xi32, #tpu.memory_space<vmem>>, vector<1x16xi32>,
    %get3A_245 = vector.shape_cast %get3A_244 : vector<1x16xi32> to vector<16xi32>
    %swap3A_246 = arith.constant 2 : i32
    %swap3A_247 = arith.index_cast %swap3A_246 : i32 to index
    %swap3A_248 = arith.constant 16 : index
    %swap3A_249 = tpu.vector_load %arg6[%swap3A_247, %swap3A_248] {strides = array<i32>} : memref<4x128xi32, #tpu.memory_space<vmem>>, vector<1x16xi32>,
    %swap3A_250 = vector.shape_cast %swap3A_249 : vector<1x16xi32> to vector<16xi32>
    %swap3A_251 = vector.shape_cast %get3A_245 : vector<16xi32> to vector<1x16xi32>
    tpu.vector_store %arg6[%swap3A_247, %swap3A_248], %swap3A_251 {strides = array<i32>} : memref<4x128xi32, #tpu.memory_space<vmem>>, vector<1x16xi32>,
    %get3A_252 = arith.constant 0 : i32
    %get3A_253 = arith.index_cast %get3A_252 : i32 to index
    %get3A_254 = arith.constant 288 : index
    %get3A_255 = tpu.vector_load %arg5[%get3A_253, %get3A_254] {strides = array<i32>} : memref<50x512xi32, #tpu.memory_space<vmem>>, vector<1x16xi32>,
    %get3A_256 = vector.shape_cast %get3A_255 : vector<1x16xi32> to vector<16xi32>
    %swap3A_257 = arith.constant 2 : i32
    %swap3A_258 = arith.index_cast %swap3A_257 : i32 to index
    %swap3A_259 = arith.constant 32 : index
    %swap3A_260 = tpu.vector_load %arg6[%swap3A_258, %swap3A_259] {strides = array<i32>} : memref<4x128xi32, #tpu.memory_space<vmem>>, vector<1x16xi32>,
    %swap3A_261 = vector.shape_cast %swap3A_260 : vector<1x16xi32> to vector<16xi32>
    %swap3A_262 = vector.shape_cast %get3A_256 : vector<16xi32> to vector<1x16xi32>
    tpu.vector_store %arg6[%swap3A_258, %swap3A_259], %swap3A_262 {strides = array<i32>} : memref<4x128xi32, #tpu.memory_space<vmem>>, vector<1x16xi32>,
    %get3A_263 = arith.constant 0 : i32
    %get3A_264 = arith.index_cast %get3A_263 : i32 to index
    %get3A_265 = arith.constant 304 : index
    %get3A_266 = tpu.vector_load %arg5[%get3A_264, %get3A_265] {strides = array<i32>} : memref<50x512xi32, #tpu.memory_space<vmem>>, vector<1x16xi32>,
    %get3A_267 = vector.shape_cast %get3A_266 : vector<1x16xi32> to vector<16xi32>
    %swap3A_268 = arith.constant 2 : i32
    %swap3A_269 = arith.index_cast %swap3A_268 : i32 to index
    %swap3A_270 = arith.constant 48 : index
    %swap3A_271 = tpu.vector_load %arg6[%swap3A_269, %swap3A_270] {strides = array<i32>} : memref<4x128xi32, #tpu.memory_space<vmem>>, vector<1x16xi32>,
    %swap3A_272 = vector.shape_cast %swap3A_271 : vector<1x16xi32> to vector<16xi32>
    %swap3A_273 = vector.shape_cast %get3A_267 : vector<16xi32> to vector<1x16xi32>
    tpu.vector_store %arg6[%swap3A_269, %swap3A_270], %swap3A_273 {strides = array<i32>} : memref<4x128xi32, #tpu.memory_space<vmem>>, vector<1x16xi32>,
    %get3A_274 = arith.constant 0 : i32
    %get3A_275 = arith.index_cast %get3A_274 : i32 to index
    %get3A_276 = arith.constant 320 : index
    %get3A_277 = tpu.vector_load %arg5[%get3A_275, %get3A_276] {strides = array<i32>} : memref<50x512xi32, #tpu.memory_space<vmem>>, vector<1x16xi32>,
    %get3A_278 = vector.shape_cast %get3A_277 : vector<1x16xi32> to vector<16xi32>
    %swap3A_279 = arith.constant 2 : i32
    %swap3A_280 = arith.index_cast %swap3A_279 : i32 to index
    %swap3A_281 = arith.constant 64 : index
    %swap3A_282 = tpu.vector_load %arg6[%swap3A_280, %swap3A_281] {strides = array<i32>} : memref<4x128xi32, #tpu.memory_space<vmem>>, vector<1x16xi32>,
    %swap3A_283 = vector.shape_cast %swap3A_282 : vector<1x16xi32> to vector<16xi32>
    %swap3A_284 = vector.shape_cast %get3A_278 : vector<16xi32> to vector<1x16xi32>
    tpu.vector_store %arg6[%swap3A_280, %swap3A_281], %swap3A_284 {strides = array<i32>} : memref<4x128xi32, #tpu.memory_space<vmem>>, vector<1x16xi32>,
    %get3A_285 = arith.constant 0 : i32
    %get3A_286 = arith.index_cast %get3A_285 : i32 to index
    %get3A_287 = arith.constant 336 : index
    %get3A_288 = tpu.vector_load %arg5[%get3A_286, %get3A_287] {strides = array<i32>} : memref<50x512xi32, #tpu.memory_space<vmem>>, vector<1x16xi32>,
    %get3A_289 = vector.shape_cast %get3A_288 : vector<1x16xi32> to vector<16xi32>
    %swap3A_290 = arith.constant 2 : i32
    %swap3A_291 = arith.index_cast %swap3A_290 : i32 to index
    %swap3A_292 = arith.constant 80 : index
    %swap3A_293 = tpu.vector_load %arg6[%swap3A_291, %swap3A_292] {strides = array<i32>} : memref<4x128xi32, #tpu.memory_space<vmem>>, vector<1x16xi32>,
    %swap3A_294 = vector.shape_cast %swap3A_293 : vector<1x16xi32> to vector<16xi32>
    %swap3A_295 = vector.shape_cast %get3A_289 : vector<16xi32> to vector<1x16xi32>
    tpu.vector_store %arg6[%swap3A_291, %swap3A_292], %swap3A_295 {strides = array<i32>} : memref<4x128xi32, #tpu.memory_space<vmem>>, vector<1x16xi32>,
    %get3A_296 = arith.constant 0 : i32
    %get3A_297 = arith.index_cast %get3A_296 : i32 to index
    %get3A_298 = arith.constant 352 : index
    %get3A_299 = tpu.vector_load %arg5[%get3A_297, %get3A_298] {strides = array<i32>} : memref<50x512xi32, #tpu.memory_space<vmem>>, vector<1x16xi32>,
    %get3A_300 = vector.shape_cast %get3A_299 : vector<1x16xi32> to vector<16xi32>
    %swap3A_301 = arith.constant 2 : i32
    %swap3A_302 = arith.index_cast %swap3A_301 : i32 to index
    %swap3A_303 = arith.constant 96 : index
    %swap3A_304 = tpu.vector_load %arg6[%swap3A_302, %swap3A_303] {strides = array<i32>} : memref<4x128xi32, #tpu.memory_space<vmem>>, vector<1x16xi32>,
    %swap3A_305 = vector.shape_cast %swap3A_304 : vector<1x16xi32> to vector<16xi32>
    %swap3A_306 = vector.shape_cast %get3A_300 : vector<16xi32> to vector<1x16xi32>
    tpu.vector_store %arg6[%swap3A_302, %swap3A_303], %swap3A_306 {strides = array<i32>} : memref<4x128xi32, #tpu.memory_space<vmem>>, vector<1x16xi32>,
    %get3A_307 = arith.constant 0 : i32
    %get3A_308 = arith.index_cast %get3A_307 : i32 to index
    %get3A_309 = arith.constant 368 : index
    %get3A_310 = tpu.vector_load %arg5[%get3A_308, %get3A_309] {strides = array<i32>} : memref<50x512xi32, #tpu.memory_space<vmem>>, vector<1x16xi32>,
    %get3A_311 = vector.shape_cast %get3A_310 : vector<1x16xi32> to vector<16xi32>
    %swap3A_312 = arith.constant 2 : i32
    %swap3A_313 = arith.index_cast %swap3A_312 : i32 to index
    %swap3A_314 = arith.constant 112 : index
    %swap3A_315 = tpu.vector_load %arg6[%swap3A_313, %swap3A_314] {strides = array<i32>} : memref<4x128xi32, #tpu.memory_space<vmem>>, vector<1x16xi32>,
    %swap3A_316 = vector.shape_cast %swap3A_315 : vector<1x16xi32> to vector<16xi32>
    %swap3A_317 = vector.shape_cast %get3A_311 : vector<16xi32> to vector<1x16xi32>
    tpu.vector_store %arg6[%swap3A_313, %swap3A_314], %swap3A_317 {strides = array<i32>} : memref<4x128xi32, #tpu.memory_space<vmem>>, vector<1x16xi32>,
    %dma_start3A_318 = arith.constant 2 : i32
    %dma_start3A_319 = arith.constant 2 : i32
    %dma_start3A_320 = arith.constant 0 : i32
    %dma_start3A_321 = arith.constant 0 : i32
    %dma_start3A_322 = tpu.memref_slice %arg7[%dma_start3A_319, %dma_start3A_320, %dma_start3A_321] : memref<4x128x64xf32, #tpu.memory_space<vmem>> -> memref<1x128x64xf32, #tpu.memory_space<vmem>>
    %dma_start3A_323 = tpu.memref_squeeze %dma_start3A_322 : memref<1x128x64xf32, #tpu.memory_space<vmem>> -> memref<128x64xf32, #tpu.memory_space<vmem>>
    %dma_start3A_324 = arith.constant 0 : i32
    %dma_start3A_325 = tpu.memref_slice %arg6[%dma_start3A_318, %dma_start3A_324] : memref<4x128xi32, #tpu.memory_space<vmem>> -> memref<1x128xi32, #tpu.memory_space<vmem>>
    %dma_start3A_326 = tpu.memref_squeeze %dma_start3A_325 : memref<1x128xi32, #tpu.memory_space<vmem>> -> memref<128xi32, #tpu.memory_space<vmem>>
    %dma_start3A_327 = arith.constant 0 : i32
    %dma_start3A_328 = arith.constant 0 : i32
    %dma_start3A_329 = tpu.memref_slice %arg3[%dma_start3A_327, %dma_start3A_328] : memref<1000000x64xf32, #tpu.memory_space<hbm>> -> memref<1000000x64xf32, #tpu.memory_space<hbm>>
    tpu.enqueue_indirect_dma source(%dma_start3A_329 : memref<1000000x64xf32, #tpu.memory_space<hbm>>) target(%dma_start3A_323 : memref<128x64xf32, #tpu.memory_space<vmem>>) offsets(%dma_start3A_326 : memref<128xi32, #tpu.memory_space<vmem>>) semaphore(%arg10 : memref<!tpu.dma_semaphore, #tpu.memory_space<semaphore_mem>>)
    %dma_wait3A_330 = arith.constant 1 : i32
    %dma_wait3A_331 = arith.constant 1 : i32
    %dma_wait3A_332 = arith.constant 0 : i32
    %dma_wait3A_333 = arith.constant 0 : i32
    %dma_wait3A_334 = tpu.memref_slice %arg7[%dma_wait3A_331, %dma_wait3A_332, %dma_wait3A_333] : memref<4x128x64xf32, #tpu.memory_space<vmem>> -> memref<1x128x64xf32, #tpu.memory_space<vmem>>
    %dma_wait3A_335 = tpu.memref_squeeze %dma_wait3A_334 : memref<1x128x64xf32, #tpu.memory_space<vmem>> -> memref<128x64xf32, #tpu.memory_space<vmem>>
    %dma_wait3A_336 = arith.constant 0 : i32
    %dma_wait3A_337 = tpu.memref_slice %arg6[%dma_wait3A_330, %dma_wait3A_336] : memref<4x128xi32, #tpu.memory_space<vmem>> -> memref<1x128xi32, #tpu.memory_space<vmem>>
    %dma_wait3A_338 = tpu.memref_squeeze %dma_wait3A_337 : memref<1x128xi32, #tpu.memory_space<vmem>> -> memref<128xi32, #tpu.memory_space<vmem>>
    %dma_wait3A_339 = arith.constant 0 : i32
    %dma_wait3A_340 = arith.constant 0 : i32
    %dma_wait3A_341 = tpu.memref_slice %arg3[%dma_wait3A_339, %dma_wait3A_340] : memref<1000000x64xf32, #tpu.memory_space<hbm>> -> memref<1000000x64xf32, #tpu.memory_space<hbm>>
    tpu.wait_indirect_dma semaphore(%arg9 : memref<!tpu.dma_semaphore, #tpu.memory_space<semaphore_mem>>) src(%dma_wait3A_341 : memref<1000000x64xf32, #tpu.memory_space<hbm>>) dst(%dma_wait3A_335 : memref<128x64xf32, #tpu.memory_space<vmem>>)
    %mul3A_342 = arith.constant 0 : i32
    %mul3A_343 = arith.constant 16384 : i32
    %mul3A_344 = arith.muli %mul3A_342, %mul3A_343 : i32
    %add3A_345 = arith.constant 128 : i32
    %add3A_346 = arith.addi %mul3A_2, %add3A_345 : i32
    %add3A_347 = arith.addi %mul3A_344, %add3A_346 : i32
    %dma_start3A_348 = arith.constant 1 : i32
    %dma_start3A_349 = arith.constant 0 : i32
    %dma_start3A_350 = arith.constant 0 : i32
    %dma_start3A_351 = tpu.memref_slice %arg7[%dma_start3A_348, %dma_start3A_349, %dma_start3A_350] : memref<4x128x64xf32, #tpu.memory_space<vmem>> -> memref<1x128x64xf32, #tpu.memory_space<vmem>>
    %dma_start3A_352 = tpu.memref_squeeze %dma_start3A_351 : memref<1x128x64xf32, #tpu.memory_space<vmem>> -> memref<128x64xf32, #tpu.memory_space<vmem>>
    %dma_start3A_353 = arith.constant 0 : i32
    %dma_start3A_354 = tpu.memref_slice %arg4[%add3A_347, %dma_start3A_353] : memref<819200x64xf32, #tpu.memory_space<hbm>> -> memref<128x64xf32, #tpu.memory_space<hbm>>
    %dma_start3A_355 = arith.constant 0 : i32
    %dma_start3A_356 = tpu.memref_slice %arg4[%add3A_347, %dma_start3A_355] : memref<819200x64xf32, #tpu.memory_space<hbm>> -> memref<128x64xf32, #tpu.memory_space<hbm>>
    %dma_start3A_357 = arith.constant 0 : i32
    %dma_start3A_358 = arith.constant 0 : i32
    %dma_start3A_359 = tpu.memref_slice %arg7[%dma_start3A_348, %dma_start3A_357, %dma_start3A_358] : memref<4x128x64xf32, #tpu.memory_space<vmem>> -> memref<1x128x64xf32, #tpu.memory_space<vmem>>
    %dma_start3A_360 = tpu.memref_squeeze %dma_start3A_359 : memref<1x128x64xf32, #tpu.memory_space<vmem>> -> memref<128x64xf32, #tpu.memory_space<vmem>>
    tpu.enqueue_dma source(%dma_start3A_360 : memref<128x64xf32, #tpu.memory_space<vmem>>) target(%dma_start3A_356 : memref<128x64xf32, #tpu.memory_space<hbm>>) target_semaphore(%arg13 : memref<!tpu.dma_semaphore, #tpu.memory_space<semaphore_mem>>)
    %get3A_361 = arith.constant 0 : i32
    %get3A_362 = arith.index_cast %get3A_361 : i32 to index
    %get3A_363 = arith.constant 384 : index
    %get3A_364 = tpu.vector_load %arg5[%get3A_362, %get3A_363] {strides = array<i32>} : memref<50x512xi32, #tpu.memory_space<vmem>>, vector<1x16xi32>,
    %get3A_365 = vector.shape_cast %get3A_364 : vector<1x16xi32> to vector<16xi32>
    %swap3A_366 = arith.constant 3 : i32
    %swap3A_367 = arith.index_cast %swap3A_366 : i32 to index
    %swap3A_368 = arith.constant 0 : index
    %swap3A_369 = tpu.vector_load %arg6[%swap3A_367, %swap3A_368] {strides = array<i32>} : memref<4x128xi32, #tpu.memory_space<vmem>>, vector<1x16xi32>,
    %swap3A_370 = vector.shape_cast %swap3A_369 : vector<1x16xi32> to vector<16xi32>
    %swap3A_371 = vector.shape_cast %get3A_365 : vector<16xi32> to vector<1x16xi32>
    tpu.vector_store %arg6[%swap3A_367, %swap3A_368], %swap3A_371 {strides = array<i32>} : memref<4x128xi32, #tpu.memory_space<vmem>>, vector<1x16xi32>,
    %get3A_372 = arith.constant 0 : i32
    %get3A_373 = arith.index_cast %get3A_372 : i32 to index
    %get3A_374 = arith.constant 400 : index
    %get3A_375 = tpu.vector_load %arg5[%get3A_373, %get3A_374] {strides = array<i32>} : memref<50x512xi32, #tpu.memory_space<vmem>>, vector<1x16xi32>,
    %get3A_376 = vector.shape_cast %get3A_375 : vector<1x16xi32> to vector<16xi32>
    %swap3A_377 = arith.constant 3 : i32
    %swap3A_378 = arith.index_cast %swap3A_377 : i32 to index
    %swap3A_379 = arith.constant 16 : index
    %swap3A_380 = tpu.vector_load %arg6[%swap3A_378, %swap3A_379] {strides = array<i32>} : memref<4x128xi32, #tpu.memory_space<vmem>>, vector<1x16xi32>,
    %swap3A_381 = vector.shape_cast %swap3A_380 : vector<1x16xi32> to vector<16xi32>
    %swap3A_382 = vector.shape_cast %get3A_376 : vector<16xi32> to vector<1x16xi32>
    tpu.vector_store %arg6[%swap3A_378, %swap3A_379], %swap3A_382 {strides = array<i32>} : memref<4x128xi32, #tpu.memory_space<vmem>>, vector<1x16xi32>,
    %get3A_383 = arith.constant 0 : i32
    %get3A_384 = arith.index_cast %get3A_383 : i32 to index
    %get3A_385 = arith.constant 416 : index
    %get3A_386 = tpu.vector_load %arg5[%get3A_384, %get3A_385] {strides = array<i32>} : memref<50x512xi32, #tpu.memory_space<vmem>>, vector<1x16xi32>,
    %get3A_387 = vector.shape_cast %get3A_386 : vector<1x16xi32> to vector<16xi32>
    %swap3A_388 = arith.constant 3 : i32
    %swap3A_389 = arith.index_cast %swap3A_388 : i32 to index
    %swap3A_390 = arith.constant 32 : index
    %swap3A_391 = tpu.vector_load %arg6[%swap3A_389, %swap3A_390] {strides = array<i32>} : memref<4x128xi32, #tpu.memory_space<vmem>>, vector<1x16xi32>,
    %swap3A_392 = vector.shape_cast %swap3A_391 : vector<1x16xi32> to vector<16xi32>
    %swap3A_393 = vector.shape_cast %get3A_387 : vector<16xi32> to vector<1x16xi32>
    tpu.vector_store %arg6[%swap3A_389, %swap3A_390], %swap3A_393 {strides = array<i32>} : memref<4x128xi32, #tpu.memory_space<vmem>>, vector<1x16xi32>,
    %get3A_394 = arith.constant 0 : i32
    %get3A_395 = arith.index_cast %get3A_394 : i32 to index
    %get3A_396 = arith.constant 432 : index
    %get3A_397 = tpu.vector_load %arg5[%get3A_395, %get3A_396] {strides = array<i32>} : memref<50x512xi32, #tpu.memory_space<vmem>>, vector<1x16xi32>,
    %get3A_398 = vector.shape_cast %get3A_397 : vector<1x16xi32> to vector<16xi32>
    %swap3A_399 = arith.constant 3 : i32
    %swap3A_400 = arith.index_cast %swap3A_399 : i32 to index
    %swap3A_401 = arith.constant 48 : index
    %swap3A_402 = tpu.vector_load %arg6[%swap3A_400, %swap3A_401] {strides = array<i32>} : memref<4x128xi32, #tpu.memory_space<vmem>>, vector<1x16xi32>,
    %swap3A_403 = vector.shape_cast %swap3A_402 : vector<1x16xi32> to vector<16xi32>
    %swap3A_404 = vector.shape_cast %get3A_398 : vector<16xi32> to vector<1x16xi32>
    tpu.vector_store %arg6[%swap3A_400, %swap3A_401], %swap3A_404 {strides = array<i32>} : memref<4x128xi32, #tpu.memory_space<vmem>>, vector<1x16xi32>,
    %get3A_405 = arith.constant 0 : i32
    %get3A_406 = arith.index_cast %get3A_405 : i32 to index
    %get3A_407 = arith.constant 448 : index
    %get3A_408 = tpu.vector_load %arg5[%get3A_406, %get3A_407] {strides = array<i32>} : memref<50x512xi32, #tpu.memory_space<vmem>>, vector<1x16xi32>,
    %get3A_409 = vector.shape_cast %get3A_408 : vector<1x16xi32> to vector<16xi32>
    %swap3A_410 = arith.constant 3 : i32
    %swap3A_411 = arith.index_cast %swap3A_410 : i32 to index
    %swap3A_412 = arith.constant 64 : index
    %swap3A_413 = tpu.vector_load %arg6[%swap3A_411, %swap3A_412] {strides = array<i32>} : memref<4x128xi32, #tpu.memory_space<vmem>>, vector<1x16xi32>,
    %swap3A_414 = vector.shape_cast %swap3A_413 : vector<1x16xi32> to vector<16xi32>
    %swap3A_415 = vector.shape_cast %get3A_409 : vector<16xi32> to vector<1x16xi32>
    tpu.vector_store %arg6[%swap3A_411, %swap3A_412], %swap3A_415 {strides = array<i32>} : memref<4x128xi32, #tpu.memory_space<vmem>>, vector<1x16xi32>,
    %get3A_416 = arith.constant 0 : i32
    %get3A_417 = arith.index_cast %get3A_416 : i32 to index
    %get3A_418 = arith.constant 464 : index
    %get3A_419 = tpu.vector_load %arg5[%get3A_417, %get3A_418] {strides = array<i32>} : memref<50x512xi32, #tpu.memory_space<vmem>>, vector<1x16xi32>,
    %get3A_420 = vector.shape_cast %get3A_419 : vector<1x16xi32> to vector<16xi32>
    %swap3A_421 = arith.constant 3 : i32
    %swap3A_422 = arith.index_cast %swap3A_421 : i32 to index
    %swap3A_423 = arith.constant 80 : index
    %swap3A_424 = tpu.vector_load %arg6[%swap3A_422, %swap3A_423] {strides = array<i32>} : memref<4x128xi32, #tpu.memory_space<vmem>>, vector<1x16xi32>,
    %swap3A_425 = vector.shape_cast %swap3A_424 : vector<1x16xi32> to vector<16xi32>
    %swap3A_426 = vector.shape_cast %get3A_420 : vector<16xi32> to vector<1x16xi32>
    tpu.vector_store %arg6[%swap3A_422, %swap3A_423], %swap3A_426 {strides = array<i32>} : memref<4x128xi32, #tpu.memory_space<vmem>>, vector<1x16xi32>,
    %get3A_427 = arith.constant 0 : i32
    %get3A_428 = arith.index_cast %get3A_427 : i32 to index
    %get3A_429 = arith.constant 480 : index
    %get3A_430 = tpu.vector_load %arg5[%get3A_428, %get3A_429] {strides = array<i32>} : memref<50x512xi32, #tpu.memory_space<vmem>>, vector<1x16xi32>,
    %get3A_431 = vector.shape_cast %get3A_430 : vector<1x16xi32> to vector<16xi32>
    %swap3A_432 = arith.constant 3 : i32
    %swap3A_433 = arith.index_cast %swap3A_432 : i32 to index
    %swap3A_434 = arith.constant 96 : index
    %swap3A_435 = tpu.vector_load %arg6[%swap3A_433, %swap3A_434] {strides = array<i32>} : memref<4x128xi32, #tpu.memory_space<vmem>>, vector<1x16xi32>,
    %swap3A_436 = vector.shape_cast %swap3A_435 : vector<1x16xi32> to vector<16xi32>
    %swap3A_437 = vector.shape_cast %get3A_431 : vector<16xi32> to vector<1x16xi32>
    tpu.vector_store %arg6[%swap3A_433, %swap3A_434], %swap3A_437 {strides = array<i32>} : memref<4x128xi32, #tpu.memory_space<vmem>>, vector<1x16xi32>,
    %get3A_438 = arith.constant 0 : i32
    %get3A_439 = arith.index_cast %get3A_438 : i32 to index
    %get3A_440 = arith.constant 496 : index
    %get3A_441 = tpu.vector_load %arg5[%get3A_439, %get3A_440] {strides = array<i32>} : memref<50x512xi32, #tpu.memory_space<vmem>>, vector<1x16xi32>,
    %get3A_442 = vector.shape_cast %get3A_441 : vector<1x16xi32> to vector<16xi32>
    %swap3A_443 = arith.constant 3 : i32
    %swap3A_444 = arith.index_cast %swap3A_443 : i32 to index
    %swap3A_445 = arith.constant 112 : index
    %swap3A_446 = tpu.vector_load %arg6[%swap3A_444, %swap3A_445] {strides = array<i32>} : memref<4x128xi32, #tpu.memory_space<vmem>>, vector<1x16xi32>,
    %swap3A_447 = vector.shape_cast %swap3A_446 : vector<1x16xi32> to vector<16xi32>
    %swap3A_448 = vector.shape_cast %get3A_442 : vector<16xi32> to vector<1x16xi32>
    tpu.vector_store %arg6[%swap3A_444, %swap3A_445], %swap3A_448 {strides = array<i32>} : memref<4x128xi32, #tpu.memory_space<vmem>>, vector<1x16xi32>,
    %dma_start3A_449 = arith.constant 3 : i32
    %dma_start3A_450 = arith.constant 3 : i32
    %dma_start3A_451 = arith.constant 0 : i32
    %dma_start3A_452 = arith.constant 0 : i32
    %dma_start3A_453 = tpu.memref_slice %arg7[%dma_start3A_450, %dma_start3A_451, %dma_start3A_452] : memref<4x128x64xf32, #tpu.memory_space<vmem>> -> memref<1x128x64xf32, #tpu.memory_space<vmem>>
    %dma_start3A_454 = tpu.memref_squeeze %dma_start3A_453 : memref<1x128x64xf32, #tpu.memory_space<vmem>> -> memref<128x64xf32, #tpu.memory_space<vmem>>
    %dma_start3A_455 = arith.constant 0 : i32
    %dma_start3A_456 = tpu.memref_slice %arg6[%dma_start3A_449, %dma_start3A_455] : memref<4x128xi32, #tpu.memory_space<vmem>> -> memref<1x128xi32, #tpu.memory_space<vmem>>
    %dma_start3A_457 = tpu.memref_squeeze %dma_start3A_456 : memref<1x128xi32, #tpu.memory_space<vmem>> -> memref<128xi32, #tpu.memory_space<vmem>>
    %dma_start3A_458 = arith.constant 0 : i32
    %dma_start3A_459 = arith.constant 0 : i32
    %dma_start3A_460 = tpu.memref_slice %arg3[%dma_start3A_458, %dma_start3A_459] : memref<1000000x64xf32, #tpu.memory_space<hbm>> -> memref<1000000x64xf32, #tpu.memory_space<hbm>>
    tpu.enqueue_indirect_dma source(%dma_start3A_460 : memref<1000000x64xf32, #tpu.memory_space<hbm>>) target(%dma_start3A_454 : memref<128x64xf32, #tpu.memory_space<vmem>>) offsets(%dma_start3A_457 : memref<128xi32, #tpu.memory_space<vmem>>) semaphore(%arg11 : memref<!tpu.dma_semaphore, #tpu.memory_space<semaphore_mem>>)
    %dma_wait3A_461 = arith.constant 2 : i32
    %dma_wait3A_462 = arith.constant 2 : i32
    %dma_wait3A_463 = arith.constant 0 : i32
    %dma_wait3A_464 = arith.constant 0 : i32
    %dma_wait3A_465 = tpu.memref_slice %arg7[%dma_wait3A_462, %dma_wait3A_463, %dma_wait3A_464] : memref<4x128x64xf32, #tpu.memory_space<vmem>> -> memref<1x128x64xf32, #tpu.memory_space<vmem>>
    %dma_wait3A_466 = tpu.memref_squeeze %dma_wait3A_465 : memref<1x128x64xf32, #tpu.memory_space<vmem>> -> memref<128x64xf32, #tpu.memory_space<vmem>>
    %dma_wait3A_467 = arith.constant 0 : i32
    %dma_wait3A_468 = tpu.memref_slice %arg6[%dma_wait3A_461, %dma_wait3A_467] : memref<4x128xi32, #tpu.memory_space<vmem>> -> memref<1x128xi32, #tpu.memory_space<vmem>>
    %dma_wait3A_469 = tpu.memref_squeeze %dma_wait3A_468 : memref<1x128xi32, #tpu.memory_space<vmem>> -> memref<128xi32, #tpu.memory_space<vmem>>
    %dma_wait3A_470 = arith.constant 0 : i32
    %dma_wait3A_471 = arith.constant 0 : i32
    %dma_wait3A_472 = tpu.memref_slice %arg3[%dma_wait3A_470, %dma_wait3A_471] : memref<1000000x64xf32, #tpu.memory_space<hbm>> -> memref<1000000x64xf32, #tpu.memory_space<hbm>>
    tpu.wait_indirect_dma semaphore(%arg10 : memref<!tpu.dma_semaphore, #tpu.memory_space<semaphore_mem>>) src(%dma_wait3A_472 : memref<1000000x64xf32, #tpu.memory_space<hbm>>) dst(%dma_wait3A_466 : memref<128x64xf32, #tpu.memory_space<vmem>>)
    %mul3A_473 = arith.constant 0 : i32
    %mul3A_474 = arith.constant 16384 : i32
    %mul3A_475 = arith.muli %mul3A_473, %mul3A_474 : i32
    %add3A_476 = arith.constant 256 : i32
    %add3A_477 = arith.addi %mul3A_2, %add3A_476 : i32
    %add3A_478 = arith.addi %mul3A_475, %add3A_477 : i32
    %dma_start3A_479 = arith.constant 2 : i32
    %dma_start3A_480 = arith.constant 0 : i32
    %dma_start3A_481 = arith.constant 0 : i32
    %dma_start3A_482 = tpu.memref_slice %arg7[%dma_start3A_479, %dma_start3A_480, %dma_start3A_481] : memref<4x128x64xf32, #tpu.memory_space<vmem>> -> memref<1x128x64xf32, #tpu.memory_space<vmem>>
    %dma_start3A_483 = tpu.memref_squeeze %dma_start3A_482 : memref<1x128x64xf32, #tpu.memory_space<vmem>> -> memref<128x64xf32, #tpu.memory_space<vmem>>
    %dma_start3A_484 = arith.constant 0 : i32
    %dma_start3A_485 = tpu.memref_slice %arg4[%add3A_478, %dma_start3A_484] : memref<819200x64xf32, #tpu.memory_space<hbm>> -> memref<128x64xf32, #tpu.memory_space<hbm>>
    %dma_start3A_486 = arith.constant 0 : i32
    %dma_start3A_487 = tpu.memref_slice %arg4[%add3A_478, %dma_start3A_486] : memref<819200x64xf32, #tpu.memory_space<hbm>> -> memref<128x64xf32, #tpu.memory_space<hbm>>
    %dma_start3A_488 = arith.constant 0 : i32
    %dma_start3A_489 = arith.constant 0 : i32
    %dma_start3A_490 = tpu.memref_slice %arg7[%dma_start3A_479, %dma_start3A_488, %dma_start3A_489] : memref<4x128x64xf32, #tpu.memory_space<vmem>> -> memref<1x128x64xf32, #tpu.memory_space<vmem>>
    %dma_start3A_491 = tpu.memref_squeeze %dma_start3A_490 : memref<1x128x64xf32, #tpu.memory_space<vmem>> -> memref<128x64xf32, #tpu.memory_space<vmem>>
    tpu.enqueue_dma source(%dma_start3A_491 : memref<128x64xf32, #tpu.memory_space<vmem>>) target(%dma_start3A_487 : memref<128x64xf32, #tpu.memory_space<hbm>>) target_semaphore(%arg14 : memref<!tpu.dma_semaphore, #tpu.memory_space<semaphore_mem>>)
    %mul3A_492 = arith.constant 0 : i32
    %mul3A_493 = arith.constant 16384 : i32
    %mul3A_494 = arith.muli %mul3A_492, %mul3A_493 : i32
    %add3A_495 = arith.constant 0 : i32
    %add3A_496 = arith.addi %mul3A_2, %add3A_495 : i32
    %add3A_497 = arith.addi %mul3A_494, %add3A_496 : i32
    %dma_wait3A_498 = arith.constant 0 : i32
    %dma_wait3A_499 = arith.constant 0 : i32
    %dma_wait3A_500 = arith.constant 0 : i32
    %dma_wait3A_501 = tpu.memref_slice %arg7[%dma_wait3A_498, %dma_wait3A_499, %dma_wait3A_500] : memref<4x128x64xf32, #tpu.memory_space<vmem>> -> memref<1x128x64xf32, #tpu.memory_space<vmem>>
    %dma_wait3A_502 = tpu.memref_squeeze %dma_wait3A_501 : memref<1x128x64xf32, #tpu.memory_space<vmem>> -> memref<128x64xf32, #tpu.memory_space<vmem>>
    %dma_wait3A_503 = arith.constant 0 : i32
    %dma_wait3A_504 = tpu.memref_slice %arg4[%add3A_497, %dma_wait3A_503] : memref<819200x64xf32, #tpu.memory_space<hbm>> -> memref<128x64xf32, #tpu.memory_space<hbm>>
    %dma_wait3A_505 = arith.constant 0 : i32
    %dma_wait3A_506 = tpu.memref_slice %arg4[%add3A_497, %dma_wait3A_505] : memref<819200x64xf32, #tpu.memory_space<hbm>> -> memref<128x64xf32, #tpu.memory_space<hbm>>
    %dma_wait3A_507 = arith.constant 0 : i32
    %dma_wait3A_508 = arith.constant 0 : i32
    %dma_wait3A_509 = tpu.memref_slice %arg7[%dma_wait3A_498, %dma_wait3A_507, %dma_wait3A_508] : memref<4x128x64xf32, #tpu.memory_space<vmem>> -> memref<1x128x64xf32, #tpu.memory_space<vmem>>
    %dma_wait3A_510 = tpu.memref_squeeze %dma_wait3A_509 : memref<1x128x64xf32, #tpu.memory_space<vmem>> -> memref<128x64xf32, #tpu.memory_space<vmem>>
    tpu.wait_dma2 semaphore(%arg12 : memref<!tpu.dma_semaphore, #tpu.memory_space<semaphore_mem>>) src(%dma_wait3A_510 : memref<128x64xf32, #tpu.memory_space<vmem>>) dst(%dma_wait3A_506 : memref<128x64xf32, #tpu.memory_space<hbm>>)
    %get3A_511 = arith.constant 1 : i32
    %get3A_512 = arith.index_cast %get3A_511 : i32 to index
    %get3A_513 = arith.constant 0 : index
    %get3A_514 = tpu.vector_load %arg5[%get3A_512, %get3A_513] {strides = array<i32>} : memref<50x512xi32, #tpu.memory_space<vmem>>, vector<1x16xi32>,
    %get3A_515 = vector.shape_cast %get3A_514 : vector<1x16xi32> to vector<16xi32>
    %swap3A_516 = arith.constant 0 : i32
    %swap3A_517 = arith.index_cast %swap3A_516 : i32 to index
    %swap3A_518 = arith.constant 0 : index
    %swap3A_519 = tpu.vector_load %arg6[%swap3A_517, %swap3A_518] {strides = array<i32>} : memref<4x128xi32, #tpu.memory_space<vmem>>, vector<1x16xi32>,
    %swap3A_520 = vector.shape_cast %swap3A_519 : vector<1x16xi32> to vector<16xi32>
    %swap3A_521 = vector.shape_cast %get3A_515 : vector<16xi32> to vector<1x16xi32>
    tpu.vector_store %arg6[%swap3A_517, %swap3A_518], %swap3A_521 {strides = array<i32>} : memref<4x128xi32, #tpu.memory_space<vmem>>, vector<1x16xi32>,
    %get3A_522 = arith.constant 1 : i32
    %get3A_523 = arith.index_cast %get3A_522 : i32 to index
    %get3A_524 = arith.constant 16 : index
    %get3A_525 = tpu.vector_load %arg5[%get3A_523, %get3A_524] {strides = array<i32>} : memref<50x512xi32, #tpu.memory_space<vmem>>, vector<1x16xi32>,
    %get3A_526 = vector.shape_cast %get3A_525 : vector<1x16xi32> to vector<16xi32>
    %swap3A_527 = arith.constant 0 : i32
    %swap3A_528 = arith.index_cast %swap3A_527 : i32 to index
    %swap3A_529 = arith.constant 16 : index
    %swap3A_530 = tpu.vector_load %arg6[%swap3A_528, %swap3A_529] {strides = array<i32>} : memref<4x128xi32, #tpu.memory_space<vmem>>, vector<1x16xi32>,
    %swap3A_531 = vector.shape_cast %swap3A_530 : vector<1x16xi32> to vector<16xi32>
    %swap3A_532 = vector.shape_cast %get3A_526 : vector<16xi32> to vector<1x16xi32>
    tpu.vector_store %arg6[%swap3A_528, %swap3A_529], %swap3A_532 {strides = array<i32>} : memref<4x128xi32, #tpu.memory_space<vmem>>, vector<1x16xi32>,
    %get3A_533 = arith.constant 1 : i32
    %get3A_534 = arith.index_cast %get3A_533 : i32 to index
    %get3A_535 = arith.constant 32 : index
    %get3A_536 = tpu.vector_load %arg5[%get3A_534, %get3A_535] {strides = array<i32>} : memref<50x512xi32, #tpu.memory_space<vmem>>, vector<1x16xi32>,
    %get3A_537 = vector.shape_cast %get3A_536 : vector<1x16xi32> to vector<16xi32>
    %swap3A_538 = arith.constant 0 : i32
    %swap3A_539 = arith.index_cast %swap3A_538 : i32 to index
    %swap3A_540 = arith.constant 32 : index
    %swap3A_541 = tpu.vector_load %arg6[%swap3A_539, %swap3A_540] {strides = array<i32>} : memref<4x128xi32, #tpu.memory_space<vmem>>, vector<1x16xi32>,
    %swap3A_542 = vector.shape_cast %swap3A_541 : vector<1x16xi32> to vector<16xi32>
    %swap3A_543 = vector.shape_cast %get3A_537 : vector<16xi32> to vector<1x16xi32>
    tpu.vector_store %arg6[%swap3A_539, %swap3A_540], %swap3A_543 {strides = array<i32>} : memref<4x128xi32, #tpu.memory_space<vmem>>, vector<1x16xi32>,
    %get3A_544 = arith.constant 1 : i32
    %get3A_545 = arith.index_cast %get3A_544 : i32 to index
    %get3A_546 = arith.constant 48 : index
    %get3A_547 = tpu.vector_load %arg5[%get3A_545, %get3A_546] {strides = array<i32>} : memref<50x512xi32, #tpu.memory_space<vmem>>, vector<1x16xi32>,
    %get3A_548 = vector.shape_cast %get3A_547 : vector<1x16xi32> to vector<16xi32>
    %swap3A_549 = arith.constant 0 : i32
    %swap3A_550 = arith.index_cast %swap3A_549 : i32 to index
    %swap3A_551 = arith.constant 48 : index
    %swap3A_552 = tpu.vector_load %arg6[%swap3A_550, %swap3A_551] {strides = array<i32>} : memref<4x128xi32, #tpu.memory_space<vmem>>, vector<1x16xi32>,
    %swap3A_553 = vector.shape_cast %swap3A_552 : vector<1x16xi32> to vector<16xi32>
    %swap3A_554 = vector.shape_cast %get3A_548 : vector<16xi32> to vector<1x16xi32>
    tpu.vector_store %arg6[%swap3A_550, %swap3A_551], %swap3A_554 {strides = array<i32>} : memref<4x128xi32, #tpu.memory_space<vmem>>, vector<1x16xi32>,
    %get3A_555 = arith.constant 1 : i32
    %get3A_556 = arith.index_cast %get3A_555 : i32 to index
    %get3A_557 = arith.constant 64 : index
    %get3A_558 = tpu.vector_load %arg5[%get3A_556, %get3A_557] {strides = array<i32>} : memref<50x512xi32, #tpu.memory_space<vmem>>, vector<1x16xi32>,
    %get3A_559 = vector.shape_cast %get3A_558 : vector<1x16xi32> to vector<16xi32>
    %swap3A_560 = arith.constant 0 : i32
    %swap3A_561 = arith.index_cast %swap3A_560 : i32 to index
    %swap3A_562 = arith.constant 64 : index
    %swap3A_563 = tpu.vector_load %arg6[%swap3A_561, %swap3A_562] {strides = array<i32>} : memref<4x128xi32, #tpu.memory_space<vmem>>, vector<1x16xi32>,
    %swap3A_564 = vector.shape_cast %swap3A_563 : vector<1x16xi32> to vector<16xi32>
    %swap3A_565 = vector.shape_cast %get3A_559 : vector<16xi32> to vector<1x16xi32>
    tpu.vector_store %arg6[%swap3A_561, %swap3A_562], %swap3A_565 {strides = array<i32>} : memref<4x128xi32, #tpu.memory_space<vmem>>, vector<1x16xi32>,
    %get3A_566 = arith.constant 1 : i32
    %get3A_567 = arith.index_cast %get3A_566 : i32 to index
    %get3A_568 = arith.constant 80 : index
    %get3A_569 = tpu.vector_load %arg5[%get3A_567, %get3A_568] {strides = array<i32>} : memref<50x512xi32, #tpu.memory_space<vmem>>, vector<1x16xi32>,
    %get3A_570 = vector.shape_cast %get3A_569 : vector<1x16xi32> to vector<16xi32>
    %swap3A_571 = arith.constant 0 : i32
    %swap3A_572 = arith.index_cast %swap3A_571 : i32 to index
    %swap3A_573 = arith.constant 80 : index
    %swap3A_574 = tpu.vector_load %arg6[%swap3A_572, %swap3A_573] {strides = array<i32>} : memref<4x128xi32, #tpu.memory_space<vmem>>, vector<1x16xi32>,
    %swap3A_575 = vector.shape_cast %swap3A_574 : vector<1x16xi32> to vector<16xi32>
    %swap3A_576 = vector.shape_cast %get3A_570 : vector<16xi32> to vector<1x16xi32>
    tpu.vector_store %arg6[%swap3A_572, %swap3A_573], %swap3A_576 {strides = array<i32>} : memref<4x128xi32, #tpu.memory_space<vmem>>, vector<1x16xi32>,
    %get3A_577 = arith.constant 1 : i32
    %get3A_578 = arith.index_cast %get3A_577 : i32 to index
    %get3A_579 = arith.constant 96 : index
    %get3A_580 = tpu.vector_load %arg5[%get3A_578, %get3A_579] {strides = array<i32>} : memref<50x512xi32, #tpu.memory_space<vmem>>, vector<1x16xi32>,
    %get3A_581 = vector.shape_cast %get3A_580 : vector<1x16xi32> to vector<16xi32>
    %swap3A_582 = arith.constant 0 : i32
    %swap3A_583 = arith.index_cast %swap3A_582 : i32 to index
    %swap3A_584 = arith.constant 96 : index
    %swap3A_585 = tpu.vector_load %arg6[%swap3A_583, %swap3A_584] {strides = array<i32>} : memref<4x128xi32, #tpu.memory_space<vmem>>, vector<1x16xi32>,
    %swap3A_586 = vector.shape_cast %swap3A_585 : vector<1x16xi32> to vector<16xi32>
    %swap3A_587 = vector.shape_cast %get3A_581 : vector<16xi32> to vector<1x16xi32>
    tpu.vector_store %arg6[%swap3A_583, %swap3A_584], %swap3A_587 {strides = array<i32>} : memref<4x128xi32, #tpu.memory_space<vmem>>, vector<1x16xi32>,
    %get3A_588 = arith.constant 1 : i32
    %get3A_589 = arith.index_cast %get3A_588 : i32 to index
    %get3A_590 = arith.constant 112 : index
    %get3A_591 = tpu.vector_load %arg5[%get3A_589, %get3A_590] {strides = array<i32>} : memref<50x512xi32, #tpu.memory_space<vmem>>, vector<1x16xi32>,
    %get3A_592 = vector.shape_cast %get3A_591 : vector<1x16xi32> to vector<16xi32>
    %swap3A_593 = arith.constant 0 : i32
    %swap3A_594 = arith.index_cast %swap3A_593 : i32 to index
    %swap3A_595 = arith.constant 112 : index
    %swap3A_596 = tpu.vector_load %arg6[%swap3A_594, %swap3A_595] {strides = array<i32>} : memref<4x128xi32, #tpu.memory_space<vmem>>, vector<1x16xi32>,
    %swap3A_597 = vector.shape_cast %swap3A_596 : vector<1x16xi32> to vector<16xi32>
    %swap3A_598 = vector.shape_cast %get3A_592 : vector<16xi32> to vector<1x16xi32>
    tpu.vector_store %arg6[%swap3A_594, %swap3A_595], %swap3A_598 {strides = array<i32>} : memref<4x128xi32, #tpu.memory_space<vmem>>, vector<1x16xi32>,
    %dma_start3A_599 = arith.constant 0 : i32
    %dma_start3A_600 = arith.constant 0 : i32
    %dma_start3A_601 = arith.constant 0 : i32
    %dma_start3A_602 = arith.constant 0 : i32
    %dma_start3A_603 = tpu.memref_slice %arg7[%dma_start3A_600, %dma_start3A_601, %dma_start3A_602] : memref<4x128x64xf32, #tpu.memory_space<vmem>> -> memref<1x128x64xf32, #tpu.memory_space<vmem>>
    %dma_start3A_604 = tpu.memref_squeeze %dma_start3A_603 : memref<1x128x64xf32, #tpu.memory_space<vmem>> -> memref<128x64xf32, #tpu.memory_space<vmem>>
    %dma_start3A_605 = arith.constant 0 : i32
    %dma_start3A_606 = tpu.memref_slice %arg6[%dma_start3A_599, %dma_start3A_605] : memref<4x128xi32, #tpu.memory_space<vmem>> -> memref<1x128xi32, #tpu.memory_space<vmem>>
    %dma_start3A_607 = tpu.memref_squeeze %dma_start3A_606 : memref<1x128xi32, #tpu.memory_space<vmem>> -> memref<128xi32, #tpu.memory_space<vmem>>
    %dma_start3A_608 = arith.constant 0 : i32
    %dma_start3A_609 = arith.constant 0 : i32
    %dma_start3A_610 = tpu.memref_slice %arg3[%dma_start3A_608, %dma_start3A_609] : memref<1000000x64xf32, #tpu.memory_space<hbm>> -> memref<1000000x64xf32, #tpu.memory_space<hbm>>
    tpu.enqueue_indirect_dma source(%dma_start3A_610 : memref<1000000x64xf32, #tpu.memory_space<hbm>>) target(%dma_start3A_604 : memref<128x64xf32, #tpu.memory_space<vmem>>) offsets(%dma_start3A_607 : memref<128xi32, #tpu.memory_space<vmem>>) semaphore(%arg8 : memref<!tpu.dma_semaphore, #tpu.memory_space<semaphore_mem>>)
    %dma_wait3A_611 = arith.constant 3 : i32
    %dma_wait3A_612 = arith.constant 3 : i32
    %dma_wait3A_613 = arith.constant 0 : i32
    %dma_wait3A_614 = arith.constant 0 : i32
    %dma_wait3A_615 = tpu.memref_slice %arg7[%dma_wait3A_612, %dma_wait3A_613, %dma_wait3A_614] : memref<4x128x64xf32, #tpu.memory_space<vmem>> -> memref<1x128x64xf32, #tpu.memory_space<vmem>>
    %dma_wait3A_616 = tpu.memref_squeeze %dma_wait3A_615 : memref<1x128x64xf32, #tpu.memory_space<vmem>> -> memref<128x64xf32, #tpu.memory_space<vmem>>
    %dma_wait3A_617 = arith.constant 0 : i32
    %dma_wait3A_618 = tpu.memref_slice %arg6[%dma_wait3A_611, %dma_wait3A_617] : memref<4x128xi32, #tpu.memory_space<vmem>> -> memref<1x128xi32, #tpu.memory_space<vmem>>
    %dma_wait3A_619 = tpu.memref_squeeze %dma_wait3A_618 : memref<1x128xi32, #tpu.memory_space<vmem>> -> memref<128xi32, #tpu.memory_space<vmem>>
    %dma_wait3A_620 = arith.constant 0 : i32
    %dma_wait3A_621 = arith.constant 0 : i32
    %dma_wait3A_622 = tpu.memref_slice %arg3[%dma_wait3A_620, %dma_wait3A_621] : memref<1000000x64xf32, #tpu.memory_space<hbm>> -> memref<1000000x64xf32, #tpu.memory_space<hbm>>
    tpu.wait_indirect_dma semaphore(%arg11 : memref<!tpu.dma_semaphore, #tpu.memory_space<semaphore_mem>>) src(%dma_wait3A_622 : memref<1000000x64xf32, #tpu.memory_space<hbm>>) dst(%dma_wait3A_616 : memref<128x64xf32, #tpu.memory_space<vmem>>)
    %mul3A_623 = arith.constant 0 : i32
    %mul3A_624 = arith.constant 16384 : i32
    %mul3A_625 = arith.muli %mul3A_623, %mul3A_624 : i32
    %add3A_626 = arith.constant 384 : i32
    %add3A_627 = arith.addi %mul3A_2, %add3A_626 : i32
    %add3A_628 = arith.addi %mul3A_625, %add3A_627 : i32
    %dma_start3A_629 = arith.constant 3 : i32
    %dma_start3A_630 = arith.constant 0 : i32
    %dma_start3A_631 = arith.constant 0 : i32
    %dma_start3A_632 = tpu.memref_slice %arg7[%dma_start3A_629, %dma_start3A_630, %dma_start3A_631] : memref<4x128x64xf32, #tpu.memory_space<vmem>> -> memref<1x128x64xf32, #tpu.memory_space<vmem>>
    %dma_start3A_633 = tpu.memref_squeeze %dma_start3A_632 : memref<1x128x64xf32, #tpu.memory_space<vmem>> -> memref<128x64xf32, #tpu.memory_space<vmem>>
    %dma_start3A_634 = arith.constant 0 : i32
    %dma_start3A_635 = tpu.memref_slice %arg4[%add3A_628, %dma_start3A_634] : memref<819200x64xf32, #tpu.memory_space<hbm>> -> memref<128x64xf32, #tpu.memory_space<hbm>>
    %dma_start3A_636 = arith.constant 0 : i32
    %dma_start3A_637 = tpu.memref_slice %arg4[%add3A_628, %dma_start3A_636] : memref<819200x64xf32, #tpu.memory_space<hbm>> -> memref<128x64xf32, #tpu.memory_space<hbm>>
    %dma_start3A_638 = arith.constant 0 : i32
    %dma_start3A_639 = arith.constant 0 : i32
    %dma_start3A_640 = tpu.memref_slice %arg7[%dma_start3A_629, %dma_start3A_638, %dma_start3A_639] : memref<4x128x64xf32, #tpu.memory_space<vmem>> -> memref<1x128x64xf32, #tpu.memory_space<vmem>>
    %dma_start3A_641 = tpu.memref_squeeze %dma_start3A_640 : memref<1x128x64xf32, #tpu.memory_space<vmem>> -> memref<128x64xf32, #tpu.memory_space<vmem>>
    tpu.enqueue_dma source(%dma_start3A_641 : memref<128x64xf32, #tpu.memory_space<vmem>>) target(%dma_start3A_637 : memref<128x64xf32, #tpu.memory_space<hbm>>) target_semaphore(%arg15 : memref<!tpu.dma_semaphore, #tpu.memory_space<semaphore_mem>>)
    %mul3A_642 = arith.constant 0 : i32
    %mul3A_643 = arith.constant 16384 : i32
    %mul3A_644 = arith.muli %mul3A_642, %mul3A_643 : i32
    %add3A_645 = arith.constant 128 : i32
    %add3A_646 = arith.addi %mul3A_2, %add3A_645 : i32
    %add3A_647 = arith.addi %mul3A_644, %add3A_646 : i32
    %dma_wait3A_648 = arith.constant 1 : i32
    %dma_wait3A_649 = arith.constant 0 : i32
    %dma_wait3A_650 = arith.constant 0 : i32
    %dma_wait3A_651 = tpu.memref_slice %arg7[%dma_wait3A_648, %dma_wait3A_649, %dma_wait3A_650] : memref<4x128x64xf32, #tpu.memory_space<vmem>> -> memref<1x128x64xf32, #tpu.memory_space<vmem>>
    %dma_wait3A_652 = tpu.memref_squeeze %dma_wait3A_651 : memref<1x128x64xf32, #tpu.memory_space<vmem>> -> memref<128x64xf32, #tpu.memory_space<vmem>>
    %dma_wait3A_653 = arith.constant 0 : i32
    %dma_wait3A_654 = tpu.memref_slice %arg4[%add3A_647, %dma_wait3A_653] : memref<819200x64xf32, #tpu.memory_space<hbm>> -> memref<128x64xf32, #tpu.memory_space<hbm>>
    %dma_wait3A_655 = arith.constant 0 : i32
    %dma_wait3A_656 = tpu.memref_slice %arg4[%add3A_647, %dma_wait3A_655] : memref<819200x64xf32, #tpu.memory_space<hbm>> -> memref<128x64xf32, #tpu.memory_space<hbm>>
    %dma_wait3A_657 = arith.constant 0 : i32
    %dma_wait3A_658 = arith.constant 0 : i32
    %dma_wait3A_659 = tpu.memref_slice %arg7[%dma_wait3A_648, %dma_wait3A_657, %dma_wait3A_658] : memref<4x128x64xf32, #tpu.memory_space<vmem>> -> memref<1x128x64xf32, #tpu.memory_space<vmem>>
    %dma_wait3A_660 = tpu.memref_squeeze %dma_wait3A_659 : memref<1x128x64xf32, #tpu.memory_space<vmem>> -> memref<128x64xf32, #tpu.memory_space<vmem>>
    tpu.wait_dma2 semaphore(%arg13 : memref<!tpu.dma_semaphore, #tpu.memory_space<semaphore_mem>>) src(%dma_wait3A_660 : memref<128x64xf32, #tpu.memory_space<vmem>>) dst(%dma_wait3A_656 : memref<128x64xf32, #tpu.memory_space<hbm>>)
    %get3A_661 = arith.constant 1 : i32
    %get3A_662 = arith.index_cast %get3A_661 : i32 to index
    %get3A_663 = arith.constant 128 : index
    %get3A_664 = tpu.vector_load %arg5[%get3A_662, %get3A_663] {strides = array<i32>} : memref<50x512xi32, #tpu.memory_space<vmem>>, vector<1x16xi32>,
    %get3A_665 = vector.shape_cast %get3A_664 : vector<1x16xi32> to vector<16xi32>
    %swap3A_666 = arith.constant 1 : i32
    %swap3A_667 = arith.index_cast %swap3A_666 : i32 to index
    %swap3A_668 = arith.constant 0 : index
    %swap3A_669 = tpu.vector_load %arg6[%swap3A_667, %swap3A_668] {strides = array<i32>} : memref<4x128xi32, #tpu.memory_space<vmem>>, vector<1x16xi32>,
    %swap3A_670 = vector.shape_cast %swap3A_669 : vector<1x16xi32> to vector<16xi32>
    %swap3A_671 = vector.shape_cast %get3A_665 : vector<16xi32> to vector<1x16xi32>
    tpu.vector_store %arg6[%swap3A_667, %swap3A_668], %swap3A_671 {strides = array<i32>} : memref<4x128xi32, #tpu.memory_space<vmem>>, vector<1x16xi32>,
    %get3A_672 = arith.constant 1 : i32
    %get3A_673 = arith.index_cast %get3A_672 : i32 to index
    %get3A_674 = arith.constant 144 : index
    %get3A_675 = tpu.vector_load %arg5[%get3A_673, %get3A_674] {strides = array<i32>} : memref<50x512xi32, #tpu.memory_space<vmem>>, vector<1x16xi32>,
    %get3A_676 = vector.shape_cast %get3A_675 : vector<1x16xi32> to vector<16xi32>
    %swap3A_677 = arith.constant 1 : i32
    %swap3A_678 = arith.index_cast %swap3A_677 : i32 to index
    %swap3A_679 = arith.constant 16 : index
    %swap3A_680 = tpu.vector_load %arg6[%swap3A_678, %swap3A_679] {strides = array<i32>} : memref<4x128xi32, #tpu.memory_space<vmem>>, vector<1x16xi32>,
    %swap3A_681 = vector.shape_cast %swap3A_680 : vector<1x16xi32> to vector<16xi32>
    %swap3A_682 = vector.shape_cast %get3A_676 : vector<16xi32> to vector<1x16xi32>
    tpu.vector_store %arg6[%swap3A_678, %swap3A_679], %swap3A_682 {strides = array<i32>} : memref<4x128xi32, #tpu.memory_space<vmem>>, vector<1x16xi32>,
    %get3A_683 = arith.constant 1 : i32
    %get3A_684 = arith.index_cast %get3A_683 : i32 to index
    %get3A_685 = arith.constant 160 : index
    %get3A_686 = tpu.vector_load %arg5[%get3A_684, %get3A_685] {strides = array<i32>} : memref<50x512xi32, #tpu.memory_space<vmem>>, vector<1x16xi32>,
    %get3A_687 = vector.shape_cast %get3A_686 : vector<1x16xi32> to vector<16xi32>
    %swap3A_688 = arith.constant 1 : i32
    %swap3A_689 = arith.index_cast %swap3A_688 : i32 to index
    %swap3A_690 = arith.constant 32 : index
    %swap3A_691 = tpu.vector_load %arg6[%swap3A_689, %swap3A_690] {strides = array<i32>} : memref<4x128xi32, #tpu.memory_space<vmem>>, vector<1x16xi32>,
    %swap3A_692 = vector.shape_cast %swap3A_691 : vector<1x16xi32> to vector<16xi32>
    %swap3A_693 = vector.shape_cast %get3A_687 : vector<16xi32> to vector<1x16xi32>
    tpu.vector_store %arg6[%swap3A_689, %swap3A_690], %swap3A_693 {strides = array<i32>} : memref<4x128xi32, #tpu.memory_space<vmem>>, vector<1x16xi32>,
    %get3A_694 = arith.constant 1 : i32
    %get3A_695 = arith.index_cast %get3A_694 : i32 to index
    %get3A_696 = arith.constant 176 : index
    %get3A_697 = tpu.vector_load %arg5[%get3A_695, %get3A_696] {strides = array<i32>} : memref<50x512xi32, #tpu.memory_space<vmem>>, vector<1x16xi32>,
    %get3A_698 = vector.shape_cast %get3A_697 : vector<1x16xi32> to vector<16xi32>
    %swap3A_699 = arith.constant 1 : i32
    %swap3A_700 = arith.index_cast %swap3A_699 : i32 to index
    %swap3A_701 = arith.constant 48 : index
    %swap3A_702 = tpu.vector_load %arg6[%swap3A_700, %swap3A_701] {strides = array<i32>} : memref<4x128xi32, #tpu.memory_space<vmem>>, vector<1x16xi32>,
    %swap3A_703 = vector.shape_cast %swap3A_702 : vector<1x16xi32> to vector<16xi32>
    %swap3A_704 = vector.shape_cast %get3A_698 : vector<16xi32> to vector<1x16xi32>
    tpu.vector_store %arg6[%swap3A_700, %swap3A_701], %swap3A_704 {strides = array<i32>} : memref<4x128xi32, #tpu.memory_space<vmem>>, vector<1x16xi32>,
    %get3A_705 = arith.constant 1 : i32
    %get3A_706 = arith.index_cast %get3A_705 : i32 to index
    %get3A_707 = arith.constant 192 : index
    %get3A_708 = tpu.vector_load %arg5[%get3A_706, %get3A_707] {strides = array<i32>} : memref<50x512xi32, #tpu.memory_space<vmem>>, vector<1x16xi32>,
    %get3A_709 = vector.shape_cast %get3A_708 : vector<1x16xi32> to vector<16xi32>
    %swap3A_710 = arith.constant 1 : i32
    %swap3A_711 = arith.index_cast %swap3A_710 : i32 to index
    %swap3A_712 = arith.constant 64 : index
    %swap3A_713 = tpu.vector_load %arg6[%swap3A_711, %swap3A_712] {strides = array<i32>} : memref<4x128xi32, #tpu.memory_space<vmem>>, vector<1x16xi32>,
    %swap3A_714 = vector.shape_cast %swap3A_713 : vector<1x16xi32> to vector<16xi32>
    %swap3A_715 = vector.shape_cast %get3A_709 : vector<16xi32> to vector<1x16xi32>
    tpu.vector_store %arg6[%swap3A_711, %swap3A_712], %swap3A_715 {strides = array<i32>} : memref<4x128xi32, #tpu.memory_space<vmem>>, vector<1x16xi32>,
    %get3A_716 = arith.constant 1 : i32
    %get3A_717 = arith.index_cast %get3A_716 : i32 to index
    %get3A_718 = arith.constant 208 : index
    %get3A_719 = tpu.vector_load %arg5[%get3A_717, %get3A_718] {strides = array<i32>} : memref<50x512xi32, #tpu.memory_space<vmem>>, vector<1x16xi32>,
    %get3A_720 = vector.shape_cast %get3A_719 : vector<1x16xi32> to vector<16xi32>
    %swap3A_721 = arith.constant 1 : i32
    %swap3A_722 = arith.index_cast %swap3A_721 : i32 to index
    %swap3A_723 = arith.constant 80 : index
    %swap3A_724 = tpu.vector_load %arg6[%swap3A_722, %swap3A_723] {strides = array<i32>} : memref<4x128xi32, #tpu.memory_space<vmem>>, vector<1x16xi32>,
    %swap3A_725 = vector.shape_cast %swap3A_724 : vector<1x16xi32> to vector<16xi32>
    %swap3A_726 = vector.shape_cast %get3A_720 : vector<16xi32> to vector<1x16xi32>
    tpu.vector_store %arg6[%swap3A_722, %swap3A_723], %swap3A_726 {strides = array<i32>} : memref<4x128xi32, #tpu.memory_space<vmem>>, vector<1x16xi32>,
    %get3A_727 = arith.constant 1 : i32
    %get3A_728 = arith.index_cast %get3A_727 : i32 to index
    %get3A_729 = arith.constant 224 : index
    %get3A_730 = tpu.vector_load %arg5[%get3A_728, %get3A_729] {strides = array<i32>} : memref<50x512xi32, #tpu.memory_space<vmem>>, vector<1x16xi32>,
    %get3A_731 = vector.shape_cast %get3A_730 : vector<1x16xi32> to vector<16xi32>
    %swap3A_732 = arith.constant 1 : i32
    %swap3A_733 = arith.index_cast %swap3A_732 : i32 to index
    %swap3A_734 = arith.constant 96 : index
    %swap3A_735 = tpu.vector_load %arg6[%swap3A_733, %swap3A_734] {strides = array<i32>} : memref<4x128xi32, #tpu.memory_space<vmem>>, vector<1x16xi32>,
    %swap3A_736 = vector.shape_cast %swap3A_735 : vector<1x16xi32> to vector<16xi32>
    %swap3A_737 = vector.shape_cast %get3A_731 : vector<16xi32> to vector<1x16xi32>
    tpu.vector_store %arg6[%swap3A_733, %swap3A_734], %swap3A_737 {strides = array<i32>} : memref<4x128xi32, #tpu.memory_space<vmem>>, vector<1x16xi32>,
    %get3A_738 = arith.constant 1 : i32
    %get3A_739 = arith.index_cast %get3A_738 : i32 to index
    %get3A_740 = arith.constant 240 : index
    %get3A_741 = tpu.vector_load %arg5[%get3A_739, %get3A_740] {strides = array<i32>} : memref<50x512xi32, #tpu.memory_space<vmem>>, vector<1x16xi32>,
    %get3A_742 = vector.shape_cast %get3A_741 : vector<1x16xi32> to vector<16xi32>
    %swap3A_743 = arith.constant 1 : i32
    %swap3A_744 = arith.index_cast %swap3A_743 : i32 to index
    %swap3A_745 = arith.constant 112 : index
    %swap3A_746 = tpu.vector_load %arg6[%swap3A_744, %swap3A_745] {strides = array<i32>} : memref<4x128xi32, #tpu.memory_space<vmem>>, vector<1x16xi32>,
    %swap3A_747 = vector.shape_cast %swap3A_746 : vector<1x16xi32> to vector<16xi32>
    %swap3A_748 = vector.shape_cast %get3A_742 : vector<16xi32> to vector<1x16xi32>
    tpu.vector_store %arg6[%swap3A_744, %swap3A_745], %swap3A_748 {strides = array<i32>} : memref<4x128xi32, #tpu.memory_space<vmem>>, vector<1x16xi32>,
    %dma_start3A_749 = arith.constant 1 : i32
    %dma_start3A_750 = arith.constant 1 : i32
    %dma_start3A_751 = arith.constant 0 : i32
    %dma_start3A_752 = arith.constant 0 : i32
    %dma_start3A_753 = tpu.memref_slice %arg7[%dma_start3A_750, %dma_start3A_751, %dma_start3A_752] : memref<4x128x64xf32, #tpu.memory_space<vmem>> -> memref<1x128x64xf32, #tpu.memory_space<vmem>>
    %dma_start3A_754 = tpu.memref_squeeze %dma_start3A_753 : memref<1x128x64xf32, #tpu.memory_space<vmem>> -> memref<128x64xf32, #tpu.memory_space<vmem>>
    %dma_start3A_755 = arith.constant 0 : i32
    %dma_start3A_756 = tpu.memref_slice %arg6[%dma_start3A_749, %dma_start3A_755] : memref<4x128xi32, #tpu.memory_space<vmem>> -> memref<1x128xi32, #tpu.memory_space<vmem>>
    %dma_start3A_757 = tpu.memref_squeeze %dma_start3A_756 : memref<1x128xi32, #tpu.memory_space<vmem>> -> memref<128xi32, #tpu.memory_space<vmem>>
    %dma_start3A_758 = arith.constant 0 : i32
    %dma_start3A_759 = arith.constant 0 : i32
    %dma_start3A_760 = tpu.memref_slice %arg3[%dma_start3A_758, %dma_start3A_759] : memref<1000000x64xf32, #tpu.memory_space<hbm>> -> memref<1000000x64xf32, #tpu.memory_space<hbm>>
    tpu.enqueue_indirect_dma source(%dma_start3A_760 : memref<1000000x64xf32, #tpu.memory_space<hbm>>) target(%dma_start3A_754 : memref<128x64xf32, #tpu.memory_space<vmem>>) offsets(%dma_start3A_757 : memref<128xi32, #tpu.memory_space<vmem>>) semaphore(%arg9 : memref<!tpu.dma_semaphore, #tpu.memory_space<semaphore_mem>>)
    %scan3A = arith.constant 0 : i32
    %scan3A_761 = arith.constant 1 : i32
    %scan3A_762 = arith.constant 48 : i32
    %scan3A_763 = arith.addi %scan3A_761, %scan3A_762 : i32
    %scan3A_764 = arith.constant 1 : i32
    scf.for %scan3A_1204 = %scan3A_761 to %scan3A_763 step %scan3A_764  : i32 {
      %dma_wait3A_1205 = arith.constant 0 : i32
      %dma_wait3A_1206 = arith.constant 0 : i32
      %dma_wait3A_1207 = arith.constant 0 : i32
      %dma_wait3A_1208 = arith.constant 0 : i32
      %dma_wait3A_1209 = tpu.memref_slice %arg7[%dma_wait3A_1206, %dma_wait3A_1207, %dma_wait3A_1208] : memref<4x128x64xf32, #tpu.memory_space<vmem>> -> memref<1x128x64xf32, #tpu.memory_space<vmem>>
      %dma_wait3A_1210 = tpu.memref_squeeze %dma_wait3A_1209 : memref<1x128x64xf32, #tpu.memory_space<vmem>> -> memref<128x64xf32, #tpu.memory_space<vmem>>
      %dma_wait3A_1211 = arith.constant 0 : i32
      %dma_wait3A_1212 = tpu.memref_slice %arg6[%dma_wait3A_1205, %dma_wait3A_1211] : memref<4x128xi32, #tpu.memory_space<vmem>> -> memref<1x128xi32, #tpu.memory_space<vmem>>
      %dma_wait3A_1213 = tpu.memref_squeeze %dma_wait3A_1212 : memref<1x128xi32, #tpu.memory_space<vmem>> -> memref<128xi32, #tpu.memory_space<vmem>>
      %dma_wait3A_1214 = arith.constant 0 : i32
      %dma_wait3A_1215 = arith.constant 0 : i32
      %dma_wait3A_1216 = tpu.memref_slice %arg3[%dma_wait3A_1214, %dma_wait3A_1215] : memref<1000000x64xf32, #tpu.memory_space<hbm>> -> memref<1000000x64xf32, #tpu.memory_space<hbm>>
      tpu.wait_indirect_dma semaphore(%arg8 : memref<!tpu.dma_semaphore, #tpu.memory_space<semaphore_mem>>) src(%dma_wait3A_1216 : memref<1000000x64xf32, #tpu.memory_space<hbm>>) dst(%dma_wait3A_1210 : memref<128x64xf32, #tpu.memory_space<vmem>>)
      %mul3A_1217 = arith.constant 16384 : i32
      %mul3A_1218 = arith.muli %scan3A_1204, %mul3A_1217 : i32
      %add3A_1219 = arith.constant 0 : i32
      %add3A_1220 = arith.addi %mul3A_2, %add3A_1219 : i32
      %add3A_1221 = arith.addi %mul3A_1218, %add3A_1220 : i32
      %dma_start3A_1222 = arith.constant 0 : i32
      %dma_start3A_1223 = arith.constant 0 : i32
      %dma_start3A_1224 = arith.constant 0 : i32
      %dma_start3A_1225 = tpu.memref_slice %arg7[%dma_start3A_1222, %dma_start3A_1223, %dma_start3A_1224] : memref<4x128x64xf32, #tpu.memory_space<vmem>> -> memref<1x128x64xf32, #tpu.memory_space<vmem>>
      %dma_start3A_1226 = tpu.memref_squeeze %dma_start3A_1225 : memref<1x128x64xf32, #tpu.memory_space<vmem>> -> memref<128x64xf32, #tpu.memory_space<vmem>>
      %dma_start3A_1227 = arith.constant 0 : i32
      %dma_start3A_1228 = tpu.memref_slice %arg4[%add3A_1221, %dma_start3A_1227] : memref<819200x64xf32, #tpu.memory_space<hbm>> -> memref<128x64xf32, #tpu.memory_space<hbm>>
      %dma_start3A_1229 = arith.constant 0 : i32
      %dma_start3A_1230 = tpu.memref_slice %arg4[%add3A_1221, %dma_start3A_1229] : memref<819200x64xf32, #tpu.memory_space<hbm>> -> memref<128x64xf32, #tpu.memory_space<hbm>>
      %dma_start3A_1231 = arith.constant 0 : i32
      %dma_start3A_1232 = arith.constant 0 : i32
      %dma_start3A_1233 = tpu.memref_slice %arg7[%dma_start3A_1222, %dma_start3A_1231, %dma_start3A_1232] : memref<4x128x64xf32, #tpu.memory_space<vmem>> -> memref<1x128x64xf32, #tpu.memory_space<vmem>>
      %dma_start3A_1234 = tpu.memref_squeeze %dma_start3A_1233 : memref<1x128x64xf32, #tpu.memory_space<vmem>> -> memref<128x64xf32, #tpu.memory_space<vmem>>
      tpu.enqueue_dma source(%dma_start3A_1234 : memref<128x64xf32, #tpu.memory_space<vmem>>) target(%dma_start3A_1230 : memref<128x64xf32, #tpu.memory_space<hbm>>) target_semaphore(%arg12 : memref<!tpu.dma_semaphore, #tpu.memory_space<semaphore_mem>>)
      %sub3A = arith.constant 1 : i32
      %sub3A_1235 = arith.subi %scan3A_1204, %sub3A : i32
      %mul3A_1236 = arith.constant 16384 : i32
      %mul3A_1237 = arith.muli %sub3A_1235, %mul3A_1236 : i32
      %add3A_1238 = arith.constant 256 : i32
      %add3A_1239 = arith.addi %mul3A_2, %add3A_1238 : i32
      %add3A_1240 = arith.addi %mul3A_1237, %add3A_1239 : i32
      %dma_wait3A_1241 = arith.constant 2 : i32
      %dma_wait3A_1242 = arith.constant 0 : i32
      %dma_wait3A_1243 = arith.constant 0 : i32
      %dma_wait3A_1244 = tpu.memref_slice %arg7[%dma_wait3A_1241, %dma_wait3A_1242, %dma_wait3A_1243] : memref<4x128x64xf32, #tpu.memory_space<vmem>> -> memref<1x128x64xf32, #tpu.memory_space<vmem>>
      %dma_wait3A_1245 = tpu.memref_squeeze %dma_wait3A_1244 : memref<1x128x64xf32, #tpu.memory_space<vmem>> -> memref<128x64xf32, #tpu.memory_space<vmem>>
      %dma_wait3A_1246 = arith.constant 0 : i32
      %dma_wait3A_1247 = tpu.memref_slice %arg4[%add3A_1240, %dma_wait3A_1246] : memref<819200x64xf32, #tpu.memory_space<hbm>> -> memref<128x64xf32, #tpu.memory_space<hbm>>
      %dma_wait3A_1248 = arith.constant 0 : i32
      %dma_wait3A_1249 = tpu.memref_slice %arg4[%add3A_1240, %dma_wait3A_1248] : memref<819200x64xf32, #tpu.memory_space<hbm>> -> memref<128x64xf32, #tpu.memory_space<hbm>>
      %dma_wait3A_1250 = arith.constant 0 : i32
      %dma_wait3A_1251 = arith.constant 0 : i32
      %dma_wait3A_1252 = tpu.memref_slice %arg7[%dma_wait3A_1241, %dma_wait3A_1250, %dma_wait3A_1251] : memref<4x128x64xf32, #tpu.memory_space<vmem>> -> memref<1x128x64xf32, #tpu.memory_space<vmem>>
      %dma_wait3A_1253 = tpu.memref_squeeze %dma_wait3A_1252 : memref<1x128x64xf32, #tpu.memory_space<vmem>> -> memref<128x64xf32, #tpu.memory_space<vmem>>
      tpu.wait_dma2 semaphore(%arg14 : memref<!tpu.dma_semaphore, #tpu.memory_space<semaphore_mem>>) src(%dma_wait3A_1253 : memref<128x64xf32, #tpu.memory_space<vmem>>) dst(%dma_wait3A_1249 : memref<128x64xf32, #tpu.memory_space<hbm>>)
      %get3A_1254 = arith.index_cast %scan3A_1204 : i32 to index
      %get3A_1255 = arith.constant 256 : index
      %get3A_1256 = tpu.vector_load %arg5[%get3A_1254, %get3A_1255] {strides = array<i32>} : memref<50x512xi32, #tpu.memory_space<vmem>>, vector<1x16xi32>,
      %get3A_1257 = vector.shape_cast %get3A_1256 : vector<1x16xi32> to vector<16xi32>
      %swap3A_1258 = arith.constant 2 : i32
      %swap3A_1259 = arith.index_cast %swap3A_1258 : i32 to index
      %swap3A_1260 = arith.constant 0 : index
      %swap3A_1261 = tpu.vector_load %arg6[%swap3A_1259, %swap3A_1260] {strides = array<i32>} : memref<4x128xi32, #tpu.memory_space<vmem>>, vector<1x16xi32>,
      %swap3A_1262 = vector.shape_cast %swap3A_1261 : vector<1x16xi32> to vector<16xi32>
      %swap3A_1263 = vector.shape_cast %get3A_1257 : vector<16xi32> to vector<1x16xi32>
      tpu.vector_store %arg6[%swap3A_1259, %swap3A_1260], %swap3A_1263 {strides = array<i32>} : memref<4x128xi32, #tpu.memory_space<vmem>>, vector<1x16xi32>,
      %get3A_1264 = arith.index_cast %scan3A_1204 : i32 to index
      %get3A_1265 = arith.constant 272 : index
      %get3A_1266 = tpu.vector_load %arg5[%get3A_1264, %get3A_1265] {strides = array<i32>} : memref<50x512xi32, #tpu.memory_space<vmem>>, vector<1x16xi32>,
      %get3A_1267 = vector.shape_cast %get3A_1266 : vector<1x16xi32> to vector<16xi32>
      %swap3A_1268 = arith.constant 2 : i32
      %swap3A_1269 = arith.index_cast %swap3A_1268 : i32 to index
      %swap3A_1270 = arith.constant 16 : index
      %swap3A_1271 = tpu.vector_load %arg6[%swap3A_1269, %swap3A_1270] {strides = array<i32>} : memref<4x128xi32, #tpu.memory_space<vmem>>, vector<1x16xi32>,
      %swap3A_1272 = vector.shape_cast %swap3A_1271 : vector<1x16xi32> to vector<16xi32>
      %swap3A_1273 = vector.shape_cast %get3A_1267 : vector<16xi32> to vector<1x16xi32>
      tpu.vector_store %arg6[%swap3A_1269, %swap3A_1270], %swap3A_1273 {strides = array<i32>} : memref<4x128xi32, #tpu.memory_space<vmem>>, vector<1x16xi32>,
      %get3A_1274 = arith.index_cast %scan3A_1204 : i32 to index
      %get3A_1275 = arith.constant 288 : index
      %get3A_1276 = tpu.vector_load %arg5[%get3A_1274, %get3A_1275] {strides = array<i32>} : memref<50x512xi32, #tpu.memory_space<vmem>>, vector<1x16xi32>,
      %get3A_1277 = vector.shape_cast %get3A_1276 : vector<1x16xi32> to vector<16xi32>
      %swap3A_1278 = arith.constant 2 : i32
      %swap3A_1279 = arith.index_cast %swap3A_1278 : i32 to index
      %swap3A_1280 = arith.constant 32 : index
      %swap3A_1281 = tpu.vector_load %arg6[%swap3A_1279, %swap3A_1280] {strides = array<i32>} : memref<4x128xi32, #tpu.memory_space<vmem>>, vector<1x16xi32>,
      %swap3A_1282 = vector.shape_cast %swap3A_1281 : vector<1x16xi32> to vector<16xi32>
      %swap3A_1283 = vector.shape_cast %get3A_1277 : vector<16xi32> to vector<1x16xi32>
      tpu.vector_store %arg6[%swap3A_1279, %swap3A_1280], %swap3A_1283 {strides = array<i32>} : memref<4x128xi32, #tpu.memory_space<vmem>>, vector<1x16xi32>,
      %get3A_1284 = arith.index_cast %scan3A_1204 : i32 to index
      %get3A_1285 = arith.constant 304 : index
      %get3A_1286 = tpu.vector_load %arg5[%get3A_1284, %get3A_1285] {strides = array<i32>} : memref<50x512xi32, #tpu.memory_space<vmem>>, vector<1x16xi32>,
      %get3A_1287 = vector.shape_cast %get3A_1286 : vector<1x16xi32> to vector<16xi32>
      %swap3A_1288 = arith.constant 2 : i32
      %swap3A_1289 = arith.index_cast %swap3A_1288 : i32 to index
      %swap3A_1290 = arith.constant 48 : index
      %swap3A_1291 = tpu.vector_load %arg6[%swap3A_1289, %swap3A_1290] {strides = array<i32>} : memref<4x128xi32, #tpu.memory_space<vmem>>, vector<1x16xi32>,
      %swap3A_1292 = vector.shape_cast %swap3A_1291 : vector<1x16xi32> to vector<16xi32>
      %swap3A_1293 = vector.shape_cast %get3A_1287 : vector<16xi32> to vector<1x16xi32>
      tpu.vector_store %arg6[%swap3A_1289, %swap3A_1290], %swap3A_1293 {strides = array<i32>} : memref<4x128xi32, #tpu.memory_space<vmem>>, vector<1x16xi32>,
      %get3A_1294 = arith.index_cast %scan3A_1204 : i32 to index
      %get3A_1295 = arith.constant 320 : index
      %get3A_1296 = tpu.vector_load %arg5[%get3A_1294, %get3A_1295] {strides = array<i32>} : memref<50x512xi32, #tpu.memory_space<vmem>>, vector<1x16xi32>,
      %get3A_1297 = vector.shape_cast %get3A_1296 : vector<1x16xi32> to vector<16xi32>
      %swap3A_1298 = arith.constant 2 : i32
      %swap3A_1299 = arith.index_cast %swap3A_1298 : i32 to index
      %swap3A_1300 = arith.constant 64 : index
      %swap3A_1301 = tpu.vector_load %arg6[%swap3A_1299, %swap3A_1300] {strides = array<i32>} : memref<4x128xi32, #tpu.memory_space<vmem>>, vector<1x16xi32>,
      %swap3A_1302 = vector.shape_cast %swap3A_1301 : vector<1x16xi32> to vector<16xi32>
      %swap3A_1303 = vector.shape_cast %get3A_1297 : vector<16xi32> to vector<1x16xi32>
      tpu.vector_store %arg6[%swap3A_1299, %swap3A_1300], %swap3A_1303 {strides = array<i32>} : memref<4x128xi32, #tpu.memory_space<vmem>>, vector<1x16xi32>,
      %get3A_1304 = arith.index_cast %scan3A_1204 : i32 to index
      %get3A_1305 = arith.constant 336 : index
      %get3A_1306 = tpu.vector_load %arg5[%get3A_1304, %get3A_1305] {strides = array<i32>} : memref<50x512xi32, #tpu.memory_space<vmem>>, vector<1x16xi32>,
      %get3A_1307 = vector.shape_cast %get3A_1306 : vector<1x16xi32> to vector<16xi32>
      %swap3A_1308 = arith.constant 2 : i32
      %swap3A_1309 = arith.index_cast %swap3A_1308 : i32 to index
      %swap3A_1310 = arith.constant 80 : index
      %swap3A_1311 = tpu.vector_load %arg6[%swap3A_1309, %swap3A_1310] {strides = array<i32>} : memref<4x128xi32, #tpu.memory_space<vmem>>, vector<1x16xi32>,
      %swap3A_1312 = vector.shape_cast %swap3A_1311 : vector<1x16xi32> to vector<16xi32>
      %swap3A_1313 = vector.shape_cast %get3A_1307 : vector<16xi32> to vector<1x16xi32>
      tpu.vector_store %arg6[%swap3A_1309, %swap3A_1310], %swap3A_1313 {strides = array<i32>} : memref<4x128xi32, #tpu.memory_space<vmem>>, vector<1x16xi32>,
      %get3A_1314 = arith.index_cast %scan3A_1204 : i32 to index
      %get3A_1315 = arith.constant 352 : index
      %get3A_1316 = tpu.vector_load %arg5[%get3A_1314, %get3A_1315] {strides = array<i32>} : memref<50x512xi32, #tpu.memory_space<vmem>>, vector<1x16xi32>,
      %get3A_1317 = vector.shape_cast %get3A_1316 : vector<1x16xi32> to vector<16xi32>
      %swap3A_1318 = arith.constant 2 : i32
      %swap3A_1319 = arith.index_cast %swap3A_1318 : i32 to index
      %swap3A_1320 = arith.constant 96 : index
      %swap3A_1321 = tpu.vector_load %arg6[%swap3A_1319, %swap3A_1320] {strides = array<i32>} : memref<4x128xi32, #tpu.memory_space<vmem>>, vector<1x16xi32>,
      %swap3A_1322 = vector.shape_cast %swap3A_1321 : vector<1x16xi32> to vector<16xi32>
      %swap3A_1323 = vector.shape_cast %get3A_1317 : vector<16xi32> to vector<1x16xi32>
      tpu.vector_store %arg6[%swap3A_1319, %swap3A_1320], %swap3A_1323 {strides = array<i32>} : memref<4x128xi32, #tpu.memory_space<vmem>>, vector<1x16xi32>,
      %get3A_1324 = arith.index_cast %scan3A_1204 : i32 to index
      %get3A_1325 = arith.constant 368 : index
      %get3A_1326 = tpu.vector_load %arg5[%get3A_1324, %get3A_1325] {strides = array<i32>} : memref<50x512xi32, #tpu.memory_space<vmem>>, vector<1x16xi32>,
      %get3A_1327 = vector.shape_cast %get3A_1326 : vector<1x16xi32> to vector<16xi32>
      %swap3A_1328 = arith.constant 2 : i32
      %swap3A_1329 = arith.index_cast %swap3A_1328 : i32 to index
      %swap3A_1330 = arith.constant 112 : index
      %swap3A_1331 = tpu.vector_load %arg6[%swap3A_1329, %swap3A_1330] {strides = array<i32>} : memref<4x128xi32, #tpu.memory_space<vmem>>, vector<1x16xi32>,
      %swap3A_1332 = vector.shape_cast %swap3A_1331 : vector<1x16xi32> to vector<16xi32>
      %swap3A_1333 = vector.shape_cast %get3A_1327 : vector<16xi32> to vector<1x16xi32>
      tpu.vector_store %arg6[%swap3A_1329, %swap3A_1330], %swap3A_1333 {strides = array<i32>} : memref<4x128xi32, #tpu.memory_space<vmem>>, vector<1x16xi32>,
      %dma_start3A_1334 = arith.constant 2 : i32
      %dma_start3A_1335 = arith.constant 2 : i32
      %dma_start3A_1336 = arith.constant 0 : i32
      %dma_start3A_1337 = arith.constant 0 : i32
      %dma_start3A_1338 = tpu.memref_slice %arg7[%dma_start3A_1335, %dma_start3A_1336, %dma_start3A_1337] : memref<4x128x64xf32, #tpu.memory_space<vmem>> -> memref<1x128x64xf32, #tpu.memory_space<vmem>>
      %dma_start3A_1339 = tpu.memref_squeeze %dma_start3A_1338 : memref<1x128x64xf32, #tpu.memory_space<vmem>> -> memref<128x64xf32, #tpu.memory_space<vmem>>
      %dma_start3A_1340 = arith.constant 0 : i32
      %dma_start3A_1341 = tpu.memref_slice %arg6[%dma_start3A_1334, %dma_start3A_1340] : memref<4x128xi32, #tpu.memory_space<vmem>> -> memref<1x128xi32, #tpu.memory_space<vmem>>
      %dma_start3A_1342 = tpu.memref_squeeze %dma_start3A_1341 : memref<1x128xi32, #tpu.memory_space<vmem>> -> memref<128xi32, #tpu.memory_space<vmem>>
      %dma_start3A_1343 = arith.constant 0 : i32
      %dma_start3A_1344 = arith.constant 0 : i32
      %dma_start3A_1345 = tpu.memref_slice %arg3[%dma_start3A_1343, %dma_start3A_1344] : memref<1000000x64xf32, #tpu.memory_space<hbm>> -> memref<1000000x64xf32, #tpu.memory_space<hbm>>
      tpu.enqueue_indirect_dma source(%dma_start3A_1345 : memref<1000000x64xf32, #tpu.memory_space<hbm>>) target(%dma_start3A_1339 : memref<128x64xf32, #tpu.memory_space<vmem>>) offsets(%dma_start3A_1342 : memref<128xi32, #tpu.memory_space<vmem>>) semaphore(%arg10 : memref<!tpu.dma_semaphore, #tpu.memory_space<semaphore_mem>>)
      %dma_wait3A_1346 = arith.constant 1 : i32
      %dma_wait3A_1347 = arith.constant 1 : i32
      %dma_wait3A_1348 = arith.constant 0 : i32
      %dma_wait3A_1349 = arith.constant 0 : i32
      %dma_wait3A_1350 = tpu.memref_slice %arg7[%dma_wait3A_1347, %dma_wait3A_1348, %dma_wait3A_1349] : memref<4x128x64xf32, #tpu.memory_space<vmem>> -> memref<1x128x64xf32, #tpu.memory_space<vmem>>
      %dma_wait3A_1351 = tpu.memref_squeeze %dma_wait3A_1350 : memref<1x128x64xf32, #tpu.memory_space<vmem>> -> memref<128x64xf32, #tpu.memory_space<vmem>>
      %dma_wait3A_1352 = arith.constant 0 : i32
      %dma_wait3A_1353 = tpu.memref_slice %arg6[%dma_wait3A_1346, %dma_wait3A_1352] : memref<4x128xi32, #tpu.memory_space<vmem>> -> memref<1x128xi32, #tpu.memory_space<vmem>>
      %dma_wait3A_1354 = tpu.memref_squeeze %dma_wait3A_1353 : memref<1x128xi32, #tpu.memory_space<vmem>> -> memref<128xi32, #tpu.memory_space<vmem>>
      %dma_wait3A_1355 = arith.constant 0 : i32
      %dma_wait3A_1356 = arith.constant 0 : i32
      %dma_wait3A_1357 = tpu.memref_slice %arg3[%dma_wait3A_1355, %dma_wait3A_1356] : memref<1000000x64xf32, #tpu.memory_space<hbm>> -> memref<1000000x64xf32, #tpu.memory_space<hbm>>
      tpu.wait_indirect_dma semaphore(%arg9 : memref<!tpu.dma_semaphore, #tpu.memory_space<semaphore_mem>>) src(%dma_wait3A_1357 : memref<1000000x64xf32, #tpu.memory_space<hbm>>) dst(%dma_wait3A_1351 : memref<128x64xf32, #tpu.memory_space<vmem>>)
      %mul3A_1358 = arith.constant 16384 : i32
      %mul3A_1359 = arith.muli %scan3A_1204, %mul3A_1358 : i32
      %add3A_1360 = arith.constant 128 : i32
      %add3A_1361 = arith.addi %mul3A_2, %add3A_1360 : i32
      %add3A_1362 = arith.addi %mul3A_1359, %add3A_1361 : i32
      %dma_start3A_1363 = arith.constant 1 : i32
      %dma_start3A_1364 = arith.constant 0 : i32
      %dma_start3A_1365 = arith.constant 0 : i32
      %dma_start3A_1366 = tpu.memref_slice %arg7[%dma_start3A_1363, %dma_start3A_1364, %dma_start3A_1365] : memref<4x128x64xf32, #tpu.memory_space<vmem>> -> memref<1x128x64xf32, #tpu.memory_space<vmem>>
      %dma_start3A_1367 = tpu.memref_squeeze %dma_start3A_1366 : memref<1x128x64xf32, #tpu.memory_space<vmem>> -> memref<128x64xf32, #tpu.memory_space<vmem>>
      %dma_start3A_1368 = arith.constant 0 : i32
      %dma_start3A_1369 = tpu.memref_slice %arg4[%add3A_1362, %dma_start3A_1368] : memref<819200x64xf32, #tpu.memory_space<hbm>> -> memref<128x64xf32, #tpu.memory_space<hbm>>
      %dma_start3A_1370 = arith.constant 0 : i32
      %dma_start3A_1371 = tpu.memref_slice %arg4[%add3A_1362, %dma_start3A_1370] : memref<819200x64xf32, #tpu.memory_space<hbm>> -> memref<128x64xf32, #tpu.memory_space<hbm>>
      %dma_start3A_1372 = arith.constant 0 : i32
      %dma_start3A_1373 = arith.constant 0 : i32
      %dma_start3A_1374 = tpu.memref_slice %arg7[%dma_start3A_1363, %dma_start3A_1372, %dma_start3A_1373] : memref<4x128x64xf32, #tpu.memory_space<vmem>> -> memref<1x128x64xf32, #tpu.memory_space<vmem>>
      %dma_start3A_1375 = tpu.memref_squeeze %dma_start3A_1374 : memref<1x128x64xf32, #tpu.memory_space<vmem>> -> memref<128x64xf32, #tpu.memory_space<vmem>>
      tpu.enqueue_dma source(%dma_start3A_1375 : memref<128x64xf32, #tpu.memory_space<vmem>>) target(%dma_start3A_1371 : memref<128x64xf32, #tpu.memory_space<hbm>>) target_semaphore(%arg13 : memref<!tpu.dma_semaphore, #tpu.memory_space<semaphore_mem>>)
      %sub3A_1376 = arith.constant 1 : i32
      %sub3A_1377 = arith.subi %scan3A_1204, %sub3A_1376 : i32
      %mul3A_1378 = arith.constant 16384 : i32
      %mul3A_1379 = arith.muli %sub3A_1377, %mul3A_1378 : i32
      %add3A_1380 = arith.constant 384 : i32
      %add3A_1381 = arith.addi %mul3A_2, %add3A_1380 : i32
      %add3A_1382 = arith.addi %mul3A_1379, %add3A_1381 : i32
      %dma_wait3A_1383 = arith.constant 3 : i32
      %dma_wait3A_1384 = arith.constant 0 : i32
      %dma_wait3A_1385 = arith.constant 0 : i32
      %dma_wait3A_1386 = tpu.memref_slice %arg7[%dma_wait3A_1383, %dma_wait3A_1384, %dma_wait3A_1385] : memref<4x128x64xf32, #tpu.memory_space<vmem>> -> memref<1x128x64xf32, #tpu.memory_space<vmem>>
      %dma_wait3A_1387 = tpu.memref_squeeze %dma_wait3A_1386 : memref<1x128x64xf32, #tpu.memory_space<vmem>> -> memref<128x64xf32, #tpu.memory_space<vmem>>
      %dma_wait3A_1388 = arith.constant 0 : i32
      %dma_wait3A_1389 = tpu.memref_slice %arg4[%add3A_1382, %dma_wait3A_1388] : memref<819200x64xf32, #tpu.memory_space<hbm>> -> memref<128x64xf32, #tpu.memory_space<hbm>>
      %dma_wait3A_1390 = arith.constant 0 : i32
      %dma_wait3A_1391 = tpu.memref_slice %arg4[%add3A_1382, %dma_wait3A_1390] : memref<819200x64xf32, #tpu.memory_space<hbm>> -> memref<128x64xf32, #tpu.memory_space<hbm>>
      %dma_wait3A_1392 = arith.constant 0 : i32
      %dma_wait3A_1393 = arith.constant 0 : i32
      %dma_wait3A_1394 = tpu.memref_slice %arg7[%dma_wait3A_1383, %dma_wait3A_1392, %dma_wait3A_1393] : memref<4x128x64xf32, #tpu.memory_space<vmem>> -> memref<1x128x64xf32, #tpu.memory_space<vmem>>
      %dma_wait3A_1395 = tpu.memref_squeeze %dma_wait3A_1394 : memref<1x128x64xf32, #tpu.memory_space<vmem>> -> memref<128x64xf32, #tpu.memory_space<vmem>>
      tpu.wait_dma2 semaphore(%arg15 : memref<!tpu.dma_semaphore, #tpu.memory_space<semaphore_mem>>) src(%dma_wait3A_1395 : memref<128x64xf32, #tpu.memory_space<vmem>>) dst(%dma_wait3A_1391 : memref<128x64xf32, #tpu.memory_space<hbm>>)
      %get3A_1396 = arith.index_cast %scan3A_1204 : i32 to index
      %get3A_1397 = arith.constant 384 : index
      %get3A_1398 = tpu.vector_load %arg5[%get3A_1396, %get3A_1397] {strides = array<i32>} : memref<50x512xi32, #tpu.memory_space<vmem>>, vector<1x16xi32>,
      %get3A_1399 = vector.shape_cast %get3A_1398 : vector<1x16xi32> to vector<16xi32>
      %swap3A_1400 = arith.constant 3 : i32
      %swap3A_1401 = arith.index_cast %swap3A_1400 : i32 to index
      %swap3A_1402 = arith.constant 0 : index
      %swap3A_1403 = tpu.vector_load %arg6[%swap3A_1401, %swap3A_1402] {strides = array<i32>} : memref<4x128xi32, #tpu.memory_space<vmem>>, vector<1x16xi32>,
      %swap3A_1404 = vector.shape_cast %swap3A_1403 : vector<1x16xi32> to vector<16xi32>
      %swap3A_1405 = vector.shape_cast %get3A_1399 : vector<16xi32> to vector<1x16xi32>
      tpu.vector_store %arg6[%swap3A_1401, %swap3A_1402], %swap3A_1405 {strides = array<i32>} : memref<4x128xi32, #tpu.memory_space<vmem>>, vector<1x16xi32>,
      %get3A_1406 = arith.index_cast %scan3A_1204 : i32 to index
      %get3A_1407 = arith.constant 400 : index
      %get3A_1408 = tpu.vector_load %arg5[%get3A_1406, %get3A_1407] {strides = array<i32>} : memref<50x512xi32, #tpu.memory_space<vmem>>, vector<1x16xi32>,
      %get3A_1409 = vector.shape_cast %get3A_1408 : vector<1x16xi32> to vector<16xi32>
      %swap3A_1410 = arith.constant 3 : i32
      %swap3A_1411 = arith.index_cast %swap3A_1410 : i32 to index
      %swap3A_1412 = arith.constant 16 : index
      %swap3A_1413 = tpu.vector_load %arg6[%swap3A_1411, %swap3A_1412] {strides = array<i32>} : memref<4x128xi32, #tpu.memory_space<vmem>>, vector<1x16xi32>,
      %swap3A_1414 = vector.shape_cast %swap3A_1413 : vector<1x16xi32> to vector<16xi32>
      %swap3A_1415 = vector.shape_cast %get3A_1409 : vector<16xi32> to vector<1x16xi32>
      tpu.vector_store %arg6[%swap3A_1411, %swap3A_1412], %swap3A_1415 {strides = array<i32>} : memref<4x128xi32, #tpu.memory_space<vmem>>, vector<1x16xi32>,
      %get3A_1416 = arith.index_cast %scan3A_1204 : i32 to index
      %get3A_1417 = arith.constant 416 : index
      %get3A_1418 = tpu.vector_load %arg5[%get3A_1416, %get3A_1417] {strides = array<i32>} : memref<50x512xi32, #tpu.memory_space<vmem>>, vector<1x16xi32>,
      %get3A_1419 = vector.shape_cast %get3A_1418 : vector<1x16xi32> to vector<16xi32>
      %swap3A_1420 = arith.constant 3 : i32
      %swap3A_1421 = arith.index_cast %swap3A_1420 : i32 to index
      %swap3A_1422 = arith.constant 32 : index
      %swap3A_1423 = tpu.vector_load %arg6[%swap3A_1421, %swap3A_1422] {strides = array<i32>} : memref<4x128xi32, #tpu.memory_space<vmem>>, vector<1x16xi32>,
      %swap3A_1424 = vector.shape_cast %swap3A_1423 : vector<1x16xi32> to vector<16xi32>
      %swap3A_1425 = vector.shape_cast %get3A_1419 : vector<16xi32> to vector<1x16xi32>
      tpu.vector_store %arg6[%swap3A_1421, %swap3A_1422], %swap3A_1425 {strides = array<i32>} : memref<4x128xi32, #tpu.memory_space<vmem>>, vector<1x16xi32>,
      %get3A_1426 = arith.index_cast %scan3A_1204 : i32 to index
      %get3A_1427 = arith.constant 432 : index
      %get3A_1428 = tpu.vector_load %arg5[%get3A_1426, %get3A_1427] {strides = array<i32>} : memref<50x512xi32, #tpu.memory_space<vmem>>, vector<1x16xi32>,
      %get3A_1429 = vector.shape_cast %get3A_1428 : vector<1x16xi32> to vector<16xi32>
      %swap3A_1430 = arith.constant 3 : i32
      %swap3A_1431 = arith.index_cast %swap3A_1430 : i32 to index
      %swap3A_1432 = arith.constant 48 : index
      %swap3A_1433 = tpu.vector_load %arg6[%swap3A_1431, %swap3A_1432] {strides = array<i32>} : memref<4x128xi32, #tpu.memory_space<vmem>>, vector<1x16xi32>,
      %swap3A_1434 = vector.shape_cast %swap3A_1433 : vector<1x16xi32> to vector<16xi32>
      %swap3A_1435 = vector.shape_cast %get3A_1429 : vector<16xi32> to vector<1x16xi32>
      tpu.vector_store %arg6[%swap3A_1431, %swap3A_1432], %swap3A_1435 {strides = array<i32>} : memref<4x128xi32, #tpu.memory_space<vmem>>, vector<1x16xi32>,
      %get3A_1436 = arith.index_cast %scan3A_1204 : i32 to index
      %get3A_1437 = arith.constant 448 : index
      %get3A_1438 = tpu.vector_load %arg5[%get3A_1436, %get3A_1437] {strides = array<i32>} : memref<50x512xi32, #tpu.memory_space<vmem>>, vector<1x16xi32>,
      %get3A_1439 = vector.shape_cast %get3A_1438 : vector<1x16xi32> to vector<16xi32>
      %swap3A_1440 = arith.constant 3 : i32
      %swap3A_1441 = arith.index_cast %swap3A_1440 : i32 to index
      %swap3A_1442 = arith.constant 64 : index
      %swap3A_1443 = tpu.vector_load %arg6[%swap3A_1441, %swap3A_1442] {strides = array<i32>} : memref<4x128xi32, #tpu.memory_space<vmem>>, vector<1x16xi32>,
      %swap3A_1444 = vector.shape_cast %swap3A_1443 : vector<1x16xi32> to vector<16xi32>
      %swap3A_1445 = vector.shape_cast %get3A_1439 : vector<16xi32> to vector<1x16xi32>
      tpu.vector_store %arg6[%swap3A_1441, %swap3A_1442], %swap3A_1445 {strides = array<i32>} : memref<4x128xi32, #tpu.memory_space<vmem>>, vector<1x16xi32>,
      %get3A_1446 = arith.index_cast %scan3A_1204 : i32 to index
      %get3A_1447 = arith.constant 464 : index
      %get3A_1448 = tpu.vector_load %arg5[%get3A_1446, %get3A_1447] {strides = array<i32>} : memref<50x512xi32, #tpu.memory_space<vmem>>, vector<1x16xi32>,
      %get3A_1449 = vector.shape_cast %get3A_1448 : vector<1x16xi32> to vector<16xi32>
      %swap3A_1450 = arith.constant 3 : i32
      %swap3A_1451 = arith.index_cast %swap3A_1450 : i32 to index
      %swap3A_1452 = arith.constant 80 : index
      %swap3A_1453 = tpu.vector_load %arg6[%swap3A_1451, %swap3A_1452] {strides = array<i32>} : memref<4x128xi32, #tpu.memory_space<vmem>>, vector<1x16xi32>,
      %swap3A_1454 = vector.shape_cast %swap3A_1453 : vector<1x16xi32> to vector<16xi32>
      %swap3A_1455 = vector.shape_cast %get3A_1449 : vector<16xi32> to vector<1x16xi32>
      tpu.vector_store %arg6[%swap3A_1451, %swap3A_1452], %swap3A_1455 {strides = array<i32>} : memref<4x128xi32, #tpu.memory_space<vmem>>, vector<1x16xi32>,
      %get3A_1456 = arith.index_cast %scan3A_1204 : i32 to index
      %get3A_1457 = arith.constant 480 : index
      %get3A_1458 = tpu.vector_load %arg5[%get3A_1456, %get3A_1457] {strides = array<i32>} : memref<50x512xi32, #tpu.memory_space<vmem>>, vector<1x16xi32>,
      %get3A_1459 = vector.shape_cast %get3A_1458 : vector<1x16xi32> to vector<16xi32>
      %swap3A_1460 = arith.constant 3 : i32
      %swap3A_1461 = arith.index_cast %swap3A_1460 : i32 to index
      %swap3A_1462 = arith.constant 96 : index
      %swap3A_1463 = tpu.vector_load %arg6[%swap3A_1461, %swap3A_1462] {strides = array<i32>} : memref<4x128xi32, #tpu.memory_space<vmem>>, vector<1x16xi32>,
      %swap3A_1464 = vector.shape_cast %swap3A_1463 : vector<1x16xi32> to vector<16xi32>
      %swap3A_1465 = vector.shape_cast %get3A_1459 : vector<16xi32> to vector<1x16xi32>
      tpu.vector_store %arg6[%swap3A_1461, %swap3A_1462], %swap3A_1465 {strides = array<i32>} : memref<4x128xi32, #tpu.memory_space<vmem>>, vector<1x16xi32>,
      %get3A_1466 = arith.index_cast %scan3A_1204 : i32 to index
      %get3A_1467 = arith.constant 496 : index
      %get3A_1468 = tpu.vector_load %arg5[%get3A_1466, %get3A_1467] {strides = array<i32>} : memref<50x512xi32, #tpu.memory_space<vmem>>, vector<1x16xi32>,
      %get3A_1469 = vector.shape_cast %get3A_1468 : vector<1x16xi32> to vector<16xi32>
      %swap3A_1470 = arith.constant 3 : i32
      %swap3A_1471 = arith.index_cast %swap3A_1470 : i32 to index
      %swap3A_1472 = arith.constant 112 : index
      %swap3A_1473 = tpu.vector_load %arg6[%swap3A_1471, %swap3A_1472] {strides = array<i32>} : memref<4x128xi32, #tpu.memory_space<vmem>>, vector<1x16xi32>,
      %swap3A_1474 = vector.shape_cast %swap3A_1473 : vector<1x16xi32> to vector<16xi32>
      %swap3A_1475 = vector.shape_cast %get3A_1469 : vector<16xi32> to vector<1x16xi32>
      tpu.vector_store %arg6[%swap3A_1471, %swap3A_1472], %swap3A_1475 {strides = array<i32>} : memref<4x128xi32, #tpu.memory_space<vmem>>, vector<1x16xi32>,
      %dma_start3A_1476 = arith.constant 3 : i32
      %dma_start3A_1477 = arith.constant 3 : i32
      %dma_start3A_1478 = arith.constant 0 : i32
      %dma_start3A_1479 = arith.constant 0 : i32
      %dma_start3A_1480 = tpu.memref_slice %arg7[%dma_start3A_1477, %dma_start3A_1478, %dma_start3A_1479] : memref<4x128x64xf32, #tpu.memory_space<vmem>> -> memref<1x128x64xf32, #tpu.memory_space<vmem>>
      %dma_start3A_1481 = tpu.memref_squeeze %dma_start3A_1480 : memref<1x128x64xf32, #tpu.memory_space<vmem>> -> memref<128x64xf32, #tpu.memory_space<vmem>>
      %dma_start3A_1482 = arith.constant 0 : i32
      %dma_start3A_1483 = tpu.memref_slice %arg6[%dma_start3A_1476, %dma_start3A_1482] : memref<4x128xi32, #tpu.memory_space<vmem>> -> memref<1x128xi32, #tpu.memory_space<vmem>>
      %dma_start3A_1484 = tpu.memref_squeeze %dma_start3A_1483 : memref<1x128xi32, #tpu.memory_space<vmem>> -> memref<128xi32, #tpu.memory_space<vmem>>
      %dma_start3A_1485 = arith.constant 0 : i32
      %dma_start3A_1486 = arith.constant 0 : i32
      %dma_start3A_1487 = tpu.memref_slice %arg3[%dma_start3A_1485, %dma_start3A_1486] : memref<1000000x64xf32, #tpu.memory_space<hbm>> -> memref<1000000x64xf32, #tpu.memory_space<hbm>>
      tpu.enqueue_indirect_dma source(%dma_start3A_1487 : memref<1000000x64xf32, #tpu.memory_space<hbm>>) target(%dma_start3A_1481 : memref<128x64xf32, #tpu.memory_space<vmem>>) offsets(%dma_start3A_1484 : memref<128xi32, #tpu.memory_space<vmem>>) semaphore(%arg11 : memref<!tpu.dma_semaphore, #tpu.memory_space<semaphore_mem>>)
      %dma_wait3A_1488 = arith.constant 2 : i32
      %dma_wait3A_1489 = arith.constant 2 : i32
      %dma_wait3A_1490 = arith.constant 0 : i32
      %dma_wait3A_1491 = arith.constant 0 : i32
      %dma_wait3A_1492 = tpu.memref_slice %arg7[%dma_wait3A_1489, %dma_wait3A_1490, %dma_wait3A_1491] : memref<4x128x64xf32, #tpu.memory_space<vmem>> -> memref<1x128x64xf32, #tpu.memory_space<vmem>>
      %dma_wait3A_1493 = tpu.memref_squeeze %dma_wait3A_1492 : memref<1x128x64xf32, #tpu.memory_space<vmem>> -> memref<128x64xf32, #tpu.memory_space<vmem>>
      %dma_wait3A_1494 = arith.constant 0 : i32
      %dma_wait3A_1495 = tpu.memref_slice %arg6[%dma_wait3A_1488, %dma_wait3A_1494] : memref<4x128xi32, #tpu.memory_space<vmem>> -> memref<1x128xi32, #tpu.memory_space<vmem>>
      %dma_wait3A_1496 = tpu.memref_squeeze %dma_wait3A_1495 : memref<1x128xi32, #tpu.memory_space<vmem>> -> memref<128xi32, #tpu.memory_space<vmem>>
      %dma_wait3A_1497 = arith.constant 0 : i32
      %dma_wait3A_1498 = arith.constant 0 : i32
      %dma_wait3A_1499 = tpu.memref_slice %arg3[%dma_wait3A_1497, %dma_wait3A_1498] : memref<1000000x64xf32, #tpu.memory_space<hbm>> -> memref<1000000x64xf32, #tpu.memory_space<hbm>>
      tpu.wait_indirect_dma semaphore(%arg10 : memref<!tpu.dma_semaphore, #tpu.memory_space<semaphore_mem>>) src(%dma_wait3A_1499 : memref<1000000x64xf32, #tpu.memory_space<hbm>>) dst(%dma_wait3A_1493 : memref<128x64xf32, #tpu.memory_space<vmem>>)
      %mul3A_1500 = arith.constant 16384 : i32
      %mul3A_1501 = arith.muli %scan3A_1204, %mul3A_1500 : i32
      %add3A_1502 = arith.constant 256 : i32
      %add3A_1503 = arith.addi %mul3A_2, %add3A_1502 : i32
      %add3A_1504 = arith.addi %mul3A_1501, %add3A_1503 : i32
      %dma_start3A_1505 = arith.constant 2 : i32
      %dma_start3A_1506 = arith.constant 0 : i32
      %dma_start3A_1507 = arith.constant 0 : i32
      %dma_start3A_1508 = tpu.memref_slice %arg7[%dma_start3A_1505, %dma_start3A_1506, %dma_start3A_1507] : memref<4x128x64xf32, #tpu.memory_space<vmem>> -> memref<1x128x64xf32, #tpu.memory_space<vmem>>
      %dma_start3A_1509 = tpu.memref_squeeze %dma_start3A_1508 : memref<1x128x64xf32, #tpu.memory_space<vmem>> -> memref<128x64xf32, #tpu.memory_space<vmem>>
      %dma_start3A_1510 = arith.constant 0 : i32
      %dma_start3A_1511 = tpu.memref_slice %arg4[%add3A_1504, %dma_start3A_1510] : memref<819200x64xf32, #tpu.memory_space<hbm>> -> memref<128x64xf32, #tpu.memory_space<hbm>>
      %dma_start3A_1512 = arith.constant 0 : i32
      %dma_start3A_1513 = tpu.memref_slice %arg4[%add3A_1504, %dma_start3A_1512] : memref<819200x64xf32, #tpu.memory_space<hbm>> -> memref<128x64xf32, #tpu.memory_space<hbm>>
      %dma_start3A_1514 = arith.constant 0 : i32
      %dma_start3A_1515 = arith.constant 0 : i32
      %dma_start3A_1516 = tpu.memref_slice %arg7[%dma_start3A_1505, %dma_start3A_1514, %dma_start3A_1515] : memref<4x128x64xf32, #tpu.memory_space<vmem>> -> memref<1x128x64xf32, #tpu.memory_space<vmem>>
      %dma_start3A_1517 = tpu.memref_squeeze %dma_start3A_1516 : memref<1x128x64xf32, #tpu.memory_space<vmem>> -> memref<128x64xf32, #tpu.memory_space<vmem>>
      tpu.enqueue_dma source(%dma_start3A_1517 : memref<128x64xf32, #tpu.memory_space<vmem>>) target(%dma_start3A_1513 : memref<128x64xf32, #tpu.memory_space<hbm>>) target_semaphore(%arg14 : memref<!tpu.dma_semaphore, #tpu.memory_space<semaphore_mem>>)
      %mul3A_1518 = arith.constant 16384 : i32
      %mul3A_1519 = arith.muli %scan3A_1204, %mul3A_1518 : i32
      %add3A_1520 = arith.constant 0 : i32
      %add3A_1521 = arith.addi %mul3A_2, %add3A_1520 : i32
      %add3A_1522 = arith.addi %mul3A_1519, %add3A_1521 : i32
      %dma_wait3A_1523 = arith.constant 0 : i32
      %dma_wait3A_1524 = arith.constant 0 : i32
      %dma_wait3A_1525 = arith.constant 0 : i32
      %dma_wait3A_1526 = tpu.memref_slice %arg7[%dma_wait3A_1523, %dma_wait3A_1524, %dma_wait3A_1525] : memref<4x128x64xf32, #tpu.memory_space<vmem>> -> memref<1x128x64xf32, #tpu.memory_space<vmem>>
      %dma_wait3A_1527 = tpu.memref_squeeze %dma_wait3A_1526 : memref<1x128x64xf32, #tpu.memory_space<vmem>> -> memref<128x64xf32, #tpu.memory_space<vmem>>
      %dma_wait3A_1528 = arith.constant 0 : i32
      %dma_wait3A_1529 = tpu.memref_slice %arg4[%add3A_1522, %dma_wait3A_1528] : memref<819200x64xf32, #tpu.memory_space<hbm>> -> memref<128x64xf32, #tpu.memory_space<hbm>>
      %dma_wait3A_1530 = arith.constant 0 : i32
      %dma_wait3A_1531 = tpu.memref_slice %arg4[%add3A_1522, %dma_wait3A_1530] : memref<819200x64xf32, #tpu.memory_space<hbm>> -> memref<128x64xf32, #tpu.memory_space<hbm>>
      %dma_wait3A_1532 = arith.constant 0 : i32
      %dma_wait3A_1533 = arith.constant 0 : i32
      %dma_wait3A_1534 = tpu.memref_slice %arg7[%dma_wait3A_1523, %dma_wait3A_1532, %dma_wait3A_1533] : memref<4x128x64xf32, #tpu.memory_space<vmem>> -> memref<1x128x64xf32, #tpu.memory_space<vmem>>
      %dma_wait3A_1535 = tpu.memref_squeeze %dma_wait3A_1534 : memref<1x128x64xf32, #tpu.memory_space<vmem>> -> memref<128x64xf32, #tpu.memory_space<vmem>>
      tpu.wait_dma2 semaphore(%arg12 : memref<!tpu.dma_semaphore, #tpu.memory_space<semaphore_mem>>) src(%dma_wait3A_1535 : memref<128x64xf32, #tpu.memory_space<vmem>>) dst(%dma_wait3A_1531 : memref<128x64xf32, #tpu.memory_space<hbm>>)
      %add3A_1536 = arith.constant 1 : i32
      %add3A_1537 = arith.addi %scan3A_1204, %add3A_1536 : i32
      %get3A_1538 = arith.index_cast %add3A_1537 : i32 to index
      %get3A_1539 = arith.constant 0 : index
      %get3A_1540 = tpu.vector_load %arg5[%get3A_1538, %get3A_1539] {strides = array<i32>} : memref<50x512xi32, #tpu.memory_space<vmem>>, vector<1x16xi32>,
      %get3A_1541 = vector.shape_cast %get3A_1540 : vector<1x16xi32> to vector<16xi32>
      %swap3A_1542 = arith.constant 0 : i32
      %swap3A_1543 = arith.index_cast %swap3A_1542 : i32 to index
      %swap3A_1544 = arith.constant 0 : index
      %swap3A_1545 = tpu.vector_load %arg6[%swap3A_1543, %swap3A_1544] {strides = array<i32>} : memref<4x128xi32, #tpu.memory_space<vmem>>, vector<1x16xi32>,
      %swap3A_1546 = vector.shape_cast %swap3A_1545 : vector<1x16xi32> to vector<16xi32>
      %swap3A_1547 = vector.shape_cast %get3A_1541 : vector<16xi32> to vector<1x16xi32>
      tpu.vector_store %arg6[%swap3A_1543, %swap3A_1544], %swap3A_1547 {strides = array<i32>} : memref<4x128xi32, #tpu.memory_space<vmem>>, vector<1x16xi32>,
      %get3A_1548 = arith.index_cast %add3A_1537 : i32 to index
      %get3A_1549 = arith.constant 16 : index
      %get3A_1550 = tpu.vector_load %arg5[%get3A_1548, %get3A_1549] {strides = array<i32>} : memref<50x512xi32, #tpu.memory_space<vmem>>, vector<1x16xi32>,
      %get3A_1551 = vector.shape_cast %get3A_1550 : vector<1x16xi32> to vector<16xi32>
      %swap3A_1552 = arith.constant 0 : i32
      %swap3A_1553 = arith.index_cast %swap3A_1552 : i32 to index
      %swap3A_1554 = arith.constant 16 : index
      %swap3A_1555 = tpu.vector_load %arg6[%swap3A_1553, %swap3A_1554] {strides = array<i32>} : memref<4x128xi32, #tpu.memory_space<vmem>>, vector<1x16xi32>,
      %swap3A_1556 = vector.shape_cast %swap3A_1555 : vector<1x16xi32> to vector<16xi32>
      %swap3A_1557 = vector.shape_cast %get3A_1551 : vector<16xi32> to vector<1x16xi32>
      tpu.vector_store %arg6[%swap3A_1553, %swap3A_1554], %swap3A_1557 {strides = array<i32>} : memref<4x128xi32, #tpu.memory_space<vmem>>, vector<1x16xi32>,
      %get3A_1558 = arith.index_cast %add3A_1537 : i32 to index
      %get3A_1559 = arith.constant 32 : index
      %get3A_1560 = tpu.vector_load %arg5[%get3A_1558, %get3A_1559] {strides = array<i32>} : memref<50x512xi32, #tpu.memory_space<vmem>>, vector<1x16xi32>,
      %get3A_1561 = vector.shape_cast %get3A_1560 : vector<1x16xi32> to vector<16xi32>
      %swap3A_1562 = arith.constant 0 : i32
      %swap3A_1563 = arith.index_cast %swap3A_1562 : i32 to index
      %swap3A_1564 = arith.constant 32 : index
      %swap3A_1565 = tpu.vector_load %arg6[%swap3A_1563, %swap3A_1564] {strides = array<i32>} : memref<4x128xi32, #tpu.memory_space<vmem>>, vector<1x16xi32>,
      %swap3A_1566 = vector.shape_cast %swap3A_1565 : vector<1x16xi32> to vector<16xi32>
      %swap3A_1567 = vector.shape_cast %get3A_1561 : vector<16xi32> to vector<1x16xi32>
      tpu.vector_store %arg6[%swap3A_1563, %swap3A_1564], %swap3A_1567 {strides = array<i32>} : memref<4x128xi32, #tpu.memory_space<vmem>>, vector<1x16xi32>,
      %get3A_1568 = arith.index_cast %add3A_1537 : i32 to index
      %get3A_1569 = arith.constant 48 : index
      %get3A_1570 = tpu.vector_load %arg5[%get3A_1568, %get3A_1569] {strides = array<i32>} : memref<50x512xi32, #tpu.memory_space<vmem>>, vector<1x16xi32>,
      %get3A_1571 = vector.shape_cast %get3A_1570 : vector<1x16xi32> to vector<16xi32>
      %swap3A_1572 = arith.constant 0 : i32
      %swap3A_1573 = arith.index_cast %swap3A_1572 : i32 to index
      %swap3A_1574 = arith.constant 48 : index
      %swap3A_1575 = tpu.vector_load %arg6[%swap3A_1573, %swap3A_1574] {strides = array<i32>} : memref<4x128xi32, #tpu.memory_space<vmem>>, vector<1x16xi32>,
      %swap3A_1576 = vector.shape_cast %swap3A_1575 : vector<1x16xi32> to vector<16xi32>
      %swap3A_1577 = vector.shape_cast %get3A_1571 : vector<16xi32> to vector<1x16xi32>
      tpu.vector_store %arg6[%swap3A_1573, %swap3A_1574], %swap3A_1577 {strides = array<i32>} : memref<4x128xi32, #tpu.memory_space<vmem>>, vector<1x16xi32>,
      %get3A_1578 = arith.index_cast %add3A_1537 : i32 to index
      %get3A_1579 = arith.constant 64 : index
      %get3A_1580 = tpu.vector_load %arg5[%get3A_1578, %get3A_1579] {strides = array<i32>} : memref<50x512xi32, #tpu.memory_space<vmem>>, vector<1x16xi32>,
      %get3A_1581 = vector.shape_cast %get3A_1580 : vector<1x16xi32> to vector<16xi32>
      %swap3A_1582 = arith.constant 0 : i32
      %swap3A_1583 = arith.index_cast %swap3A_1582 : i32 to index
      %swap3A_1584 = arith.constant 64 : index
      %swap3A_1585 = tpu.vector_load %arg6[%swap3A_1583, %swap3A_1584] {strides = array<i32>} : memref<4x128xi32, #tpu.memory_space<vmem>>, vector<1x16xi32>,
      %swap3A_1586 = vector.shape_cast %swap3A_1585 : vector<1x16xi32> to vector<16xi32>
      %swap3A_1587 = vector.shape_cast %get3A_1581 : vector<16xi32> to vector<1x16xi32>
      tpu.vector_store %arg6[%swap3A_1583, %swap3A_1584], %swap3A_1587 {strides = array<i32>} : memref<4x128xi32, #tpu.memory_space<vmem>>, vector<1x16xi32>,
      %get3A_1588 = arith.index_cast %add3A_1537 : i32 to index
      %get3A_1589 = arith.constant 80 : index
      %get3A_1590 = tpu.vector_load %arg5[%get3A_1588, %get3A_1589] {strides = array<i32>} : memref<50x512xi32, #tpu.memory_space<vmem>>, vector<1x16xi32>,
      %get3A_1591 = vector.shape_cast %get3A_1590 : vector<1x16xi32> to vector<16xi32>
      %swap3A_1592 = arith.constant 0 : i32
      %swap3A_1593 = arith.index_cast %swap3A_1592 : i32 to index
      %swap3A_1594 = arith.constant 80 : index
      %swap3A_1595 = tpu.vector_load %arg6[%swap3A_1593, %swap3A_1594] {strides = array<i32>} : memref<4x128xi32, #tpu.memory_space<vmem>>, vector<1x16xi32>,
      %swap3A_1596 = vector.shape_cast %swap3A_1595 : vector<1x16xi32> to vector<16xi32>
      %swap3A_1597 = vector.shape_cast %get3A_1591 : vector<16xi32> to vector<1x16xi32>
      tpu.vector_store %arg6[%swap3A_1593, %swap3A_1594], %swap3A_1597 {strides = array<i32>} : memref<4x128xi32, #tpu.memory_space<vmem>>, vector<1x16xi32>,
      %get3A_1598 = arith.index_cast %add3A_1537 : i32 to index
      %get3A_1599 = arith.constant 96 : index
      %get3A_1600 = tpu.vector_load %arg5[%get3A_1598, %get3A_1599] {strides = array<i32>} : memref<50x512xi32, #tpu.memory_space<vmem>>, vector<1x16xi32>,
      %get3A_1601 = vector.shape_cast %get3A_1600 : vector<1x16xi32> to vector<16xi32>
      %swap3A_1602 = arith.constant 0 : i32
      %swap3A_1603 = arith.index_cast %swap3A_1602 : i32 to index
      %swap3A_1604 = arith.constant 96 : index
      %swap3A_1605 = tpu.vector_load %arg6[%swap3A_1603, %swap3A_1604] {strides = array<i32>} : memref<4x128xi32, #tpu.memory_space<vmem>>, vector<1x16xi32>,
      %swap3A_1606 = vector.shape_cast %swap3A_1605 : vector<1x16xi32> to vector<16xi32>
      %swap3A_1607 = vector.shape_cast %get3A_1601 : vector<16xi32> to vector<1x16xi32>
      tpu.vector_store %arg6[%swap3A_1603, %swap3A_1604], %swap3A_1607 {strides = array<i32>} : memref<4x128xi32, #tpu.memory_space<vmem>>, vector<1x16xi32>,
      %get3A_1608 = arith.index_cast %add3A_1537 : i32 to index
      %get3A_1609 = arith.constant 112 : index
      %get3A_1610 = tpu.vector_load %arg5[%get3A_1608, %get3A_1609] {strides = array<i32>} : memref<50x512xi32, #tpu.memory_space<vmem>>, vector<1x16xi32>,
      %get3A_1611 = vector.shape_cast %get3A_1610 : vector<1x16xi32> to vector<16xi32>
      %swap3A_1612 = arith.constant 0 : i32
      %swap3A_1613 = arith.index_cast %swap3A_1612 : i32 to index
      %swap3A_1614 = arith.constant 112 : index
      %swap3A_1615 = tpu.vector_load %arg6[%swap3A_1613, %swap3A_1614] {strides = array<i32>} : memref<4x128xi32, #tpu.memory_space<vmem>>, vector<1x16xi32>,
      %swap3A_1616 = vector.shape_cast %swap3A_1615 : vector<1x16xi32> to vector<16xi32>
      %swap3A_1617 = vector.shape_cast %get3A_1611 : vector<16xi32> to vector<1x16xi32>
      tpu.vector_store %arg6[%swap3A_1613, %swap3A_1614], %swap3A_1617 {strides = array<i32>} : memref<4x128xi32, #tpu.memory_space<vmem>>, vector<1x16xi32>,
      %dma_start3A_1618 = arith.constant 0 : i32
      %dma_start3A_1619 = arith.constant 0 : i32
      %dma_start3A_1620 = arith.constant 0 : i32
      %dma_start3A_1621 = arith.constant 0 : i32
      %dma_start3A_1622 = tpu.memref_slice %arg7[%dma_start3A_1619, %dma_start3A_1620, %dma_start3A_1621] : memref<4x128x64xf32, #tpu.memory_space<vmem>> -> memref<1x128x64xf32, #tpu.memory_space<vmem>>
      %dma_start3A_1623 = tpu.memref_squeeze %dma_start3A_1622 : memref<1x128x64xf32, #tpu.memory_space<vmem>> -> memref<128x64xf32, #tpu.memory_space<vmem>>
      %dma_start3A_1624 = arith.constant 0 : i32
      %dma_start3A_1625 = tpu.memref_slice %arg6[%dma_start3A_1618, %dma_start3A_1624] : memref<4x128xi32, #tpu.memory_space<vmem>> -> memref<1x128xi32, #tpu.memory_space<vmem>>
      %dma_start3A_1626 = tpu.memref_squeeze %dma_start3A_1625 : memref<1x128xi32, #tpu.memory_space<vmem>> -> memref<128xi32, #tpu.memory_space<vmem>>
      %dma_start3A_1627 = arith.constant 0 : i32
      %dma_start3A_1628 = arith.constant 0 : i32
      %dma_start3A_1629 = tpu.memref_slice %arg3[%dma_start3A_1627, %dma_start3A_1628] : memref<1000000x64xf32, #tpu.memory_space<hbm>> -> memref<1000000x64xf32, #tpu.memory_space<hbm>>
      tpu.enqueue_indirect_dma source(%dma_start3A_1629 : memref<1000000x64xf32, #tpu.memory_space<hbm>>) target(%dma_start3A_1623 : memref<128x64xf32, #tpu.memory_space<vmem>>) offsets(%dma_start3A_1626 : memref<128xi32, #tpu.memory_space<vmem>>) semaphore(%arg8 : memref<!tpu.dma_semaphore, #tpu.memory_space<semaphore_mem>>)
      %dma_wait3A_1630 = arith.constant 3 : i32
      %dma_wait3A_1631 = arith.constant 3 : i32
      %dma_wait3A_1632 = arith.constant 0 : i32
      %dma_wait3A_1633 = arith.constant 0 : i32
      %dma_wait3A_1634 = tpu.memref_slice %arg7[%dma_wait3A_1631, %dma_wait3A_1632, %dma_wait3A_1633] : memref<4x128x64xf32, #tpu.memory_space<vmem>> -> memref<1x128x64xf32, #tpu.memory_space<vmem>>
      %dma_wait3A_1635 = tpu.memref_squeeze %dma_wait3A_1634 : memref<1x128x64xf32, #tpu.memory_space<vmem>> -> memref<128x64xf32, #tpu.memory_space<vmem>>
      %dma_wait3A_1636 = arith.constant 0 : i32
      %dma_wait3A_1637 = tpu.memref_slice %arg6[%dma_wait3A_1630, %dma_wait3A_1636] : memref<4x128xi32, #tpu.memory_space<vmem>> -> memref<1x128xi32, #tpu.memory_space<vmem>>
      %dma_wait3A_1638 = tpu.memref_squeeze %dma_wait3A_1637 : memref<1x128xi32, #tpu.memory_space<vmem>> -> memref<128xi32, #tpu.memory_space<vmem>>
      %dma_wait3A_1639 = arith.constant 0 : i32
      %dma_wait3A_1640 = arith.constant 0 : i32
      %dma_wait3A_1641 = tpu.memref_slice %arg3[%dma_wait3A_1639, %dma_wait3A_1640] : memref<1000000x64xf32, #tpu.memory_space<hbm>> -> memref<1000000x64xf32, #tpu.memory_space<hbm>>
      tpu.wait_indirect_dma semaphore(%arg11 : memref<!tpu.dma_semaphore, #tpu.memory_space<semaphore_mem>>) src(%dma_wait3A_1641 : memref<1000000x64xf32, #tpu.memory_space<hbm>>) dst(%dma_wait3A_1635 : memref<128x64xf32, #tpu.memory_space<vmem>>)
      %mul3A_1642 = arith.constant 16384 : i32
      %mul3A_1643 = arith.muli %scan3A_1204, %mul3A_1642 : i32
      %add3A_1644 = arith.constant 384 : i32
      %add3A_1645 = arith.addi %mul3A_2, %add3A_1644 : i32
      %add3A_1646 = arith.addi %mul3A_1643, %add3A_1645 : i32
      %dma_start3A_1647 = arith.constant 3 : i32
      %dma_start3A_1648 = arith.constant 0 : i32
      %dma_start3A_1649 = arith.constant 0 : i32
      %dma_start3A_1650 = tpu.memref_slice %arg7[%dma_start3A_1647, %dma_start3A_1648, %dma_start3A_1649] : memref<4x128x64xf32, #tpu.memory_space<vmem>> -> memref<1x128x64xf32, #tpu.memory_space<vmem>>
      %dma_start3A_1651 = tpu.memref_squeeze %dma_start3A_1650 : memref<1x128x64xf32, #tpu.memory_space<vmem>> -> memref<128x64xf32, #tpu.memory_space<vmem>>
      %dma_start3A_1652 = arith.constant 0 : i32
      %dma_start3A_1653 = tpu.memref_slice %arg4[%add3A_1646, %dma_start3A_1652] : memref<819200x64xf32, #tpu.memory_space<hbm>> -> memref<128x64xf32, #tpu.memory_space<hbm>>
      %dma_start3A_1654 = arith.constant 0 : i32
      %dma_start3A_1655 = tpu.memref_slice %arg4[%add3A_1646, %dma_start3A_1654] : memref<819200x64xf32, #tpu.memory_space<hbm>> -> memref<128x64xf32, #tpu.memory_space<hbm>>
      %dma_start3A_1656 = arith.constant 0 : i32
      %dma_start3A_1657 = arith.constant 0 : i32
      %dma_start3A_1658 = tpu.memref_slice %arg7[%dma_start3A_1647, %dma_start3A_1656, %dma_start3A_1657] : memref<4x128x64xf32, #tpu.memory_space<vmem>> -> memref<1x128x64xf32, #tpu.memory_space<vmem>>
      %dma_start3A_1659 = tpu.memref_squeeze %dma_start3A_1658 : memref<1x128x64xf32, #tpu.memory_space<vmem>> -> memref<128x64xf32, #tpu.memory_space<vmem>>
      tpu.enqueue_dma source(%dma_start3A_1659 : memref<128x64xf32, #tpu.memory_space<vmem>>) target(%dma_start3A_1655 : memref<128x64xf32, #tpu.memory_space<hbm>>) target_semaphore(%arg15 : memref<!tpu.dma_semaphore, #tpu.memory_space<semaphore_mem>>)
      %mul3A_1660 = arith.constant 16384 : i32
      %mul3A_1661 = arith.muli %scan3A_1204, %mul3A_1660 : i32
      %add3A_1662 = arith.constant 128 : i32
      %add3A_1663 = arith.addi %mul3A_2, %add3A_1662 : i32
      %add3A_1664 = arith.addi %mul3A_1661, %add3A_1663 : i32
      %dma_wait3A_1665 = arith.constant 1 : i32
      %dma_wait3A_1666 = arith.constant 0 : i32
      %dma_wait3A_1667 = arith.constant 0 : i32
      %dma_wait3A_1668 = tpu.memref_slice %arg7[%dma_wait3A_1665, %dma_wait3A_1666, %dma_wait3A_1667] : memref<4x128x64xf32, #tpu.memory_space<vmem>> -> memref<1x128x64xf32, #tpu.memory_space<vmem>>
      %dma_wait3A_1669 = tpu.memref_squeeze %dma_wait3A_1668 : memref<1x128x64xf32, #tpu.memory_space<vmem>> -> memref<128x64xf32, #tpu.memory_space<vmem>>
      %dma_wait3A_1670 = arith.constant 0 : i32
      %dma_wait3A_1671 = tpu.memref_slice %arg4[%add3A_1664, %dma_wait3A_1670] : memref<819200x64xf32, #tpu.memory_space<hbm>> -> memref<128x64xf32, #tpu.memory_space<hbm>>
      %dma_wait3A_1672 = arith.constant 0 : i32
      %dma_wait3A_1673 = tpu.memref_slice %arg4[%add3A_1664, %dma_wait3A_1672] : memref<819200x64xf32, #tpu.memory_space<hbm>> -> memref<128x64xf32, #tpu.memory_space<hbm>>
      %dma_wait3A_1674 = arith.constant 0 : i32
      %dma_wait3A_1675 = arith.constant 0 : i32
      %dma_wait3A_1676 = tpu.memref_slice %arg7[%dma_wait3A_1665, %dma_wait3A_1674, %dma_wait3A_1675] : memref<4x128x64xf32, #tpu.memory_space<vmem>> -> memref<1x128x64xf32, #tpu.memory_space<vmem>>
      %dma_wait3A_1677 = tpu.memref_squeeze %dma_wait3A_1676 : memref<1x128x64xf32, #tpu.memory_space<vmem>> -> memref<128x64xf32, #tpu.memory_space<vmem>>
      tpu.wait_dma2 semaphore(%arg13 : memref<!tpu.dma_semaphore, #tpu.memory_space<semaphore_mem>>) src(%dma_wait3A_1677 : memref<128x64xf32, #tpu.memory_space<vmem>>) dst(%dma_wait3A_1673 : memref<128x64xf32, #tpu.memory_space<hbm>>)
      %add3A_1678 = arith.constant 1 : i32
      %add3A_1679 = arith.addi %scan3A_1204, %add3A_1678 : i32
      %get3A_1680 = arith.index_cast %add3A_1679 : i32 to index
      %get3A_1681 = arith.constant 128 : index
      %get3A_1682 = tpu.vector_load %arg5[%get3A_1680, %get3A_1681] {strides = array<i32>} : memref<50x512xi32, #tpu.memory_space<vmem>>, vector<1x16xi32>,
      %get3A_1683 = vector.shape_cast %get3A_1682 : vector<1x16xi32> to vector<16xi32>
      %swap3A_1684 = arith.constant 1 : i32
      %swap3A_1685 = arith.index_cast %swap3A_1684 : i32 to index
      %swap3A_1686 = arith.constant 0 : index
      %swap3A_1687 = tpu.vector_load %arg6[%swap3A_1685, %swap3A_1686] {strides = array<i32>} : memref<4x128xi32, #tpu.memory_space<vmem>>, vector<1x16xi32>,
      %swap3A_1688 = vector.shape_cast %swap3A_1687 : vector<1x16xi32> to vector<16xi32>
      %swap3A_1689 = vector.shape_cast %get3A_1683 : vector<16xi32> to vector<1x16xi32>
      tpu.vector_store %arg6[%swap3A_1685, %swap3A_1686], %swap3A_1689 {strides = array<i32>} : memref<4x128xi32, #tpu.memory_space<vmem>>, vector<1x16xi32>,
      %get3A_1690 = arith.index_cast %add3A_1679 : i32 to index
      %get3A_1691 = arith.constant 144 : index
      %get3A_1692 = tpu.vector_load %arg5[%get3A_1690, %get3A_1691] {strides = array<i32>} : memref<50x512xi32, #tpu.memory_space<vmem>>, vector<1x16xi32>,
      %get3A_1693 = vector.shape_cast %get3A_1692 : vector<1x16xi32> to vector<16xi32>
      %swap3A_1694 = arith.constant 1 : i32
      %swap3A_1695 = arith.index_cast %swap3A_1694 : i32 to index
      %swap3A_1696 = arith.constant 16 : index
      %swap3A_1697 = tpu.vector_load %arg6[%swap3A_1695, %swap3A_1696] {strides = array<i32>} : memref<4x128xi32, #tpu.memory_space<vmem>>, vector<1x16xi32>,
      %swap3A_1698 = vector.shape_cast %swap3A_1697 : vector<1x16xi32> to vector<16xi32>
      %swap3A_1699 = vector.shape_cast %get3A_1693 : vector<16xi32> to vector<1x16xi32>
      tpu.vector_store %arg6[%swap3A_1695, %swap3A_1696], %swap3A_1699 {strides = array<i32>} : memref<4x128xi32, #tpu.memory_space<vmem>>, vector<1x16xi32>,
      %get3A_1700 = arith.index_cast %add3A_1679 : i32 to index
      %get3A_1701 = arith.constant 160 : index
      %get3A_1702 = tpu.vector_load %arg5[%get3A_1700, %get3A_1701] {strides = array<i32>} : memref<50x512xi32, #tpu.memory_space<vmem>>, vector<1x16xi32>,
      %get3A_1703 = vector.shape_cast %get3A_1702 : vector<1x16xi32> to vector<16xi32>
      %swap3A_1704 = arith.constant 1 : i32
      %swap3A_1705 = arith.index_cast %swap3A_1704 : i32 to index
      %swap3A_1706 = arith.constant 32 : index
      %swap3A_1707 = tpu.vector_load %arg6[%swap3A_1705, %swap3A_1706] {strides = array<i32>} : memref<4x128xi32, #tpu.memory_space<vmem>>, vector<1x16xi32>,
      %swap3A_1708 = vector.shape_cast %swap3A_1707 : vector<1x16xi32> to vector<16xi32>
      %swap3A_1709 = vector.shape_cast %get3A_1703 : vector<16xi32> to vector<1x16xi32>
      tpu.vector_store %arg6[%swap3A_1705, %swap3A_1706], %swap3A_1709 {strides = array<i32>} : memref<4x128xi32, #tpu.memory_space<vmem>>, vector<1x16xi32>,
      %get3A_1710 = arith.index_cast %add3A_1679 : i32 to index
      %get3A_1711 = arith.constant 176 : index
      %get3A_1712 = tpu.vector_load %arg5[%get3A_1710, %get3A_1711] {strides = array<i32>} : memref<50x512xi32, #tpu.memory_space<vmem>>, vector<1x16xi32>,
      %get3A_1713 = vector.shape_cast %get3A_1712 : vector<1x16xi32> to vector<16xi32>
      %swap3A_1714 = arith.constant 1 : i32
      %swap3A_1715 = arith.index_cast %swap3A_1714 : i32 to index
      %swap3A_1716 = arith.constant 48 : index
      %swap3A_1717 = tpu.vector_load %arg6[%swap3A_1715, %swap3A_1716] {strides = array<i32>} : memref<4x128xi32, #tpu.memory_space<vmem>>, vector<1x16xi32>,
      %swap3A_1718 = vector.shape_cast %swap3A_1717 : vector<1x16xi32> to vector<16xi32>
      %swap3A_1719 = vector.shape_cast %get3A_1713 : vector<16xi32> to vector<1x16xi32>
      tpu.vector_store %arg6[%swap3A_1715, %swap3A_1716], %swap3A_1719 {strides = array<i32>} : memref<4x128xi32, #tpu.memory_space<vmem>>, vector<1x16xi32>,
      %get3A_1720 = arith.index_cast %add3A_1679 : i32 to index
      %get3A_1721 = arith.constant 192 : index
      %get3A_1722 = tpu.vector_load %arg5[%get3A_1720, %get3A_1721] {strides = array<i32>} : memref<50x512xi32, #tpu.memory_space<vmem>>, vector<1x16xi32>,
      %get3A_1723 = vector.shape_cast %get3A_1722 : vector<1x16xi32> to vector<16xi32>
      %swap3A_1724 = arith.constant 1 : i32
      %swap3A_1725 = arith.index_cast %swap3A_1724 : i32 to index
      %swap3A_1726 = arith.constant 64 : index
      %swap3A_1727 = tpu.vector_load %arg6[%swap3A_1725, %swap3A_1726] {strides = array<i32>} : memref<4x128xi32, #tpu.memory_space<vmem>>, vector<1x16xi32>,
      %swap3A_1728 = vector.shape_cast %swap3A_1727 : vector<1x16xi32> to vector<16xi32>
      %swap3A_1729 = vector.shape_cast %get3A_1723 : vector<16xi32> to vector<1x16xi32>
      tpu.vector_store %arg6[%swap3A_1725, %swap3A_1726], %swap3A_1729 {strides = array<i32>} : memref<4x128xi32, #tpu.memory_space<vmem>>, vector<1x16xi32>,
      %get3A_1730 = arith.index_cast %add3A_1679 : i32 to index
      %get3A_1731 = arith.constant 208 : index
      %get3A_1732 = tpu.vector_load %arg5[%get3A_1730, %get3A_1731] {strides = array<i32>} : memref<50x512xi32, #tpu.memory_space<vmem>>, vector<1x16xi32>,
      %get3A_1733 = vector.shape_cast %get3A_1732 : vector<1x16xi32> to vector<16xi32>
      %swap3A_1734 = arith.constant 1 : i32
      %swap3A_1735 = arith.index_cast %swap3A_1734 : i32 to index
      %swap3A_1736 = arith.constant 80 : index
      %swap3A_1737 = tpu.vector_load %arg6[%swap3A_1735, %swap3A_1736] {strides = array<i32>} : memref<4x128xi32, #tpu.memory_space<vmem>>, vector<1x16xi32>,
      %swap3A_1738 = vector.shape_cast %swap3A_1737 : vector<1x16xi32> to vector<16xi32>
      %swap3A_1739 = vector.shape_cast %get3A_1733 : vector<16xi32> to vector<1x16xi32>
      tpu.vector_store %arg6[%swap3A_1735, %swap3A_1736], %swap3A_1739 {strides = array<i32>} : memref<4x128xi32, #tpu.memory_space<vmem>>, vector<1x16xi32>,
      %get3A_1740 = arith.index_cast %add3A_1679 : i32 to index
      %get3A_1741 = arith.constant 224 : index
      %get3A_1742 = tpu.vector_load %arg5[%get3A_1740, %get3A_1741] {strides = array<i32>} : memref<50x512xi32, #tpu.memory_space<vmem>>, vector<1x16xi32>,
      %get3A_1743 = vector.shape_cast %get3A_1742 : vector<1x16xi32> to vector<16xi32>
      %swap3A_1744 = arith.constant 1 : i32
      %swap3A_1745 = arith.index_cast %swap3A_1744 : i32 to index
      %swap3A_1746 = arith.constant 96 : index
      %swap3A_1747 = tpu.vector_load %arg6[%swap3A_1745, %swap3A_1746] {strides = array<i32>} : memref<4x128xi32, #tpu.memory_space<vmem>>, vector<1x16xi32>,
      %swap3A_1748 = vector.shape_cast %swap3A_1747 : vector<1x16xi32> to vector<16xi32>
      %swap3A_1749 = vector.shape_cast %get3A_1743 : vector<16xi32> to vector<1x16xi32>
      tpu.vector_store %arg6[%swap3A_1745, %swap3A_1746], %swap3A_1749 {strides = array<i32>} : memref<4x128xi32, #tpu.memory_space<vmem>>, vector<1x16xi32>,
      %get3A_1750 = arith.index_cast %add3A_1679 : i32 to index
      %get3A_1751 = arith.constant 240 : index
      %get3A_1752 = tpu.vector_load %arg5[%get3A_1750, %get3A_1751] {strides = array<i32>} : memref<50x512xi32, #tpu.memory_space<vmem>>, vector<1x16xi32>,
      %get3A_1753 = vector.shape_cast %get3A_1752 : vector<1x16xi32> to vector<16xi32>
      %swap3A_1754 = arith.constant 1 : i32
      %swap3A_1755 = arith.index_cast %swap3A_1754 : i32 to index
      %swap3A_1756 = arith.constant 112 : index
      %swap3A_1757 = tpu.vector_load %arg6[%swap3A_1755, %swap3A_1756] {strides = array<i32>} : memref<4x128xi32, #tpu.memory_space<vmem>>, vector<1x16xi32>,
      %swap3A_1758 = vector.shape_cast %swap3A_1757 : vector<1x16xi32> to vector<16xi32>
      %swap3A_1759 = vector.shape_cast %get3A_1753 : vector<16xi32> to vector<1x16xi32>
      tpu.vector_store %arg6[%swap3A_1755, %swap3A_1756], %swap3A_1759 {strides = array<i32>} : memref<4x128xi32, #tpu.memory_space<vmem>>, vector<1x16xi32>,
      %dma_start3A_1760 = arith.constant 1 : i32
      %dma_start3A_1761 = arith.constant 1 : i32
      %dma_start3A_1762 = arith.constant 0 : i32
      %dma_start3A_1763 = arith.constant 0 : i32
      %dma_start3A_1764 = tpu.memref_slice %arg7[%dma_start3A_1761, %dma_start3A_1762, %dma_start3A_1763] : memref<4x128x64xf32, #tpu.memory_space<vmem>> -> memref<1x128x64xf32, #tpu.memory_space<vmem>>
      %dma_start3A_1765 = tpu.memref_squeeze %dma_start3A_1764 : memref<1x128x64xf32, #tpu.memory_space<vmem>> -> memref<128x64xf32, #tpu.memory_space<vmem>>
      %dma_start3A_1766 = arith.constant 0 : i32
      %dma_start3A_1767 = tpu.memref_slice %arg6[%dma_start3A_1760, %dma_start3A_1766] : memref<4x128xi32, #tpu.memory_space<vmem>> -> memref<1x128xi32, #tpu.memory_space<vmem>>
      %dma_start3A_1768 = tpu.memref_squeeze %dma_start3A_1767 : memref<1x128xi32, #tpu.memory_space<vmem>> -> memref<128xi32, #tpu.memory_space<vmem>>
      %dma_start3A_1769 = arith.constant 0 : i32
      %dma_start3A_1770 = arith.constant 0 : i32
      %dma_start3A_1771 = tpu.memref_slice %arg3[%dma_start3A_1769, %dma_start3A_1770] : memref<1000000x64xf32, #tpu.memory_space<hbm>> -> memref<1000000x64xf32, #tpu.memory_space<hbm>>
      tpu.enqueue_indirect_dma source(%dma_start3A_1771 : memref<1000000x64xf32, #tpu.memory_space<hbm>>) target(%dma_start3A_1765 : memref<128x64xf32, #tpu.memory_space<vmem>>) offsets(%dma_start3A_1768 : memref<128xi32, #tpu.memory_space<vmem>>) semaphore(%arg9 : memref<!tpu.dma_semaphore, #tpu.memory_space<semaphore_mem>>)
    }
    %scan3A_765 = arith.constant 48 : i32
    %dma_wait3A_766 = arith.constant 0 : i32
    %dma_wait3A_767 = arith.constant 0 : i32
    %dma_wait3A_768 = arith.constant 0 : i32
    %dma_wait3A_769 = arith.constant 0 : i32
    %dma_wait3A_770 = tpu.memref_slice %arg7[%dma_wait3A_767, %dma_wait3A_768, %dma_wait3A_769] : memref<4x128x64xf32, #tpu.memory_space<vmem>> -> memref<1x128x64xf32, #tpu.memory_space<vmem>>
    %dma_wait3A_771 = tpu.memref_squeeze %dma_wait3A_770 : memref<1x128x64xf32, #tpu.memory_space<vmem>> -> memref<128x64xf32, #tpu.memory_space<vmem>>
    %dma_wait3A_772 = arith.constant 0 : i32
    %dma_wait3A_773 = tpu.memref_slice %arg6[%dma_wait3A_766, %dma_wait3A_772] : memref<4x128xi32, #tpu.memory_space<vmem>> -> memref<1x128xi32, #tpu.memory_space<vmem>>
    %dma_wait3A_774 = tpu.memref_squeeze %dma_wait3A_773 : memref<1x128xi32, #tpu.memory_space<vmem>> -> memref<128xi32, #tpu.memory_space<vmem>>
    %dma_wait3A_775 = arith.constant 0 : i32
    %dma_wait3A_776 = arith.constant 0 : i32
    %dma_wait3A_777 = tpu.memref_slice %arg3[%dma_wait3A_775, %dma_wait3A_776] : memref<1000000x64xf32, #tpu.memory_space<hbm>> -> memref<1000000x64xf32, #tpu.memory_space<hbm>>
    tpu.wait_indirect_dma semaphore(%arg8 : memref<!tpu.dma_semaphore, #tpu.memory_space<semaphore_mem>>) src(%dma_wait3A_777 : memref<1000000x64xf32, #tpu.memory_space<hbm>>) dst(%dma_wait3A_771 : memref<128x64xf32, #tpu.memory_space<vmem>>)
    %mul3A_778 = arith.constant 49 : i32
    %mul3A_779 = arith.constant 16384 : i32
    %mul3A_780 = arith.muli %mul3A_778, %mul3A_779 : i32
    %add3A_781 = arith.constant 0 : i32
    %add3A_782 = arith.addi %mul3A_2, %add3A_781 : i32
    %add3A_783 = arith.addi %mul3A_780, %add3A_782 : i32
    %dma_start3A_784 = arith.constant 0 : i32
    %dma_start3A_785 = arith.constant 0 : i32
    %dma_start3A_786 = arith.constant 0 : i32
    %dma_start3A_787 = tpu.memref_slice %arg7[%dma_start3A_784, %dma_start3A_785, %dma_start3A_786] : memref<4x128x64xf32, #tpu.memory_space<vmem>> -> memref<1x128x64xf32, #tpu.memory_space<vmem>>
    %dma_start3A_788 = tpu.memref_squeeze %dma_start3A_787 : memref<1x128x64xf32, #tpu.memory_space<vmem>> -> memref<128x64xf32, #tpu.memory_space<vmem>>
    %dma_start3A_789 = arith.constant 0 : i32
    %dma_start3A_790 = tpu.memref_slice %arg4[%add3A_783, %dma_start3A_789] : memref<819200x64xf32, #tpu.memory_space<hbm>> -> memref<128x64xf32, #tpu.memory_space<hbm>>
    %dma_start3A_791 = arith.constant 0 : i32
    %dma_start3A_792 = tpu.memref_slice %arg4[%add3A_783, %dma_start3A_791] : memref<819200x64xf32, #tpu.memory_space<hbm>> -> memref<128x64xf32, #tpu.memory_space<hbm>>
    %dma_start3A_793 = arith.constant 0 : i32
    %dma_start3A_794 = arith.constant 0 : i32
    %dma_start3A_795 = tpu.memref_slice %arg7[%dma_start3A_784, %dma_start3A_793, %dma_start3A_794] : memref<4x128x64xf32, #tpu.memory_space<vmem>> -> memref<1x128x64xf32, #tpu.memory_space<vmem>>
    %dma_start3A_796 = tpu.memref_squeeze %dma_start3A_795 : memref<1x128x64xf32, #tpu.memory_space<vmem>> -> memref<128x64xf32, #tpu.memory_space<vmem>>
    tpu.enqueue_dma source(%dma_start3A_796 : memref<128x64xf32, #tpu.memory_space<vmem>>) target(%dma_start3A_792 : memref<128x64xf32, #tpu.memory_space<hbm>>) target_semaphore(%arg12 : memref<!tpu.dma_semaphore, #tpu.memory_space<semaphore_mem>>)
    %mul3A_797 = arith.constant 48 : i32
    %mul3A_798 = arith.constant 16384 : i32
    %mul3A_799 = arith.muli %mul3A_797, %mul3A_798 : i32
    %add3A_800 = arith.constant 256 : i32
    %add3A_801 = arith.addi %mul3A_2, %add3A_800 : i32
    %add3A_802 = arith.addi %mul3A_799, %add3A_801 : i32
    %dma_wait3A_803 = arith.constant 2 : i32
    %dma_wait3A_804 = arith.constant 0 : i32
    %dma_wait3A_805 = arith.constant 0 : i32
    %dma_wait3A_806 = tpu.memref_slice %arg7[%dma_wait3A_803, %dma_wait3A_804, %dma_wait3A_805] : memref<4x128x64xf32, #tpu.memory_space<vmem>> -> memref<1x128x64xf32, #tpu.memory_space<vmem>>
    %dma_wait3A_807 = tpu.memref_squeeze %dma_wait3A_806 : memref<1x128x64xf32, #tpu.memory_space<vmem>> -> memref<128x64xf32, #tpu.memory_space<vmem>>
    %dma_wait3A_808 = arith.constant 0 : i32
    %dma_wait3A_809 = tpu.memref_slice %arg4[%add3A_802, %dma_wait3A_808] : memref<819200x64xf32, #tpu.memory_space<hbm>> -> memref<128x64xf32, #tpu.memory_space<hbm>>
    %dma_wait3A_810 = arith.constant 0 : i32
    %dma_wait3A_811 = tpu.memref_slice %arg4[%add3A_802, %dma_wait3A_810] : memref<819200x64xf32, #tpu.memory_space<hbm>> -> memref<128x64xf32, #tpu.memory_space<hbm>>
    %dma_wait3A_812 = arith.constant 0 : i32
    %dma_wait3A_813 = arith.constant 0 : i32
    %dma_wait3A_814 = tpu.memref_slice %arg7[%dma_wait3A_803, %dma_wait3A_812, %dma_wait3A_813] : memref<4x128x64xf32, #tpu.memory_space<vmem>> -> memref<1x128x64xf32, #tpu.memory_space<vmem>>
    %dma_wait3A_815 = tpu.memref_squeeze %dma_wait3A_814 : memref<1x128x64xf32, #tpu.memory_space<vmem>> -> memref<128x64xf32, #tpu.memory_space<vmem>>
    tpu.wait_dma2 semaphore(%arg14 : memref<!tpu.dma_semaphore, #tpu.memory_space<semaphore_mem>>) src(%dma_wait3A_815 : memref<128x64xf32, #tpu.memory_space<vmem>>) dst(%dma_wait3A_811 : memref<128x64xf32, #tpu.memory_space<hbm>>)
    %get3A_816 = arith.constant 49 : i32
    %get3A_817 = arith.index_cast %get3A_816 : i32 to index
    %get3A_818 = arith.constant 256 : index
    %get3A_819 = tpu.vector_load %arg5[%get3A_817, %get3A_818] {strides = array<i32>} : memref<50x512xi32, #tpu.memory_space<vmem>>, vector<1x16xi32>,
    %get3A_820 = vector.shape_cast %get3A_819 : vector<1x16xi32> to vector<16xi32>
    %swap3A_821 = arith.constant 2 : i32
    %swap3A_822 = arith.index_cast %swap3A_821 : i32 to index
    %swap3A_823 = arith.constant 0 : index
    %swap3A_824 = tpu.vector_load %arg6[%swap3A_822, %swap3A_823] {strides = array<i32>} : memref<4x128xi32, #tpu.memory_space<vmem>>, vector<1x16xi32>,
    %swap3A_825 = vector.shape_cast %swap3A_824 : vector<1x16xi32> to vector<16xi32>
    %swap3A_826 = vector.shape_cast %get3A_820 : vector<16xi32> to vector<1x16xi32>
    tpu.vector_store %arg6[%swap3A_822, %swap3A_823], %swap3A_826 {strides = array<i32>} : memref<4x128xi32, #tpu.memory_space<vmem>>, vector<1x16xi32>,
    %get3A_827 = arith.constant 49 : i32
    %get3A_828 = arith.index_cast %get3A_827 : i32 to index
    %get3A_829 = arith.constant 272 : index
    %get3A_830 = tpu.vector_load %arg5[%get3A_828, %get3A_829] {strides = array<i32>} : memref<50x512xi32, #tpu.memory_space<vmem>>, vector<1x16xi32>,
    %get3A_831 = vector.shape_cast %get3A_830 : vector<1x16xi32> to vector<16xi32>
    %swap3A_832 = arith.constant 2 : i32
    %swap3A_833 = arith.index_cast %swap3A_832 : i32 to index
    %swap3A_834 = arith.constant 16 : index
    %swap3A_835 = tpu.vector_load %arg6[%swap3A_833, %swap3A_834] {strides = array<i32>} : memref<4x128xi32, #tpu.memory_space<vmem>>, vector<1x16xi32>,
    %swap3A_836 = vector.shape_cast %swap3A_835 : vector<1x16xi32> to vector<16xi32>
    %swap3A_837 = vector.shape_cast %get3A_831 : vector<16xi32> to vector<1x16xi32>
    tpu.vector_store %arg6[%swap3A_833, %swap3A_834], %swap3A_837 {strides = array<i32>} : memref<4x128xi32, #tpu.memory_space<vmem>>, vector<1x16xi32>,
    %get3A_838 = arith.constant 49 : i32
    %get3A_839 = arith.index_cast %get3A_838 : i32 to index
    %get3A_840 = arith.constant 288 : index
    %get3A_841 = tpu.vector_load %arg5[%get3A_839, %get3A_840] {strides = array<i32>} : memref<50x512xi32, #tpu.memory_space<vmem>>, vector<1x16xi32>,
    %get3A_842 = vector.shape_cast %get3A_841 : vector<1x16xi32> to vector<16xi32>
    %swap3A_843 = arith.constant 2 : i32
    %swap3A_844 = arith.index_cast %swap3A_843 : i32 to index
    %swap3A_845 = arith.constant 32 : index
    %swap3A_846 = tpu.vector_load %arg6[%swap3A_844, %swap3A_845] {strides = array<i32>} : memref<4x128xi32, #tpu.memory_space<vmem>>, vector<1x16xi32>,
    %swap3A_847 = vector.shape_cast %swap3A_846 : vector<1x16xi32> to vector<16xi32>
    %swap3A_848 = vector.shape_cast %get3A_842 : vector<16xi32> to vector<1x16xi32>
    tpu.vector_store %arg6[%swap3A_844, %swap3A_845], %swap3A_848 {strides = array<i32>} : memref<4x128xi32, #tpu.memory_space<vmem>>, vector<1x16xi32>,
    %get3A_849 = arith.constant 49 : i32
    %get3A_850 = arith.index_cast %get3A_849 : i32 to index
    %get3A_851 = arith.constant 304 : index
    %get3A_852 = tpu.vector_load %arg5[%get3A_850, %get3A_851] {strides = array<i32>} : memref<50x512xi32, #tpu.memory_space<vmem>>, vector<1x16xi32>,
    %get3A_853 = vector.shape_cast %get3A_852 : vector<1x16xi32> to vector<16xi32>
    %swap3A_854 = arith.constant 2 : i32
    %swap3A_855 = arith.index_cast %swap3A_854 : i32 to index
    %swap3A_856 = arith.constant 48 : index
    %swap3A_857 = tpu.vector_load %arg6[%swap3A_855, %swap3A_856] {strides = array<i32>} : memref<4x128xi32, #tpu.memory_space<vmem>>, vector<1x16xi32>,
    %swap3A_858 = vector.shape_cast %swap3A_857 : vector<1x16xi32> to vector<16xi32>
    %swap3A_859 = vector.shape_cast %get3A_853 : vector<16xi32> to vector<1x16xi32>
    tpu.vector_store %arg6[%swap3A_855, %swap3A_856], %swap3A_859 {strides = array<i32>} : memref<4x128xi32, #tpu.memory_space<vmem>>, vector<1x16xi32>,
    %get3A_860 = arith.constant 49 : i32
    %get3A_861 = arith.index_cast %get3A_860 : i32 to index
    %get3A_862 = arith.constant 320 : index
    %get3A_863 = tpu.vector_load %arg5[%get3A_861, %get3A_862] {strides = array<i32>} : memref<50x512xi32, #tpu.memory_space<vmem>>, vector<1x16xi32>,
    %get3A_864 = vector.shape_cast %get3A_863 : vector<1x16xi32> to vector<16xi32>
    %swap3A_865 = arith.constant 2 : i32
    %swap3A_866 = arith.index_cast %swap3A_865 : i32 to index
    %swap3A_867 = arith.constant 64 : index
    %swap3A_868 = tpu.vector_load %arg6[%swap3A_866, %swap3A_867] {strides = array<i32>} : memref<4x128xi32, #tpu.memory_space<vmem>>, vector<1x16xi32>,
    %swap3A_869 = vector.shape_cast %swap3A_868 : vector<1x16xi32> to vector<16xi32>
    %swap3A_870 = vector.shape_cast %get3A_864 : vector<16xi32> to vector<1x16xi32>
    tpu.vector_store %arg6[%swap3A_866, %swap3A_867], %swap3A_870 {strides = array<i32>} : memref<4x128xi32, #tpu.memory_space<vmem>>, vector<1x16xi32>,
    %get3A_871 = arith.constant 49 : i32
    %get3A_872 = arith.index_cast %get3A_871 : i32 to index
    %get3A_873 = arith.constant 336 : index
    %get3A_874 = tpu.vector_load %arg5[%get3A_872, %get3A_873] {strides = array<i32>} : memref<50x512xi32, #tpu.memory_space<vmem>>, vector<1x16xi32>,
    %get3A_875 = vector.shape_cast %get3A_874 : vector<1x16xi32> to vector<16xi32>
    %swap3A_876 = arith.constant 2 : i32
    %swap3A_877 = arith.index_cast %swap3A_876 : i32 to index
    %swap3A_878 = arith.constant 80 : index
    %swap3A_879 = tpu.vector_load %arg6[%swap3A_877, %swap3A_878] {strides = array<i32>} : memref<4x128xi32, #tpu.memory_space<vmem>>, vector<1x16xi32>,
    %swap3A_880 = vector.shape_cast %swap3A_879 : vector<1x16xi32> to vector<16xi32>
    %swap3A_881 = vector.shape_cast %get3A_875 : vector<16xi32> to vector<1x16xi32>
    tpu.vector_store %arg6[%swap3A_877, %swap3A_878], %swap3A_881 {strides = array<i32>} : memref<4x128xi32, #tpu.memory_space<vmem>>, vector<1x16xi32>,
    %get3A_882 = arith.constant 49 : i32
    %get3A_883 = arith.index_cast %get3A_882 : i32 to index
    %get3A_884 = arith.constant 352 : index
    %get3A_885 = tpu.vector_load %arg5[%get3A_883, %get3A_884] {strides = array<i32>} : memref<50x512xi32, #tpu.memory_space<vmem>>, vector<1x16xi32>,
    %get3A_886 = vector.shape_cast %get3A_885 : vector<1x16xi32> to vector<16xi32>
    %swap3A_887 = arith.constant 2 : i32
    %swap3A_888 = arith.index_cast %swap3A_887 : i32 to index
    %swap3A_889 = arith.constant 96 : index
    %swap3A_890 = tpu.vector_load %arg6[%swap3A_888, %swap3A_889] {strides = array<i32>} : memref<4x128xi32, #tpu.memory_space<vmem>>, vector<1x16xi32>,
    %swap3A_891 = vector.shape_cast %swap3A_890 : vector<1x16xi32> to vector<16xi32>
    %swap3A_892 = vector.shape_cast %get3A_886 : vector<16xi32> to vector<1x16xi32>
    tpu.vector_store %arg6[%swap3A_888, %swap3A_889], %swap3A_892 {strides = array<i32>} : memref<4x128xi32, #tpu.memory_space<vmem>>, vector<1x16xi32>,
    %get3A_893 = arith.constant 49 : i32
    %get3A_894 = arith.index_cast %get3A_893 : i32 to index
    %get3A_895 = arith.constant 368 : index
    %get3A_896 = tpu.vector_load %arg5[%get3A_894, %get3A_895] {strides = array<i32>} : memref<50x512xi32, #tpu.memory_space<vmem>>, vector<1x16xi32>,
    %get3A_897 = vector.shape_cast %get3A_896 : vector<1x16xi32> to vector<16xi32>
    %swap3A_898 = arith.constant 2 : i32
    %swap3A_899 = arith.index_cast %swap3A_898 : i32 to index
    %swap3A_900 = arith.constant 112 : index
    %swap3A_901 = tpu.vector_load %arg6[%swap3A_899, %swap3A_900] {strides = array<i32>} : memref<4x128xi32, #tpu.memory_space<vmem>>, vector<1x16xi32>,
    %swap3A_902 = vector.shape_cast %swap3A_901 : vector<1x16xi32> to vector<16xi32>
    %swap3A_903 = vector.shape_cast %get3A_897 : vector<16xi32> to vector<1x16xi32>
    tpu.vector_store %arg6[%swap3A_899, %swap3A_900], %swap3A_903 {strides = array<i32>} : memref<4x128xi32, #tpu.memory_space<vmem>>, vector<1x16xi32>,
    %dma_start3A_904 = arith.constant 2 : i32
    %dma_start3A_905 = arith.constant 2 : i32
    %dma_start3A_906 = arith.constant 0 : i32
    %dma_start3A_907 = arith.constant 0 : i32
    %dma_start3A_908 = tpu.memref_slice %arg7[%dma_start3A_905, %dma_start3A_906, %dma_start3A_907] : memref<4x128x64xf32, #tpu.memory_space<vmem>> -> memref<1x128x64xf32, #tpu.memory_space<vmem>>
    %dma_start3A_909 = tpu.memref_squeeze %dma_start3A_908 : memref<1x128x64xf32, #tpu.memory_space<vmem>> -> memref<128x64xf32, #tpu.memory_space<vmem>>
    %dma_start3A_910 = arith.constant 0 : i32
    %dma_start3A_911 = tpu.memref_slice %arg6[%dma_start3A_904, %dma_start3A_910] : memref<4x128xi32, #tpu.memory_space<vmem>> -> memref<1x128xi32, #tpu.memory_space<vmem>>
    %dma_start3A_912 = tpu.memref_squeeze %dma_start3A_911 : memref<1x128xi32, #tpu.memory_space<vmem>> -> memref<128xi32, #tpu.memory_space<vmem>>
    %dma_start3A_913 = arith.constant 0 : i32
    %dma_start3A_914 = arith.constant 0 : i32
    %dma_start3A_915 = tpu.memref_slice %arg3[%dma_start3A_913, %dma_start3A_914] : memref<1000000x64xf32, #tpu.memory_space<hbm>> -> memref<1000000x64xf32, #tpu.memory_space<hbm>>
    tpu.enqueue_indirect_dma source(%dma_start3A_915 : memref<1000000x64xf32, #tpu.memory_space<hbm>>) target(%dma_start3A_909 : memref<128x64xf32, #tpu.memory_space<vmem>>) offsets(%dma_start3A_912 : memref<128xi32, #tpu.memory_space<vmem>>) semaphore(%arg10 : memref<!tpu.dma_semaphore, #tpu.memory_space<semaphore_mem>>)
    %dma_wait3A_916 = arith.constant 1 : i32
    %dma_wait3A_917 = arith.constant 1 : i32
    %dma_wait3A_918 = arith.constant 0 : i32
    %dma_wait3A_919 = arith.constant 0 : i32
    %dma_wait3A_920 = tpu.memref_slice %arg7[%dma_wait3A_917, %dma_wait3A_918, %dma_wait3A_919] : memref<4x128x64xf32, #tpu.memory_space<vmem>> -> memref<1x128x64xf32, #tpu.memory_space<vmem>>
    %dma_wait3A_921 = tpu.memref_squeeze %dma_wait3A_920 : memref<1x128x64xf32, #tpu.memory_space<vmem>> -> memref<128x64xf32, #tpu.memory_space<vmem>>
    %dma_wait3A_922 = arith.constant 0 : i32
    %dma_wait3A_923 = tpu.memref_slice %arg6[%dma_wait3A_916, %dma_wait3A_922] : memref<4x128xi32, #tpu.memory_space<vmem>> -> memref<1x128xi32, #tpu.memory_space<vmem>>
    %dma_wait3A_924 = tpu.memref_squeeze %dma_wait3A_923 : memref<1x128xi32, #tpu.memory_space<vmem>> -> memref<128xi32, #tpu.memory_space<vmem>>
    %dma_wait3A_925 = arith.constant 0 : i32
    %dma_wait3A_926 = arith.constant 0 : i32
    %dma_wait3A_927 = tpu.memref_slice %arg3[%dma_wait3A_925, %dma_wait3A_926] : memref<1000000x64xf32, #tpu.memory_space<hbm>> -> memref<1000000x64xf32, #tpu.memory_space<hbm>>
    tpu.wait_indirect_dma semaphore(%arg9 : memref<!tpu.dma_semaphore, #tpu.memory_space<semaphore_mem>>) src(%dma_wait3A_927 : memref<1000000x64xf32, #tpu.memory_space<hbm>>) dst(%dma_wait3A_921 : memref<128x64xf32, #tpu.memory_space<vmem>>)
    %mul3A_928 = arith.constant 49 : i32
    %mul3A_929 = arith.constant 16384 : i32
    %mul3A_930 = arith.muli %mul3A_928, %mul3A_929 : i32
    %add3A_931 = arith.constant 128 : i32
    %add3A_932 = arith.addi %mul3A_2, %add3A_931 : i32
    %add3A_933 = arith.addi %mul3A_930, %add3A_932 : i32
    %dma_start3A_934 = arith.constant 1 : i32
    %dma_start3A_935 = arith.constant 0 : i32
    %dma_start3A_936 = arith.constant 0 : i32
    %dma_start3A_937 = tpu.memref_slice %arg7[%dma_start3A_934, %dma_start3A_935, %dma_start3A_936] : memref<4x128x64xf32, #tpu.memory_space<vmem>> -> memref<1x128x64xf32, #tpu.memory_space<vmem>>
    %dma_start3A_938 = tpu.memref_squeeze %dma_start3A_937 : memref<1x128x64xf32, #tpu.memory_space<vmem>> -> memref<128x64xf32, #tpu.memory_space<vmem>>
    %dma_start3A_939 = arith.constant 0 : i32
    %dma_start3A_940 = tpu.memref_slice %arg4[%add3A_933, %dma_start3A_939] : memref<819200x64xf32, #tpu.memory_space<hbm>> -> memref<128x64xf32, #tpu.memory_space<hbm>>
    %dma_start3A_941 = arith.constant 0 : i32
    %dma_start3A_942 = tpu.memref_slice %arg4[%add3A_933, %dma_start3A_941] : memref<819200x64xf32, #tpu.memory_space<hbm>> -> memref<128x64xf32, #tpu.memory_space<hbm>>
    %dma_start3A_943 = arith.constant 0 : i32
    %dma_start3A_944 = arith.constant 0 : i32
    %dma_start3A_945 = tpu.memref_slice %arg7[%dma_start3A_934, %dma_start3A_943, %dma_start3A_944] : memref<4x128x64xf32, #tpu.memory_space<vmem>> -> memref<1x128x64xf32, #tpu.memory_space<vmem>>
    %dma_start3A_946 = tpu.memref_squeeze %dma_start3A_945 : memref<1x128x64xf32, #tpu.memory_space<vmem>> -> memref<128x64xf32, #tpu.memory_space<vmem>>
    tpu.enqueue_dma source(%dma_start3A_946 : memref<128x64xf32, #tpu.memory_space<vmem>>) target(%dma_start3A_942 : memref<128x64xf32, #tpu.memory_space<hbm>>) target_semaphore(%arg13 : memref<!tpu.dma_semaphore, #tpu.memory_space<semaphore_mem>>)
    %mul3A_947 = arith.constant 48 : i32
    %mul3A_948 = arith.constant 16384 : i32
    %mul3A_949 = arith.muli %mul3A_947, %mul3A_948 : i32
    %add3A_950 = arith.constant 384 : i32
    %add3A_951 = arith.addi %mul3A_2, %add3A_950 : i32
    %add3A_952 = arith.addi %mul3A_949, %add3A_951 : i32
    %dma_wait3A_953 = arith.constant 3 : i32
    %dma_wait3A_954 = arith.constant 0 : i32
    %dma_wait3A_955 = arith.constant 0 : i32
    %dma_wait3A_956 = tpu.memref_slice %arg7[%dma_wait3A_953, %dma_wait3A_954, %dma_wait3A_955] : memref<4x128x64xf32, #tpu.memory_space<vmem>> -> memref<1x128x64xf32, #tpu.memory_space<vmem>>
    %dma_wait3A_957 = tpu.memref_squeeze %dma_wait3A_956 : memref<1x128x64xf32, #tpu.memory_space<vmem>> -> memref<128x64xf32, #tpu.memory_space<vmem>>
    %dma_wait3A_958 = arith.constant 0 : i32
    %dma_wait3A_959 = tpu.memref_slice %arg4[%add3A_952, %dma_wait3A_958] : memref<819200x64xf32, #tpu.memory_space<hbm>> -> memref<128x64xf32, #tpu.memory_space<hbm>>
    %dma_wait3A_960 = arith.constant 0 : i32
    %dma_wait3A_961 = tpu.memref_slice %arg4[%add3A_952, %dma_wait3A_960] : memref<819200x64xf32, #tpu.memory_space<hbm>> -> memref<128x64xf32, #tpu.memory_space<hbm>>
    %dma_wait3A_962 = arith.constant 0 : i32
    %dma_wait3A_963 = arith.constant 0 : i32
    %dma_wait3A_964 = tpu.memref_slice %arg7[%dma_wait3A_953, %dma_wait3A_962, %dma_wait3A_963] : memref<4x128x64xf32, #tpu.memory_space<vmem>> -> memref<1x128x64xf32, #tpu.memory_space<vmem>>
    %dma_wait3A_965 = tpu.memref_squeeze %dma_wait3A_964 : memref<1x128x64xf32, #tpu.memory_space<vmem>> -> memref<128x64xf32, #tpu.memory_space<vmem>>
    tpu.wait_dma2 semaphore(%arg15 : memref<!tpu.dma_semaphore, #tpu.memory_space<semaphore_mem>>) src(%dma_wait3A_965 : memref<128x64xf32, #tpu.memory_space<vmem>>) dst(%dma_wait3A_961 : memref<128x64xf32, #tpu.memory_space<hbm>>)
    %get3A_966 = arith.constant 49 : i32
    %get3A_967 = arith.index_cast %get3A_966 : i32 to index
    %get3A_968 = arith.constant 384 : index
    %get3A_969 = tpu.vector_load %arg5[%get3A_967, %get3A_968] {strides = array<i32>} : memref<50x512xi32, #tpu.memory_space<vmem>>, vector<1x16xi32>,
    %get3A_970 = vector.shape_cast %get3A_969 : vector<1x16xi32> to vector<16xi32>
    %swap3A_971 = arith.constant 3 : i32
    %swap3A_972 = arith.index_cast %swap3A_971 : i32 to index
    %swap3A_973 = arith.constant 0 : index
    %swap3A_974 = tpu.vector_load %arg6[%swap3A_972, %swap3A_973] {strides = array<i32>} : memref<4x128xi32, #tpu.memory_space<vmem>>, vector<1x16xi32>,
    %swap3A_975 = vector.shape_cast %swap3A_974 : vector<1x16xi32> to vector<16xi32>
    %swap3A_976 = vector.shape_cast %get3A_970 : vector<16xi32> to vector<1x16xi32>
    tpu.vector_store %arg6[%swap3A_972, %swap3A_973], %swap3A_976 {strides = array<i32>} : memref<4x128xi32, #tpu.memory_space<vmem>>, vector<1x16xi32>,
    %get3A_977 = arith.constant 49 : i32
    %get3A_978 = arith.index_cast %get3A_977 : i32 to index
    %get3A_979 = arith.constant 400 : index
    %get3A_980 = tpu.vector_load %arg5[%get3A_978, %get3A_979] {strides = array<i32>} : memref<50x512xi32, #tpu.memory_space<vmem>>, vector<1x16xi32>,
    %get3A_981 = vector.shape_cast %get3A_980 : vector<1x16xi32> to vector<16xi32>
    %swap3A_982 = arith.constant 3 : i32
    %swap3A_983 = arith.index_cast %swap3A_982 : i32 to index
    %swap3A_984 = arith.constant 16 : index
    %swap3A_985 = tpu.vector_load %arg6[%swap3A_983, %swap3A_984] {strides = array<i32>} : memref<4x128xi32, #tpu.memory_space<vmem>>, vector<1x16xi32>,
    %swap3A_986 = vector.shape_cast %swap3A_985 : vector<1x16xi32> to vector<16xi32>
    %swap3A_987 = vector.shape_cast %get3A_981 : vector<16xi32> to vector<1x16xi32>
    tpu.vector_store %arg6[%swap3A_983, %swap3A_984], %swap3A_987 {strides = array<i32>} : memref<4x128xi32, #tpu.memory_space<vmem>>, vector<1x16xi32>,
    %get3A_988 = arith.constant 49 : i32
    %get3A_989 = arith.index_cast %get3A_988 : i32 to index
    %get3A_990 = arith.constant 416 : index
    %get3A_991 = tpu.vector_load %arg5[%get3A_989, %get3A_990] {strides = array<i32>} : memref<50x512xi32, #tpu.memory_space<vmem>>, vector<1x16xi32>,
    %get3A_992 = vector.shape_cast %get3A_991 : vector<1x16xi32> to vector<16xi32>
    %swap3A_993 = arith.constant 3 : i32
    %swap3A_994 = arith.index_cast %swap3A_993 : i32 to index
    %swap3A_995 = arith.constant 32 : index
    %swap3A_996 = tpu.vector_load %arg6[%swap3A_994, %swap3A_995] {strides = array<i32>} : memref<4x128xi32, #tpu.memory_space<vmem>>, vector<1x16xi32>,
    %swap3A_997 = vector.shape_cast %swap3A_996 : vector<1x16xi32> to vector<16xi32>
    %swap3A_998 = vector.shape_cast %get3A_992 : vector<16xi32> to vector<1x16xi32>
    tpu.vector_store %arg6[%swap3A_994, %swap3A_995], %swap3A_998 {strides = array<i32>} : memref<4x128xi32, #tpu.memory_space<vmem>>, vector<1x16xi32>,
    %get3A_999 = arith.constant 49 : i32
    %get3A_1000 = arith.index_cast %get3A_999 : i32 to index
    %get3A_1001 = arith.constant 432 : index
    %get3A_1002 = tpu.vector_load %arg5[%get3A_1000, %get3A_1001] {strides = array<i32>} : memref<50x512xi32, #tpu.memory_space<vmem>>, vector<1x16xi32>,
    %get3A_1003 = vector.shape_cast %get3A_1002 : vector<1x16xi32> to vector<16xi32>
    %swap3A_1004 = arith.constant 3 : i32
    %swap3A_1005 = arith.index_cast %swap3A_1004 : i32 to index
    %swap3A_1006 = arith.constant 48 : index
    %swap3A_1007 = tpu.vector_load %arg6[%swap3A_1005, %swap3A_1006] {strides = array<i32>} : memref<4x128xi32, #tpu.memory_space<vmem>>, vector<1x16xi32>,
    %swap3A_1008 = vector.shape_cast %swap3A_1007 : vector<1x16xi32> to vector<16xi32>
    %swap3A_1009 = vector.shape_cast %get3A_1003 : vector<16xi32> to vector<1x16xi32>
    tpu.vector_store %arg6[%swap3A_1005, %swap3A_1006], %swap3A_1009 {strides = array<i32>} : memref<4x128xi32, #tpu.memory_space<vmem>>, vector<1x16xi32>,
    %get3A_1010 = arith.constant 49 : i32
    %get3A_1011 = arith.index_cast %get3A_1010 : i32 to index
    %get3A_1012 = arith.constant 448 : index
    %get3A_1013 = tpu.vector_load %arg5[%get3A_1011, %get3A_1012] {strides = array<i32>} : memref<50x512xi32, #tpu.memory_space<vmem>>, vector<1x16xi32>,
    %get3A_1014 = vector.shape_cast %get3A_1013 : vector<1x16xi32> to vector<16xi32>
    %swap3A_1015 = arith.constant 3 : i32
    %swap3A_1016 = arith.index_cast %swap3A_1015 : i32 to index
    %swap3A_1017 = arith.constant 64 : index
    %swap3A_1018 = tpu.vector_load %arg6[%swap3A_1016, %swap3A_1017] {strides = array<i32>} : memref<4x128xi32, #tpu.memory_space<vmem>>, vector<1x16xi32>,
    %swap3A_1019 = vector.shape_cast %swap3A_1018 : vector<1x16xi32> to vector<16xi32>
    %swap3A_1020 = vector.shape_cast %get3A_1014 : vector<16xi32> to vector<1x16xi32>
    tpu.vector_store %arg6[%swap3A_1016, %swap3A_1017], %swap3A_1020 {strides = array<i32>} : memref<4x128xi32, #tpu.memory_space<vmem>>, vector<1x16xi32>,
    %get3A_1021 = arith.constant 49 : i32
    %get3A_1022 = arith.index_cast %get3A_1021 : i32 to index
    %get3A_1023 = arith.constant 464 : index
    %get3A_1024 = tpu.vector_load %arg5[%get3A_1022, %get3A_1023] {strides = array<i32>} : memref<50x512xi32, #tpu.memory_space<vmem>>, vector<1x16xi32>,
    %get3A_1025 = vector.shape_cast %get3A_1024 : vector<1x16xi32> to vector<16xi32>
    %swap3A_1026 = arith.constant 3 : i32
    %swap3A_1027 = arith.index_cast %swap3A_1026 : i32 to index
    %swap3A_1028 = arith.constant 80 : index
    %swap3A_1029 = tpu.vector_load %arg6[%swap3A_1027, %swap3A_1028] {strides = array<i32>} : memref<4x128xi32, #tpu.memory_space<vmem>>, vector<1x16xi32>,
    %swap3A_1030 = vector.shape_cast %swap3A_1029 : vector<1x16xi32> to vector<16xi32>
    %swap3A_1031 = vector.shape_cast %get3A_1025 : vector<16xi32> to vector<1x16xi32>
    tpu.vector_store %arg6[%swap3A_1027, %swap3A_1028], %swap3A_1031 {strides = array<i32>} : memref<4x128xi32, #tpu.memory_space<vmem>>, vector<1x16xi32>,
    %get3A_1032 = arith.constant 49 : i32
    %get3A_1033 = arith.index_cast %get3A_1032 : i32 to index
    %get3A_1034 = arith.constant 480 : index
    %get3A_1035 = tpu.vector_load %arg5[%get3A_1033, %get3A_1034] {strides = array<i32>} : memref<50x512xi32, #tpu.memory_space<vmem>>, vector<1x16xi32>,
    %get3A_1036 = vector.shape_cast %get3A_1035 : vector<1x16xi32> to vector<16xi32>
    %swap3A_1037 = arith.constant 3 : i32
    %swap3A_1038 = arith.index_cast %swap3A_1037 : i32 to index
    %swap3A_1039 = arith.constant 96 : index
    %swap3A_1040 = tpu.vector_load %arg6[%swap3A_1038, %swap3A_1039] {strides = array<i32>} : memref<4x128xi32, #tpu.memory_space<vmem>>, vector<1x16xi32>,
    %swap3A_1041 = vector.shape_cast %swap3A_1040 : vector<1x16xi32> to vector<16xi32>
    %swap3A_1042 = vector.shape_cast %get3A_1036 : vector<16xi32> to vector<1x16xi32>
    tpu.vector_store %arg6[%swap3A_1038, %swap3A_1039], %swap3A_1042 {strides = array<i32>} : memref<4x128xi32, #tpu.memory_space<vmem>>, vector<1x16xi32>,
    %get3A_1043 = arith.constant 49 : i32
    %get3A_1044 = arith.index_cast %get3A_1043 : i32 to index
    %get3A_1045 = arith.constant 496 : index
    %get3A_1046 = tpu.vector_load %arg5[%get3A_1044, %get3A_1045] {strides = array<i32>} : memref<50x512xi32, #tpu.memory_space<vmem>>, vector<1x16xi32>,
    %get3A_1047 = vector.shape_cast %get3A_1046 : vector<1x16xi32> to vector<16xi32>
    %swap3A_1048 = arith.constant 3 : i32
    %swap3A_1049 = arith.index_cast %swap3A_1048 : i32 to index
    %swap3A_1050 = arith.constant 112 : index
    %swap3A_1051 = tpu.vector_load %arg6[%swap3A_1049, %swap3A_1050] {strides = array<i32>} : memref<4x128xi32, #tpu.memory_space<vmem>>, vector<1x16xi32>,
    %swap3A_1052 = vector.shape_cast %swap3A_1051 : vector<1x16xi32> to vector<16xi32>
    %swap3A_1053 = vector.shape_cast %get3A_1047 : vector<16xi32> to vector<1x16xi32>
    tpu.vector_store %arg6[%swap3A_1049, %swap3A_1050], %swap3A_1053 {strides = array<i32>} : memref<4x128xi32, #tpu.memory_space<vmem>>, vector<1x16xi32>,
    %dma_start3A_1054 = arith.constant 3 : i32
    %dma_start3A_1055 = arith.constant 3 : i32
    %dma_start3A_1056 = arith.constant 0 : i32
    %dma_start3A_1057 = arith.constant 0 : i32
    %dma_start3A_1058 = tpu.memref_slice %arg7[%dma_start3A_1055, %dma_start3A_1056, %dma_start3A_1057] : memref<4x128x64xf32, #tpu.memory_space<vmem>> -> memref<1x128x64xf32, #tpu.memory_space<vmem>>
    %dma_start3A_1059 = tpu.memref_squeeze %dma_start3A_1058 : memref<1x128x64xf32, #tpu.memory_space<vmem>> -> memref<128x64xf32, #tpu.memory_space<vmem>>
    %dma_start3A_1060 = arith.constant 0 : i32
    %dma_start3A_1061 = tpu.memref_slice %arg6[%dma_start3A_1054, %dma_start3A_1060] : memref<4x128xi32, #tpu.memory_space<vmem>> -> memref<1x128xi32, #tpu.memory_space<vmem>>
    %dma_start3A_1062 = tpu.memref_squeeze %dma_start3A_1061 : memref<1x128xi32, #tpu.memory_space<vmem>> -> memref<128xi32, #tpu.memory_space<vmem>>
    %dma_start3A_1063 = arith.constant 0 : i32
    %dma_start3A_1064 = arith.constant 0 : i32
    %dma_start3A_1065 = tpu.memref_slice %arg3[%dma_start3A_1063, %dma_start3A_1064] : memref<1000000x64xf32, #tpu.memory_space<hbm>> -> memref<1000000x64xf32, #tpu.memory_space<hbm>>
    tpu.enqueue_indirect_dma source(%dma_start3A_1065 : memref<1000000x64xf32, #tpu.memory_space<hbm>>) target(%dma_start3A_1059 : memref<128x64xf32, #tpu.memory_space<vmem>>) offsets(%dma_start3A_1062 : memref<128xi32, #tpu.memory_space<vmem>>) semaphore(%arg11 : memref<!tpu.dma_semaphore, #tpu.memory_space<semaphore_mem>>)
    %dma_wait3A_1066 = arith.constant 2 : i32
    %dma_wait3A_1067 = arith.constant 2 : i32
    %dma_wait3A_1068 = arith.constant 0 : i32
    %dma_wait3A_1069 = arith.constant 0 : i32
    %dma_wait3A_1070 = tpu.memref_slice %arg7[%dma_wait3A_1067, %dma_wait3A_1068, %dma_wait3A_1069] : memref<4x128x64xf32, #tpu.memory_space<vmem>> -> memref<1x128x64xf32, #tpu.memory_space<vmem>>
    %dma_wait3A_1071 = tpu.memref_squeeze %dma_wait3A_1070 : memref<1x128x64xf32, #tpu.memory_space<vmem>> -> memref<128x64xf32, #tpu.memory_space<vmem>>
    %dma_wait3A_1072 = arith.constant 0 : i32
    %dma_wait3A_1073 = tpu.memref_slice %arg6[%dma_wait3A_1066, %dma_wait3A_1072] : memref<4x128xi32, #tpu.memory_space<vmem>> -> memref<1x128xi32, #tpu.memory_space<vmem>>
    %dma_wait3A_1074 = tpu.memref_squeeze %dma_wait3A_1073 : memref<1x128xi32, #tpu.memory_space<vmem>> -> memref<128xi32, #tpu.memory_space<vmem>>
    %dma_wait3A_1075 = arith.constant 0 : i32
    %dma_wait3A_1076 = arith.constant 0 : i32
    %dma_wait3A_1077 = tpu.memref_slice %arg3[%dma_wait3A_1075, %dma_wait3A_1076] : memref<1000000x64xf32, #tpu.memory_space<hbm>> -> memref<1000000x64xf32, #tpu.memory_space<hbm>>
    tpu.wait_indirect_dma semaphore(%arg10 : memref<!tpu.dma_semaphore, #tpu.memory_space<semaphore_mem>>) src(%dma_wait3A_1077 : memref<1000000x64xf32, #tpu.memory_space<hbm>>) dst(%dma_wait3A_1071 : memref<128x64xf32, #tpu.memory_space<vmem>>)
    %mul3A_1078 = arith.constant 49 : i32
    %mul3A_1079 = arith.constant 16384 : i32
    %mul3A_1080 = arith.muli %mul3A_1078, %mul3A_1079 : i32
    %add3A_1081 = arith.constant 256 : i32
    %add3A_1082 = arith.addi %mul3A_2, %add3A_1081 : i32
    %add3A_1083 = arith.addi %mul3A_1080, %add3A_1082 : i32
    %dma_start3A_1084 = arith.constant 2 : i32
    %dma_start3A_1085 = arith.constant 0 : i32
    %dma_start3A_1086 = arith.constant 0 : i32
    %dma_start3A_1087 = tpu.memref_slice %arg7[%dma_start3A_1084, %dma_start3A_1085, %dma_start3A_1086] : memref<4x128x64xf32, #tpu.memory_space<vmem>> -> memref<1x128x64xf32, #tpu.memory_space<vmem>>
    %dma_start3A_1088 = tpu.memref_squeeze %dma_start3A_1087 : memref<1x128x64xf32, #tpu.memory_space<vmem>> -> memref<128x64xf32, #tpu.memory_space<vmem>>
    %dma_start3A_1089 = arith.constant 0 : i32
    %dma_start3A_1090 = tpu.memref_slice %arg4[%add3A_1083, %dma_start3A_1089] : memref<819200x64xf32, #tpu.memory_space<hbm>> -> memref<128x64xf32, #tpu.memory_space<hbm>>
    %dma_start3A_1091 = arith.constant 0 : i32
    %dma_start3A_1092 = tpu.memref_slice %arg4[%add3A_1083, %dma_start3A_1091] : memref<819200x64xf32, #tpu.memory_space<hbm>> -> memref<128x64xf32, #tpu.memory_space<hbm>>
    %dma_start3A_1093 = arith.constant 0 : i32
    %dma_start3A_1094 = arith.constant 0 : i32
    %dma_start3A_1095 = tpu.memref_slice %arg7[%dma_start3A_1084, %dma_start3A_1093, %dma_start3A_1094] : memref<4x128x64xf32, #tpu.memory_space<vmem>> -> memref<1x128x64xf32, #tpu.memory_space<vmem>>
    %dma_start3A_1096 = tpu.memref_squeeze %dma_start3A_1095 : memref<1x128x64xf32, #tpu.memory_space<vmem>> -> memref<128x64xf32, #tpu.memory_space<vmem>>
    tpu.enqueue_dma source(%dma_start3A_1096 : memref<128x64xf32, #tpu.memory_space<vmem>>) target(%dma_start3A_1092 : memref<128x64xf32, #tpu.memory_space<hbm>>) target_semaphore(%arg14 : memref<!tpu.dma_semaphore, #tpu.memory_space<semaphore_mem>>)
    %mul3A_1097 = arith.constant 49 : i32
    %mul3A_1098 = arith.constant 16384 : i32
    %mul3A_1099 = arith.muli %mul3A_1097, %mul3A_1098 : i32
    %add3A_1100 = arith.constant 0 : i32
    %add3A_1101 = arith.addi %mul3A_2, %add3A_1100 : i32
    %add3A_1102 = arith.addi %mul3A_1099, %add3A_1101 : i32
    %dma_wait3A_1103 = arith.constant 0 : i32
    %dma_wait3A_1104 = arith.constant 0 : i32
    %dma_wait3A_1105 = arith.constant 0 : i32
    %dma_wait3A_1106 = tpu.memref_slice %arg7[%dma_wait3A_1103, %dma_wait3A_1104, %dma_wait3A_1105] : memref<4x128x64xf32, #tpu.memory_space<vmem>> -> memref<1x128x64xf32, #tpu.memory_space<vmem>>
    %dma_wait3A_1107 = tpu.memref_squeeze %dma_wait3A_1106 : memref<1x128x64xf32, #tpu.memory_space<vmem>> -> memref<128x64xf32, #tpu.memory_space<vmem>>
    %dma_wait3A_1108 = arith.constant 0 : i32
    %dma_wait3A_1109 = tpu.memref_slice %arg4[%add3A_1102, %dma_wait3A_1108] : memref<819200x64xf32, #tpu.memory_space<hbm>> -> memref<128x64xf32, #tpu.memory_space<hbm>>
    %dma_wait3A_1110 = arith.constant 0 : i32
    %dma_wait3A_1111 = tpu.memref_slice %arg4[%add3A_1102, %dma_wait3A_1110] : memref<819200x64xf32, #tpu.memory_space<hbm>> -> memref<128x64xf32, #tpu.memory_space<hbm>>
    %dma_wait3A_1112 = arith.constant 0 : i32
    %dma_wait3A_1113 = arith.constant 0 : i32
    %dma_wait3A_1114 = tpu.memref_slice %arg7[%dma_wait3A_1103, %dma_wait3A_1112, %dma_wait3A_1113] : memref<4x128x64xf32, #tpu.memory_space<vmem>> -> memref<1x128x64xf32, #tpu.memory_space<vmem>>
    %dma_wait3A_1115 = tpu.memref_squeeze %dma_wait3A_1114 : memref<1x128x64xf32, #tpu.memory_space<vmem>> -> memref<128x64xf32, #tpu.memory_space<vmem>>
    tpu.wait_dma2 semaphore(%arg12 : memref<!tpu.dma_semaphore, #tpu.memory_space<semaphore_mem>>) src(%dma_wait3A_1115 : memref<128x64xf32, #tpu.memory_space<vmem>>) dst(%dma_wait3A_1111 : memref<128x64xf32, #tpu.memory_space<hbm>>)
    %dma_wait3A_1116 = arith.constant 3 : i32
    %dma_wait3A_1117 = arith.constant 3 : i32
    %dma_wait3A_1118 = arith.constant 0 : i32
    %dma_wait3A_1119 = arith.constant 0 : i32
    %dma_wait3A_1120 = tpu.memref_slice %arg7[%dma_wait3A_1117, %dma_wait3A_1118, %dma_wait3A_1119] : memref<4x128x64xf32, #tpu.memory_space<vmem>> -> memref<1x128x64xf32, #tpu.memory_space<vmem>>
    %dma_wait3A_1121 = tpu.memref_squeeze %dma_wait3A_1120 : memref<1x128x64xf32, #tpu.memory_space<vmem>> -> memref<128x64xf32, #tpu.memory_space<vmem>>
    %dma_wait3A_1122 = arith.constant 0 : i32
    %dma_wait3A_1123 = tpu.memref_slice %arg6[%dma_wait3A_1116, %dma_wait3A_1122] : memref<4x128xi32, #tpu.memory_space<vmem>> -> memref<1x128xi32, #tpu.memory_space<vmem>>
    %dma_wait3A_1124 = tpu.memref_squeeze %dma_wait3A_1123 : memref<1x128xi32, #tpu.memory_space<vmem>> -> memref<128xi32, #tpu.memory_space<vmem>>
    %dma_wait3A_1125 = arith.constant 0 : i32
    %dma_wait3A_1126 = arith.constant 0 : i32
    %dma_wait3A_1127 = tpu.memref_slice %arg3[%dma_wait3A_1125, %dma_wait3A_1126] : memref<1000000x64xf32, #tpu.memory_space<hbm>> -> memref<1000000x64xf32, #tpu.memory_space<hbm>>
    tpu.wait_indirect_dma semaphore(%arg11 : memref<!tpu.dma_semaphore, #tpu.memory_space<semaphore_mem>>) src(%dma_wait3A_1127 : memref<1000000x64xf32, #tpu.memory_space<hbm>>) dst(%dma_wait3A_1121 : memref<128x64xf32, #tpu.memory_space<vmem>>)
    %mul3A_1128 = arith.constant 49 : i32
    %mul3A_1129 = arith.constant 16384 : i32
    %mul3A_1130 = arith.muli %mul3A_1128, %mul3A_1129 : i32
    %add3A_1131 = arith.constant 384 : i32
    %add3A_1132 = arith.addi %mul3A_2, %add3A_1131 : i32
    %add3A_1133 = arith.addi %mul3A_1130, %add3A_1132 : i32
    %dma_start3A_1134 = arith.constant 3 : i32
    %dma_start3A_1135 = arith.constant 0 : i32
    %dma_start3A_1136 = arith.constant 0 : i32
    %dma_start3A_1137 = tpu.memref_slice %arg7[%dma_start3A_1134, %dma_start3A_1135, %dma_start3A_1136] : memref<4x128x64xf32, #tpu.memory_space<vmem>> -> memref<1x128x64xf32, #tpu.memory_space<vmem>>
    %dma_start3A_1138 = tpu.memref_squeeze %dma_start3A_1137 : memref<1x128x64xf32, #tpu.memory_space<vmem>> -> memref<128x64xf32, #tpu.memory_space<vmem>>
    %dma_start3A_1139 = arith.constant 0 : i32
    %dma_start3A_1140 = tpu.memref_slice %arg4[%add3A_1133, %dma_start3A_1139] : memref<819200x64xf32, #tpu.memory_space<hbm>> -> memref<128x64xf32, #tpu.memory_space<hbm>>
    %dma_start3A_1141 = arith.constant 0 : i32
    %dma_start3A_1142 = tpu.memref_slice %arg4[%add3A_1133, %dma_start3A_1141] : memref<819200x64xf32, #tpu.memory_space<hbm>> -> memref<128x64xf32, #tpu.memory_space<hbm>>
    %dma_start3A_1143 = arith.constant 0 : i32
    %dma_start3A_1144 = arith.constant 0 : i32
    %dma_start3A_1145 = tpu.memref_slice %arg7[%dma_start3A_1134, %dma_start3A_1143, %dma_start3A_1144] : memref<4x128x64xf32, #tpu.memory_space<vmem>> -> memref<1x128x64xf32, #tpu.memory_space<vmem>>
    %dma_start3A_1146 = tpu.memref_squeeze %dma_start3A_1145 : memref<1x128x64xf32, #tpu.memory_space<vmem>> -> memref<128x64xf32, #tpu.memory_space<vmem>>
    tpu.enqueue_dma source(%dma_start3A_1146 : memref<128x64xf32, #tpu.memory_space<vmem>>) target(%dma_start3A_1142 : memref<128x64xf32, #tpu.memory_space<hbm>>) target_semaphore(%arg15 : memref<!tpu.dma_semaphore, #tpu.memory_space<semaphore_mem>>)
    %mul3A_1147 = arith.constant 49 : i32
    %mul3A_1148 = arith.constant 16384 : i32
    %mul3A_1149 = arith.muli %mul3A_1147, %mul3A_1148 : i32
    %add3A_1150 = arith.constant 128 : i32
    %add3A_1151 = arith.addi %mul3A_2, %add3A_1150 : i32
    %add3A_1152 = arith.addi %mul3A_1149, %add3A_1151 : i32
    %dma_wait3A_1153 = arith.constant 1 : i32
    %dma_wait3A_1154 = arith.constant 0 : i32
    %dma_wait3A_1155 = arith.constant 0 : i32
    %dma_wait3A_1156 = tpu.memref_slice %arg7[%dma_wait3A_1153, %dma_wait3A_1154, %dma_wait3A_1155] : memref<4x128x64xf32, #tpu.memory_space<vmem>> -> memref<1x128x64xf32, #tpu.memory_space<vmem>>
    %dma_wait3A_1157 = tpu.memref_squeeze %dma_wait3A_1156 : memref<1x128x64xf32, #tpu.memory_space<vmem>> -> memref<128x64xf32, #tpu.memory_space<vmem>>
    %dma_wait3A_1158 = arith.constant 0 : i32
    %dma_wait3A_1159 = tpu.memref_slice %arg4[%add3A_1152, %dma_wait3A_1158] : memref<819200x64xf32, #tpu.memory_space<hbm>> -> memref<128x64xf32, #tpu.memory_space<hbm>>
    %dma_wait3A_1160 = arith.constant 0 : i32
    %dma_wait3A_1161 = tpu.memref_slice %arg4[%add3A_1152, %dma_wait3A_1160] : memref<819200x64xf32, #tpu.memory_space<hbm>> -> memref<128x64xf32, #tpu.memory_space<hbm>>
    %dma_wait3A_1162 = arith.constant 0 : i32
    %dma_wait3A_1163 = arith.constant 0 : i32
    %dma_wait3A_1164 = tpu.memref_slice %arg7[%dma_wait3A_1153, %dma_wait3A_1162, %dma_wait3A_1163] : memref<4x128x64xf32, #tpu.memory_space<vmem>> -> memref<1x128x64xf32, #tpu.memory_space<vmem>>
    %dma_wait3A_1165 = tpu.memref_squeeze %dma_wait3A_1164 : memref<1x128x64xf32, #tpu.memory_space<vmem>> -> memref<128x64xf32, #tpu.memory_space<vmem>>
    tpu.wait_dma2 semaphore(%arg13 : memref<!tpu.dma_semaphore, #tpu.memory_space<semaphore_mem>>) src(%dma_wait3A_1165 : memref<128x64xf32, #tpu.memory_space<vmem>>) dst(%dma_wait3A_1161 : memref<128x64xf32, #tpu.memory_space<hbm>>)
    %mul3A_1166 = arith.constant 49 : i32
    %mul3A_1167 = arith.constant 16384 : i32
    %mul3A_1168 = arith.muli %mul3A_1166, %mul3A_1167 : i32
    %add3A_1169 = arith.constant 256 : i32
    %add3A_1170 = arith.addi %mul3A_2, %add3A_1169 : i32
    %add3A_1171 = arith.addi %mul3A_1168, %add3A_1170 : i32
    %dma_wait3A_1172 = arith.constant 2 : i32
    %dma_wait3A_1173 = arith.constant 0 : i32
    %dma_wait3A_1174 = arith.constant 0 : i32
    %dma_wait3A_1175 = tpu.memref_slice %arg7[%dma_wait3A_1172, %dma_wait3A_1173, %dma_wait3A_1174] : memref<4x128x64xf32, #tpu.memory_space<vmem>> -> memref<1x128x64xf32, #tpu.memory_space<vmem>>
    %dma_wait3A_1176 = tpu.memref_squeeze %dma_wait3A_1175 : memref<1x128x64xf32, #tpu.memory_space<vmem>> -> memref<128x64xf32, #tpu.memory_space<vmem>>
    %dma_wait3A_1177 = arith.constant 0 : i32
    %dma_wait3A_1178 = tpu.memref_slice %arg4[%add3A_1171, %dma_wait3A_1177] : memref<819200x64xf32, #tpu.memory_space<hbm>> -> memref<128x64xf32, #tpu.memory_space<hbm>>
    %dma_wait3A_1179 = arith.constant 0 : i32
    %dma_wait3A_1180 = tpu.memref_slice %arg4[%add3A_1171, %dma_wait3A_1179] : memref<819200x64xf32, #tpu.memory_space<hbm>> -> memref<128x64xf32, #tpu.memory_space<hbm>>
    %dma_wait3A_1181 = arith.constant 0 : i32
    %dma_wait3A_1182 = arith.constant 0 : i32
    %dma_wait3A_1183 = tpu.memref_slice %arg7[%dma_wait3A_1172, %dma_wait3A_1181, %dma_wait3A_1182] : memref<4x128x64xf32, #tpu.memory_space<vmem>> -> memref<1x128x64xf32, #tpu.memory_space<vmem>>
    %dma_wait3A_1184 = tpu.memref_squeeze %dma_wait3A_1183 : memref<1x128x64xf32, #tpu.memory_space<vmem>> -> memref<128x64xf32, #tpu.memory_space<vmem>>
    tpu.wait_dma2 semaphore(%arg14 : memref<!tpu.dma_semaphore, #tpu.memory_space<semaphore_mem>>) src(%dma_wait3A_1184 : memref<128x64xf32, #tpu.memory_space<vmem>>) dst(%dma_wait3A_1180 : memref<128x64xf32, #tpu.memory_space<hbm>>)
    %mul3A_1185 = arith.constant 49 : i32
    %mul3A_1186 = arith.constant 16384 : i32
    %mul3A_1187 = arith.muli %mul3A_1185, %mul3A_1186 : i32
    %add3A_1188 = arith.constant 384 : i32
    %add3A_1189 = arith.addi %mul3A_2, %add3A_1188 : i32
    %add3A_1190 = arith.addi %mul3A_1187, %add3A_1189 : i32
    %dma_wait3A_1191 = arith.constant 3 : i32
    %dma_wait3A_1192 = arith.constant 0 : i32
    %dma_wait3A_1193 = arith.constant 0 : i32
    %dma_wait3A_1194 = tpu.memref_slice %arg7[%dma_wait3A_1191, %dma_wait3A_1192, %dma_wait3A_1193] : memref<4x128x64xf32, #tpu.memory_space<vmem>> -> memref<1x128x64xf32, #tpu.memory_space<vmem>>
    %dma_wait3A_1195 = tpu.memref_squeeze %dma_wait3A_1194 : memref<1x128x64xf32, #tpu.memory_space<vmem>> -> memref<128x64xf32, #tpu.memory_space<vmem>>
    %dma_wait3A_1196 = arith.constant 0 : i32
    %dma_wait3A_1197 = tpu.memref_slice %arg4[%add3A_1190, %dma_wait3A_1196] : memref<819200x64xf32, #tpu.memory_space<hbm>> -> memref<128x64xf32, #tpu.memory_space<hbm>>
    %dma_wait3A_1198 = arith.constant 0 : i32
    %dma_wait3A_1199 = tpu.memref_slice %arg4[%add3A_1190, %dma_wait3A_1198] : memref<819200x64xf32, #tpu.memory_space<hbm>> -> memref<128x64xf32, #tpu.memory_space<hbm>>
    %dma_wait3A_1200 = arith.constant 0 : i32
    %dma_wait3A_1201 = arith.constant 0 : i32
    %dma_wait3A_1202 = tpu.memref_slice %arg7[%dma_wait3A_1191, %dma_wait3A_1200, %dma_wait3A_1201] : memref<4x128x64xf32, #tpu.memory_space<vmem>> -> memref<1x128x64xf32, #tpu.memory_space<vmem>>
    %dma_wait3A_1203 = tpu.memref_squeeze %dma_wait3A_1202 : memref<1x128x64xf32, #tpu.memory_space<vmem>> -> memref<128x64xf32, #tpu.memory_space<vmem>>
    tpu.wait_dma2 semaphore(%arg15 : memref<!tpu.dma_semaphore, #tpu.memory_space<semaphore_mem>>) src(%dma_wait3A_1203 : memref<128x64xf32, #tpu.memory_space<vmem>>) dst(%dma_wait3A_1199 : memref<128x64xf32, #tpu.memory_space<hbm>>)
    return
  }
}

</mosaic_0001>

<sc_bundles>
// kernel: kernel.3.cloned.1.call-start
scs
__scs_entry_jumppad:
0x0: {  	(pc) =	sbr.rel $0x88, $3  }
0x1: {  	(tag) =	ssettag $0x0;
	lr =	simm.s32 $0x1  }
0x2: {  	[smem:$0x3F9F] =	sst lr;
	_ =	strace $0xD0000000  }
0x3: {  	_ = 	snop  }
0x4: {  	_ = 	snop  }
0x5: {  	_ = 	snop  }
0x6: {  	_ = 	snop  }
0x7: {  	_ = 	snop  }
__scs_overlays_trampoline_lowered:
0x8: {  	[smem:$0x3FAE] =	sst s0  }
0x9: {  	[smem:$0x3FAF] =	sst s1  }
0xa: {  	[smem:$0x3FB0] =	sst s2  }
0xb: {  	[smem:$0x3FB1] =	sst s3  }
0xc: {  	[smem:$0x3FB2] =	sst s4  }
0xd: {  	[smem:$0x3FB3] =	sst s5  }
0xe: {  	[smem:$0x3FB4] =	sst s6  }
0xf: {  	[smem:$0x3FB5] =	sst s7  }
0x10: {  	[smem:$0x3FB6] =	sst s8  }
0x11: {  	[smem:$0x3FB7] =	sst s9;
	s0 =	simm.s32 @!p0 $0x0  }
0x12: {  	s1 =	sld [smem:$0x3F9D];
	s0 =	simm.s32 @p0 $0x1  }
0x13: {  	[smem:$0x3FB8] =	sst s0;
	s0 =	simm.s32 @!p1 $0x0  }
0x14: {  	s2 =	sld [smem:$0x3F9C];
	s0 =	simm.s32 @p1 $0x1  }
0x15: {  	[smem:$0x3FB9] =	sst s0;
	s0 =	simm.s32 @!p2 $0x0  }
0x16: {  	s3 =	sld [smem:$0x3FDB];
	s0 =	simm.s32 @p2 $0x1  }
0x17: {  	s4 =	simm.s32 $0x1BF5;
	[smem:$0x3FBB] =	sst s0  }
0x18: {  	s0 =	sld [smem:$0x3F9E];
	_ =	swait.ge [sflag:s4], $0x0  }
0x19: {  	s7 =	sld [smem:$0x3F9F]  }
0x1a: {  	s8 =	sadd.s32 $0xFFFFE003, lr  }
0x1b: {  	s9 =	sadd.s32 $0xFFFFFEF7, lr;
	s5 =	simm.s32 $0xFFFFFFFF;
	p2 =	slt.u32 s8, $0xFFFFF086  }
0x1c: {  	p1 =	slt.u32 s9, $0xF7A;
	s5 =	simm.s32 @!p2 $0x0  }
0x1d: {  	s5 =	simm.s32 @p1 $0x1;
	p0 =	seq.s32 s7, s2  }
0x1e: {  	s7 =	smul.u32 @!p0 $0xF7A, s2;
	p2 =	seq.s32 @!p0 s5, $0x0  }
0x1f: {  	s9 =	smul.u32 $0xF7A, s1;
	s8 =	simm.s32 @!p0 $0x1BF5;
	p2 =	por !p2, p0  }
0x20: {  	[sflag:s8] =	ssyncset.s32 @!p0 $0xFFFFF086;
	s6 =	sadd.s32 @!p0 s3, s7;
	s7 =	simm.s32 @!p0 $0x108  }
0x21: {  	s3 =	sadd.s32 s3, s9;
	s6 =	sadd.s32 @!p0 $0x88, s6;
	s7 =	simm.s32 @p2 $0x1082  }
0x22: {  	[simem:s7], [sflag:s8] =	dma.local @!p0 [hbm:s6], $0xF7A  }
0x23: {  	s9 =	sor.u32 $0xD0000000, s2;
	s6 =	simm.s32 $0x108;
	_ =	swait.ge @!p0 [sflag:s8], $0x0  }
0x24: {  	s3 =	sadd.s32 $0x88, s3;
	s6 =	simm.s32 @!p1 $0x1082;
	[sflag:s4] =	ssyncset.s32 $0xFFFFF086  }
0x25: {  	[simem:s6], [sflag:s4] =	dma.local [hbm:s3], $0xF7A  }
0x26: {  	[smem:$0x3F9F] =	sst s1;
	(tag) =	ssettag s2;
	_ =	strace s9  }
0x27: {  	s1 =	sld [smem:$0x3FAF]  }
0x28: {  	s2 =	sld [smem:$0x3FB0]  }
0x29: {  	s4 =	sld [smem:$0x3FB2]  }
0x2a: {  	p0 =	seq.s32 s5, $0x0;
	s5 =	sld [smem:$0x3FB3]  }
0x2b: {  	s6 =	sld [smem:$0x3FB4]  }
0x2c: {  	s7 =	sld [smem:$0x3FB5]  }
0x2d: {  	s3 =	simm.s32 $0x108;
	s8 =	sld [smem:$0x3FB6]  }
0x2e: {  	s3 =	simm.s32 @!p0 $0x1082;
	s9 =	sld [smem:$0x3FB7]  }
0x2f: {  	lr =	sadd.s32 s0, s3;
	s0 =	sld [smem:$0x3FAE]  }
0x30: {  	s3 =	sld [smem:$0x3FB1]  }
0x31: {  	[smem:$0x3FBA] =	sst s10  }
0x32: {  	s10 =	sld [smem:$0x3FB8];
	_ =	sdelay $0x3  }
0x33: {  	p0 =	seq.s32 s10, $0x1;
	s10 =	sld [smem:$0x3FBA];
	_ =	sdelay $0x3  }
0x34: {  	[smem:$0x3FBA] =	sst s10  }
0x35: {  	s10 =	sld [smem:$0x3FB9];
	_ =	sdelay $0x3  }
0x36: {  	p1 =	seq.s32 s10, $0x1;
	s10 =	sld [smem:$0x3FBA];
	_ =	sdelay $0x3  }
0x37: {  	[smem:$0x3FBA] =	sst s10  }
0x38: {  	s10 =	sld [smem:$0x3FBB]  }
0x39: {  	_ = 	snop;
	(pc) =	sbr.ind lr, $3  }
0x3a: {  	_ = 	snop  }
0x3b: {  	_ = 	snop  }
0x3c: {  	p2 =	seq.s32 s10, $0x1;
	s10 =	sld [smem:$0x3FBA]  }
0x3d: {  	_ =	shalt  }
0x3e: {  	_ =	shalt  }
0x3f: {  	_ =	shalt  }
0x40: {  	_ =	shalt  }
0x41: {  	_ =	shalt  }
0x42: {  	_ =	shalt  }
0x43: {  	_ =	shalt  }
0x44: {  	_ =	shalt  }
0x45: {  	_ =	shalt  }
0x46: {  	_ =	shalt  }
0x47: {  	_ =	shalt  }
0x48: {  	_ =	shalt  }
0x49: {  	_ =	shalt  }
0x4a: {  	_ =	shalt  }
0x4b: {  	_ =	shalt  }
0x4c: {  	_ =	shalt  }
0x4d: {  	_ =	shalt  }
0x4e: {  	_ =	shalt  }
0x4f: {  	_ =	shalt  }
0x50: {  	_ =	shalt  }
0x51: {  	_ =	shalt  }
0x52: {  	_ =	shalt  }
0x53: {  	_ =	shalt  }
0x54: {  	_ =	shalt  }
0x55: {  	_ =	shalt  }
0x56: {  	_ =	shalt  }
0x57: {  	_ =	shalt  }
0x58: {  	_ =	shalt  }
0x59: {  	_ =	shalt  }
0x5a: {  	_ =	shalt  }
0x5b: {  	_ =	shalt  }
0x5c: {  	_ =	shalt  }
0x5d: {  	_ =	shalt  }
0x5e: {  	_ =	shalt  }
0x5f: {  	_ =	shalt  }
0x60: {  	_ =	shalt  }
0x61: {  	_ =	shalt  }
0x62: {  	_ =	shalt  }
0x63: {  	_ =	shalt  }
0x64: {  	_ =	shalt  }
0x65: {  	_ =	shalt  }
0x66: {  	_ =	shalt  }
0x67: {  	_ =	shalt  }
0x68: {  	_ =	shalt  }
0x69: {  	_ =	shalt  }
0x6a: {  	_ =	shalt  }
0x6b: {  	_ =	shalt  }
0x6c: {  	_ =	shalt  }
0x6d: {  	_ =	shalt  }
0x6e: {  	_ =	shalt  }
0x6f: {  	_ =	shalt  }
0x70: {  	_ =	shalt  }
0x71: {  	_ =	shalt  }
0x72: {  	_ =	shalt  }
0x73: {  	_ =	shalt  }
0x74: {  	_ =	shalt  }
0x75: {  	_ =	shalt  }
0x76: {  	_ =	shalt  }
0x77: {  	_ =	shalt  }
0x78: {  	_ =	shalt  }
0x79: {  	_ =	shalt  }
0x7a: {  	_ =	shalt  }
0x7b: {  	_ =	shalt  }
0x7c: {  	_ =	shalt  }
0x7d: {  	_ =	shalt  }
0x7e: {  	_ =	shalt  }
0x7f: {  	_ =	shalt  }
0x80: {  	_ =	shalt  }
0x81: {  	_ =	shalt  }
0x82: {  	_ =	shalt  }
0x83: {  	_ =	shalt  }
0x84: {  	_ =	shalt  }
0x85: {  	_ =	shalt  }
0x86: {  	_ =	shalt  }
0x87: {  	_ =	shalt  }
.Lfunc_end0:
.L_simem_size_0:
called_computation.1_lowered:
.L_overlay_start_0:
0x88: {  	s2 =	sld [smem:$0x3FD9]  }
0x89: {  	s3 =	sld [smem:$0x3FFE];
	_ =	sdelay $0x1  }
0x8a: {  	s1 =	srdreg.scid  }
0x8b: {  	s0 =	sand.u32 $0x1, s1  }
0x8c: {  	s17 =	sshll.u32 s0, $0xA;
	s2 =	sadd.s32 s3, s2  }
0x8d: {  	s2 =	sadd.s32 s2, s17  }
0x8e: {  	[smem:$0x3FC6] =	sst s2  }
0x8f: {  	_ = 	snop  }
0x90: {  	s2 =	sld [smem:$0x3FD0];
	(tm) =	ssettm $0x1  }
0x91: {  	s18 =	sld [smem:$0x3FFB];
	_ =	sdelay $0x3  }
0x92: {  	_ =	strace s18  }
0x93: {  	s3 =	sld [smem:$0x3FFC];
	_ =	sdelay $0x3  }
0x94: {  	_ =	strace s3  }
0x95: {  	s3 =	sld [smem:$0x3FFD];
	_ =	sdelay $0x3  }
0x96: {  	_ =	strace s3  }
0x97: {  	_ =	strace $0x8FFFFFFF  }
0x98: {  	s19 =	sld [smem:$0x3FDB];
	_ =	sdelay $0x1  }
0x99: {  	s4 =	simm.s32 $_scs_section_size  }
0x9a: {  	s5 =	simm.s32 $_size__tile_overlayer_lowered;
	s6 =	simm.s32 $_tile_overlayer_lowered  }
0x9b: {  	s22 =	simm.s32 $0x1BFF;
	s21 =	sshll.u32 s6, $0x1;
	s3 =	sadd.s32 s4, s19  }
0x9c: {  	s7 =	simm.s32 $0x0;
	s20 =	sshll.u32 s5, $0x1;
	s5 =	sadd.s32 s21, s3  }
0x9d: {  	[timem:s7], [sflag:s22] =	dma.local [hbm:s5], s20  }
0x9e: {  	_ =	swait.ge [sflag:s22], s20  }
0x9f: {  	s4 =	ssub.s32 $0x0, s20;
	[sflag:s22] =	ssyncset.done $0x0  }
0xa0: {  	[sflag:s22] =	ssyncadd.s32 s4;
	_ =	sdelay $0x1  }
0xa1: {  	s23 =	simm.s32 $0x1B8B  }
0xa2: {  	_ =	swait.ge [sflag:s23], $0x1  }
0xa3: {  	[sflag:s23] =	ssyncset.done $0x0  }
0xa4: {  	s25 =	simm.s32 $0x1B8E;
	s24 =	sld [smem:$0x3FFE];
	[sflag:s23] =	ssyncadd.s32 $0xFFFFFFFF  }
0xa5: {  	s26 =	simm.s32 $execute0_lowered;
	[smem:$0x3FD2] =	sst s25  }
0xa6: {  	s5 =	sshll.u32 s26, $0x1;
	_ =	strace $0x80000046;
	[dreg:$0x1] =	wrdreg $0xFFFFFFFF  }
0xa7: {  	s28 =	simm.s32 $_size_execute0_lowered;
	s3 =	sadd.s32 s3, s5;
	[dreg:$0x0] =	wrdreg $0x0  }
0xa8: {  	s5 =	sshll.u32 s28, $0x1;
	[dreg:$0x2] =	wrdreg s3  }
0xa9: {  	[dreg:$0x3] =	wrdreg s5  }
0xaa: {  	[dreg:$0x4] =	wrdreg $0xC0  }
0xab: {  	_ =	task [dreg:s7], $0x5FFFF  }
0xac: {  	[dreg:$0x1] =	wrdreg $0xFFFFFFFF  }
0xad: {  	[dreg:$0x0] =	wrdreg $0x60  }
0xae: {  	[dreg:$0x2] =	wrdreg s24  }
0xaf: {  	[dreg:$0x3] =	wrdreg s2  }
0xb0: {  	[dreg:$0x4] =	wrdreg $0x9  }
0xb1: {  	_ =	task.clear_ibuf [dreg:s7], $0x5FFFF;
	_ =	strace $0x90000046  }
0xb2: {  	s29 =	simm.s32 $0x9;
	_ =	strace $0x80000048  }
0xb3: {  	_ =	swait.ge [sflag:s29], $0x1  }
0xb4: {  	[sflag:s29] =	ssyncadd.s32 $0xFFFFFFFF  }
0xb5: {  	_ =	strace $0x90000048  }
0xb6: {  	_ =	sfence  }
0xb7: {  	s30 =	sld [smem:$0x0];
	_ =	sdelay $0x2  }
0xb8: {  	s31 =	sshll.u32 s1, $0xD;
	s1 =	sshrl.u32 s1, $0x2  }
0xb9: {  	s3 =	sand.u32 $0x4000, s31;
	s1 =	sadd.s32 s1, s30  }
0xba: {  	s0 =	sor.u32 s3, s0;
	s1 =	sshll.u32 s1, $0x11  }
0xbb: {  	s0 =	sor.u32 s1, s0  }
0xbc: {  	s0 =	sadd.s32 $0x8F2B, s0  }
0xbd: {  	[sflag:s0] =	ssyncadd.remote.s32 $0x1  }
0xbe: {  	_ =	sfence.sel $0xFFFF  }
0xbf: {  	[dreg:$0x0] =	wrdreg $0xFFFFFFFF;
	(pc) =	sbr.abs _section_cstart, $3  }
0xc0: {  	[dreg:$0x1] =	wrdreg $0xFFFFFFFF  }
0xc1: {  	_ =	task.clear_ibuf [dreg:s7], $0x2FFFF;
	_ =	strace $0x9FFFFFFF  }
0xc2: {  	(tm) =	ssettm $0x7FFFFFFF  }
0xc3: {  	_ =	shalt  }
tec
execute0_lowered:
.L_overlay_start_1:
0x0: {  	(tag) =	ssettag $0x1  }
0x1: {  	s0 =	rddreg [dreg:$0x0]  }
0x2: {  	s1 =	rddreg [dreg:$0x1];
	s2 =	srdreg.scid  }
0x3: {  	s8 =	stileid.u32;
	s28 =	simm.s32 $0x6500;
	s29 =	simm.s32 $0xA600  }
0x4: {  	s30 =	simm.s32 $0x2;
	s31 =	simm.s32 $0x6580;
	s5 =	sand.u32 $0x1, s2  }
0x5: {  	s2 =	simm.s32 $0x0;
	s3 =	sshll.u32 s8, $0xA;
	s22 =	sshll.u32 s8, $0xD  }
0x6: {  	s8 =	simm.s32 $0x0;
	s4 =	sshll.u32 s5, $0x9;
	[smem:$0x7FF] =	sst s2  }
0x7: {  	s7 =	ssub.s32 $0x2, s5;
	s5 =	sshll.u32 s5, $0xC;
	s3 =	sor.u32 s4, s3  }
0x8: {  	_ =	strace $0x80000047;
	s18 =	sshrl.u32 s7, $0x1;
	s4 =	sshrl.u32 s3, $0x3  }
0x9: {  	s17 =	sshll.u32 s3, $0x3;
	s3 =	sadd.s32 $0xF42E00, s0;
	s6 =	sadd.s32 s4, s0  }
0xa: {  	s4 =	sadd.s32 s17, s1;
	s0 =	ssub.s32 s7, s18;
	s1 =	sadd.s32 s22, s1  }
0xb: {  	s22 =	simm.s32 $0x6400;
	s18 =	simm.s32 $0x5;
	s6 =	sadd.s32 $0xA00, s6  }
0xc: {  	s7 =	simm.s32 $0x8;
	s19 =	sadd.s32 $0x400, s4;
	[dreg:$0x3] =	wrdreg s6  }
0xd: {  	s20 =	sadd.s32 $0x800, s4;
	s21 =	sadd.s32 $0xC00, s4;
	[dreg:$0x4] =	wrdreg s19  }
0xe: {  	s23 =	sadd.s32 $0x620000, s4;
	s24 =	sadd.s32 $0x620400, s4;
	[dreg:$0x5] =	wrdreg s20  }
0xf: {  	s25 =	sadd.s32 $0x620800, s4;
	s1 =	sadd.s32 s5, s1;
	[dreg:$0x6] =	wrdreg s21  }
0x10: {  	s26 =	sadd.s32 $0x620C00, s4;
	s13 =	smax.u32 s0, $0x1;
	[dreg:$0x7] =	wrdreg s23  }
0x11: {  	s15 =	sadd.s32 $0x20400, s4;
	s16 =	sadd.s32 $0x20800, s4;
	[dreg:$0x8] =	wrdreg s24  }
0x12: {  	s17 =	sadd.s32 $0x20C00, s4;
	s0 =	simm.s32 $0xC600;
	[dreg:$0x9] =	wrdreg s25  }
0x13: {  	s5 =	simm.s32 $0x6;
	[dreg:$0xa] =	wrdreg s26;
	s14 =	sadd.s32 $0x20000, s1  }
0x14: {  	s20 =	simm.s32 $0x9;
	s21 =	simm.s32 $0x80;
	s23 =	simm.s32 $0x6600  }
0x15: {  	s24 =	simm.s32 $0x6480;
	s25 =	simm.s32 $0x8600;
	s26 =	simm.s32 $0x1  }
0x16: {  	s1 =	simm.s32 $0x3;
	s19 =	simm.s32 $0x4;
	s6 =	simm.s32 $0x7  }
.LBB2_1:
0x17: {  	s9 =	rddreg [dreg:$0x3];
	s10 =	simm.s32 $0x200;
	s11 =	simm.s32 $0x4000  }
0x18: {  	[tilespmem:s2], [sflag:$0x9] =	stream.strided.gather [hbm4b:s9+s10], $0x6400, s11, s10, $0x38;
	[tilespmem:$0xE600] =	vst v63  }
0x19: {  	_ =	swait.ge [sflag:s20], $0x6400  }
0x1a: {  	[sflag:s20] =	ssyncset.done $0x0  }
0x1b: {  	[sflag:s20] =	ssyncadd.s32 $0xFFFF9C00  }
0x1c: {  	v0 =	vld [tilespmem:$0x0]  }
0x1d: {  	v1 =	vld [tilespmem:$0x10]  }
0x1e: {  	v2 =	vld [tilespmem:$0x20]  }
0x1f: {  	v3 =	vld [tilespmem:$0x30]  }
0x20: {  	v4 =	vld [tilespmem:$0x40]  }
0x21: {  	v17 =	vld [tilespmem:$0x50];
	[tilespmem:$0x6400] =	vst v0  }
0x22: {  	v18 =	vld [tilespmem:$0x60];
	[tilespmem:$0x6410] =	vst v1  }
0x23: {  	v19 =	vld [tilespmem:$0x70];
	[tilespmem:$0x6420] =	vst v2  }
0x24: {  	[tilespmem:$0x6430] =	vst v3  }
0x25: {  	[tilespmem:$0x6440] =	vst v4  }
0x26: {  	[tilespmem:$0x6450] =	vst v17  }
0x27: {  	[tilespmem:$0x6460] =	vst v18  }
0x28: {  	[tilespmem:$0x6470] =	vst v19  }
0x29: {  	[tilespmem:s23], [sflag:$0x1] =	stream.indirect.gather [hbm4b:s3+s21], $0x40, s22, s21, $0xb8;
	[tilespmem:$0xE600] =	vst v63  }
0x2a: {  	v20 =	vld [tilespmem:$0x80]  }
0x2b: {  	v21 =	vld [tilespmem:$0x90]  }
0x2c: {  	v22 =	vld [tilespmem:$0xA0]  }
0x2d: {  	v23 =	vld [tilespmem:$0xB0]  }
0x2e: {  	v24 =	vld [tilespmem:$0xC0]  }
0x2f: {  	v25 =	vld [tilespmem:$0xD0];
	[tilespmem:$0x6480] =	vst v20  }
0x30: {  	v26 =	vld [tilespmem:$0xE0];
	[tilespmem:$0x6490] =	vst v21  }
0x31: {  	v27 =	vld [tilespmem:$0xF0];
	[tilespmem:$0x64A0] =	vst v22  }
0x32: {  	[tilespmem:$0x64B0] =	vst v23  }
0x33: {  	[tilespmem:$0x64C0] =	vst v24  }
0x34: {  	[tilespmem:$0x64D0] =	vst v25  }
0x35: {  	[tilespmem:$0x64E0] =	vst v26  }
0x36: {  	[tilespmem:$0x64F0] =	vst v27  }
0x37: {  	[tilespmem:s25], [sflag:$0x2] =	stream.indirect.gather [hbm4b:s3+s21], $0x40, s24, s21, $0xb8;
	[tilespmem:$0xE600] =	vst v63  }
0x38: {  	_ =	swait.ge [sflag:s26], $0x2000  }
0x39: {  	[sflag:s26] =	ssyncset.done $0x0  }
0x3a: {  	[sflag:s26] =	ssyncadd.s32 $0xFFFFE000  }
0x3b: {  	[hbm4b:s4+s2] =	stream.linear.scatter [tilespmem:s23], [sflag:$0x5], $0x2000, $0x38;
	[tilespmem:$0xE600] =	vst v63  }
0x3c: {  	v28 =	vld [tilespmem:$0x100]  }
0x3d: {  	v29 =	vld [tilespmem:$0x110]  }
0x3e: {  	v30 =	vld [tilespmem:$0x120]  }
0x3f: {  	v31 =	vld [tilespmem:$0x130]  }
0x40: {  	v32 =	vld [tilespmem:$0x140]  }
0x41: {  	v33 =	vld [tilespmem:$0x150];
	[tilespmem:$0x6500] =	vst v28  }
0x42: {  	v34 =	vld [tilespmem:$0x160];
	[tilespmem:$0x6510] =	vst v29  }
0x43: {  	v35 =	vld [tilespmem:$0x170];
	[tilespmem:$0x6520] =	vst v30  }
0x44: {  	[tilespmem:$0x6530] =	vst v31  }
0x45: {  	[tilespmem:$0x6540] =	vst v32  }
0x46: {  	[tilespmem:$0x6550] =	vst v33  }
0x47: {  	[tilespmem:$0x6560] =	vst v34  }
0x48: {  	[tilespmem:$0x6570] =	vst v35  }
0x49: {  	[tilespmem:s29], [sflag:$0x3] =	stream.indirect.gather [hbm4b:s3+s21], $0x40, s28, s21, $0xb8;
	[tilespmem:$0xE600] =	vst v63  }
0x4a: {  	_ =	swait.ge [sflag:s30], $0x2000  }
0x4b: {  	[sflag:s30] =	ssyncset.done $0x0  }
0x4c: {  	s11 =	rddreg [dreg:$0x4];
	[sflag:s30] =	ssyncadd.s32 $0xFFFFE000  }
0x4d: {  	[hbm4b:s11+s2] =	stream.linear.scatter [tilespmem:s25], [sflag:$0x6], $0x2000, $0x38;
	[tilespmem:$0xE600] =	vst v63  }
0x4e: {  	v36 =	vld [tilespmem:$0x180]  }
0x4f: {  	v37 =	vld [tilespmem:$0x190]  }
0x50: {  	v38 =	vld [tilespmem:$0x1A0]  }
0x51: {  	v39 =	vld [tilespmem:$0x1B0]  }
0x52: {  	v40 =	vld [tilespmem:$0x1C0]  }
0x53: {  	v41 =	vld [tilespmem:$0x1D0];
	[tilespmem:$0x6580] =	vst v36  }
0x54: {  	v42 =	vld [tilespmem:$0x1E0];
	[tilespmem:$0x6590] =	vst v37  }
0x55: {  	v43 =	vld [tilespmem:$0x1F0];
	[tilespmem:$0x65A0] =	vst v38  }
0x56: {  	[tilespmem:$0x65B0] =	vst v39  }
0x57: {  	[tilespmem:$0x65C0] =	vst v40  }
0x58: {  	[tilespmem:$0x65D0] =	vst v41  }
0x59: {  	[tilespmem:$0x65E0] =	vst v42  }
0x5a: {  	[tilespmem:$0x65F0] =	vst v43  }
0x5b: {  	[tilespmem:s0], [sflag:$0x4] =	stream.indirect.gather [hbm4b:s3+s21], $0x40, s31, s21, $0xb8;
	[tilespmem:$0xE600] =	vst v63  }
0x5c: {  	_ =	swait.ge [sflag:s1], $0x2000  }
0x5d: {  	[sflag:s1] =	ssyncset.done $0x0  }
0x5e: {  	s12 =	rddreg [dreg:$0x5];
	[sflag:s1] =	ssyncadd.s32 $0xFFFFE000  }
0x5f: {  	[hbm4b:s12+s2] =	stream.linear.scatter [tilespmem:s29], [sflag:$0x7], $0x2000, $0x38;
	[tilespmem:$0xE600] =	vst v63  }
0x60: {  	_ =	swait.ge [sflag:s18], $0x2000  }
0x61: {  	[sflag:s18] =	ssyncset.done $0x0  }
0x62: {  	[sflag:s18] =	ssyncadd.s32 $0xFFFFE000  }
0x63: {  	v44 =	vld [tilespmem:$0x200]  }
0x64: {  	v45 =	vld [tilespmem:$0x210]  }
0x65: {  	v46 =	vld [tilespmem:$0x220]  }
0x66: {  	v47 =	vld [tilespmem:$0x230]  }
0x67: {  	v48 =	vld [tilespmem:$0x240]  }
0x68: {  	v49 =	vld [tilespmem:$0x250];
	[tilespmem:$0x6400] =	vst v44  }
0x69: {  	v50 =	vld [tilespmem:$0x260];
	[tilespmem:$0x6410] =	vst v45  }
0x6a: {  	v51 =	vld [tilespmem:$0x270];
	[tilespmem:$0x6420] =	vst v46  }
0x6b: {  	[tilespmem:$0x6430] =	vst v47  }
0x6c: {  	[tilespmem:$0x6440] =	vst v48  }
0x6d: {  	[tilespmem:$0x6450] =	vst v49  }
0x6e: {  	[tilespmem:$0x6460] =	vst v50  }
0x6f: {  	[tilespmem:$0x6470] =	vst v51  }
0x70: {  	[tilespmem:s23], [sflag:$0x1] =	stream.indirect.gather [hbm4b:s3+s21], $0x40, s22, s21, $0xb8;
	[tilespmem:$0xE600] =	vst v63  }
0x71: {  	_ =	swait.ge [sflag:s19], $0x2000  }
0x72: {  	[sflag:s19] =	ssyncset.done $0x0  }
0x73: {  	s10 =	rddreg [dreg:$0x6];
	[sflag:s19] =	ssyncadd.s32 $0xFFFFE000  }
0x74: {  	[hbm4b:s10+s2] =	stream.linear.scatter [tilespmem:s0], [sflag:$0x8], $0x2000, $0x38;
	[tilespmem:$0xE600] =	vst v63  }
0x75: {  	_ =	swait.ge [sflag:s5], $0x2000  }
0x76: {  	[sflag:s5] =	ssyncset.done $0x0  }
0x77: {  	[sflag:s5] =	ssyncadd.s32 $0xFFFFE000  }
0x78: {  	v52 =	vld [tilespmem:$0x280]  }
0x79: {  	v53 =	vld [tilespmem:$0x290]  }
0x7a: {  	v54 =	vld [tilespmem:$0x2A0]  }
0x7b: {  	v55 =	vld [tilespmem:$0x2B0]  }
0x7c: {  	v56 =	vld [tilespmem:$0x2C0]  }
0x7d: {  	v57 =	vld [tilespmem:$0x2D0];
	[tilespmem:$0x6480] =	vst v52  }
0x7e: {  	v58 =	vld [tilespmem:$0x2E0];
	[tilespmem:$0x6490] =	vst v53  }
0x7f: {  	v59 =	vld [tilespmem:$0x2F0];
	[tilespmem:$0x64A0] =	vst v54  }
0x80: {  	[tilespmem:$0x64B0] =	vst v55  }
0x81: {  	[tilespmem:$0x64C0] =	vst v56  }
0x82: {  	[tilespmem:$0x64D0] =	vst v57  }
0x83: {  	[tilespmem:$0x64E0] =	vst v58  }
0x84: {  	[tilespmem:$0x64F0] =	vst v59  }
0x85: {  	[tilespmem:s25], [sflag:$0x2] =	stream.indirect.gather [hbm4b:s3+s21], $0x40, s24, s21, $0xb8;
	[tilespmem:$0xE600] =	vst v63  }
0x86: {  	_ =	swait.ge [sflag:s26], $0x2000  }
0x87: {  	[sflag:s26] =	ssyncset.done $0x0  }
0x88: {  	s11 =	sadd.s32 $0x0, s14;
	[sflag:s26] =	ssyncadd.s32 $0xFFFFE000  }
0x89: {  	[hbm4b:s11+s2] =	stream.linear.scatter [tilespmem:s23], [sflag:$0x5], $0x2000, $0x38;
	[tilespmem:$0xE600] =	vst v63  }
0x8a: {  	_ =	swait.ge [sflag:s6], $0x2000  }
0x8b: {  	[sflag:s6] =	ssyncset.done $0x0  }
0x8c: {  	s9 =	simm.s32 $0x4F0;
	[sflag:s6] =	ssyncadd.s32 $0xFFFFE000  }
0x8d: {  	v60 =	vld [tilespmem:s9+$0xFFFFFE10];
	_ =	sdelay $0x4  }
0x8e: {  	[tilespmem:$0x6500] =	vst v60  }
0x8f: {  	v0 =	vld [tilespmem:s9+$0xFFFFFE20];
	_ =	sdelay $0x4  }
0x90: {  	[tilespmem:$0x6510] =	vst v0  }
0x91: {  	v0 =	vld [tilespmem:s9+$0xFFFFFE30];
	_ =	sdelay $0x4  }
0x92: {  	[tilespmem:$0x6520] =	vst v0  }
0x93: {  	v0 =	vld [tilespmem:s9+$0xFFFFFE40];
	_ =	sdelay $0x4  }
0x94: {  	[tilespmem:$0x6530] =	vst v0  }
0x95: {  	v0 =	vld [tilespmem:s9+$0xFFFFFE50];
	_ =	sdelay $0x4  }
0x96: {  	[tilespmem:$0x6540] =	vst v0  }
0x97: {  	v0 =	vld [tilespmem:s9+$0xFFFFFE60];
	_ =	sdelay $0x4  }
0x98: {  	[tilespmem:$0x6550] =	vst v0  }
0x99: {  	v0 =	vld [tilespmem:s9+$0xFFFFFE70];
	_ =	sdelay $0x4  }
0x9a: {  	[tilespmem:$0x6560] =	vst v0  }
0x9b: {  	v0 =	vld [tilespmem:s9+$0xFFFFFE80];
	_ =	sdelay $0x4  }
0x9c: {  	[tilespmem:$0x6570] =	vst v0  }
0x9d: {  	[tilespmem:s29], [sflag:$0x3] =	stream.indirect.gather [hbm4b:s3+s21], $0x40, s28, s21, $0xb8;
	[tilespmem:$0xE600] =	vst v63  }
0x9e: {  	_ =	swait.ge [sflag:s30], $0x2000  }
0x9f: {  	[sflag:s30] =	ssyncset.done $0x0  }
0xa0: {  	s12 =	sadd.s32 $0x0, s15;
	[sflag:s30] =	ssyncadd.s32 $0xFFFFE000  }
0xa1: {  	[hbm4b:s12+s2] =	stream.linear.scatter [tilespmem:s25], [sflag:$0x6], $0x2000, $0x38;
	[tilespmem:$0xE600] =	vst v63  }
0xa2: {  	_ =	swait.ge [sflag:s7], $0x2000  }
0xa3: {  	[sflag:s7] =	ssyncset.done $0x0  }
0xa4: {  	[sflag:s7] =	ssyncadd.s32 $0xFFFFE000  }
0xa5: {  	v61 =	vld [tilespmem:s9+$0xFFFFFE90];
	_ =	sdelay $0x4  }
0xa6: {  	[tilespmem:$0x6580] =	vst v61  }
0xa7: {  	v0 =	vld [tilespmem:s9+$0xFFFFFEA0];
	_ =	sdelay $0x4  }
0xa8: {  	[tilespmem:$0x6590] =	vst v0  }
0xa9: {  	v0 =	vld [tilespmem:s9+$0xFFFFFEB0];
	_ =	sdelay $0x4  }
0xaa: {  	[tilespmem:$0x65A0] =	vst v0  }
0xab: {  	v0 =	vld [tilespmem:s9+$0xFFFFFEC0];
	_ =	sdelay $0x4  }
0xac: {  	[tilespmem:$0x65B0] =	vst v0  }
0xad: {  	v0 =	vld [tilespmem:s9+$0xFFFFFED0];
	_ =	sdelay $0x4  }
0xae: {  	[tilespmem:$0x65C0] =	vst v0  }
0xaf: {  	v0 =	vld [tilespmem:s9+$0xFFFFFEE0];
	_ =	sdelay $0x4  }
0xb0: {  	[tilespmem:$0x65D0] =	vst v0  }
0xb1: {  	v0 =	vld [tilespmem:s9+$0xFFFFFEF0];
	_ =	sdelay $0x4  }
0xb2: {  	[tilespmem:$0x65E0] =	vst v0  }
0xb3: {  	v0 =	vld [tilespmem:s9+$0xFFFFFF00];
	_ =	sdelay $0x4  }
0xb4: {  	[tilespmem:$0x65F0] =	vst v0  }
0xb5: {  	[tilespmem:s0], [sflag:$0x4] =	stream.indirect.gather [hbm4b:s3+s21], $0x40, s31, s21, $0xb8;
	[tilespmem:$0xE600] =	vst v63  }
0xb6: {  	_ =	swait.ge [sflag:s1], $0x2000  }
0xb7: {  	[sflag:s1] =	ssyncset.done $0x0  }
0xb8: {  	s11 =	sadd.s32 $0x0, s16;
	[sflag:s1] =	ssyncadd.s32 $0xFFFFE000  }
0xb9: {  	[hbm4b:s11+s2] =	stream.linear.scatter [tilespmem:s29], [sflag:$0x7], $0x2000, $0x38;
	[tilespmem:$0xE600] =	vst v63  }
0xba: {  	_ =	swait.ge [sflag:s18], $0x2000  }
0xbb: {  	[sflag:s18] =	ssyncset.done $0x0  }
0xbc: {  	[sflag:s18] =	ssyncadd.s32 $0xFFFFE000  }
0xbd: {  	v62 =	vld [tilespmem:s9+$0xFFFFFF10];
	_ =	sdelay $0x4  }
0xbe: {  	[tilespmem:$0x6400] =	vst v62  }
0xbf: {  	v0 =	vld [tilespmem:s9+$0xFFFFFF20];
	_ =	sdelay $0x4  }
0xc0: {  	[tilespmem:$0x6410] =	vst v0  }
0xc1: {  	v0 =	vld [tilespmem:s9+$0xFFFFFF30];
	_ =	sdelay $0x4  }
0xc2: {  	[tilespmem:$0x6420] =	vst v0  }
0xc3: {  	v0 =	vld [tilespmem:s9+$0xFFFFFF40];
	_ =	sdelay $0x4  }
0xc4: {  	[tilespmem:$0x6430] =	vst v0  }
0xc5: {  	v0 =	vld [tilespmem:s9+$0xFFFFFF50];
	_ =	sdelay $0x4  }
0xc6: {  	[tilespmem:$0x6440] =	vst v0  }
0xc7: {  	v0 =	vld [tilespmem:s9+$0xFFFFFF60];
	_ =	sdelay $0x4  }
0xc8: {  	[tilespmem:$0x6450] =	vst v0  }
0xc9: {  	v0 =	vld [tilespmem:s9+$0xFFFFFF70];
	_ =	sdelay $0x4  }
0xca: {  	[tilespmem:$0x6460] =	vst v0  }
0xcb: {  	v0 =	vld [tilespmem:s9+$0xFFFFFF80];
	_ =	sdelay $0x4  }
0xcc: {  	[tilespmem:$0x6470] =	vst v0  }
0xcd: {  	[tilespmem:s23], [sflag:$0x1] =	stream.indirect.gather [hbm4b:s3+s21], $0x40, s22, s21, $0xb8;
	[tilespmem:$0xE600] =	vst v63  }
0xce: {  	_ =	swait.ge [sflag:s19], $0x2000  }
0xcf: {  	[sflag:s19] =	ssyncset.done $0x0  }
0xd0: {  	s12 =	sadd.s32 $0x0, s17;
	[sflag:s19] =	ssyncadd.s32 $0xFFFFE000  }
0xd1: {  	[hbm4b:s12+s2] =	stream.linear.scatter [tilespmem:s0], [sflag:$0x8], $0x2000, $0x38;
	[tilespmem:$0xE600] =	vst v63  }
0xd2: {  	_ =	swait.ge [sflag:s5], $0x2000  }
0xd3: {  	[sflag:s5] =	ssyncset.done $0x0  }
0xd4: {  	[sflag:s5] =	ssyncadd.s32 $0xFFFFE000  }
0xd5: {  	v63 =	vld [tilespmem:s9+$0xFFFFFF90];
	_ =	sdelay $0x4  }
0xd6: {  	[tilespmem:$0x6480] =	vst v63  }
0xd7: {  	v0 =	vld [tilespmem:s9+$0xFFFFFFA0];
	_ =	sdelay $0x4  }
0xd8: {  	[tilespmem:$0x6490] =	vst v0  }
0xd9: {  	v0 =	vld [tilespmem:s9+$0xFFFFFFB0];
	_ =	sdelay $0x4  }
0xda: {  	[tilespmem:$0x64A0] =	vst v0  }
0xdb: {  	v0 =	vld [tilespmem:s9+$0xFFFFFFC0];
	_ =	sdelay $0x4  }
0xdc: {  	[tilespmem:$0x64B0] =	vst v0  }
0xdd: {  	v0 =	vld [tilespmem:s9+$0xFFFFFFD0];
	_ =	sdelay $0x4  }
0xde: {  	[tilespmem:$0x64C0] =	vst v0  }
0xdf: {  	v0 =	vld [tilespmem:s9+$0xFFFFFFE0];
	_ =	sdelay $0x4  }
0xe0: {  	[tilespmem:$0x64D0] =	vst v0  }
0xe1: {  	v0 =	vld [tilespmem:s9+$0xFFFFFFF0];
	_ =	sdelay $0x4  }
0xe2: {  	[tilespmem:$0x64E0] =	vst v0  }
0xe3: {  	v0 =	vld [tilespmem:s9+$0x0];
	_ =	sdelay $0x4  }
0xe4: {  	s10 =	simm.s32 $0x6F0;
	s9 =	simm.s32 $0x20000;
	[tilespmem:$0x64F0] =	vst v0  }
.LBB2_2:
0xe5: {  	[tilespmem:s25], [sflag:$0x2] =	stream.indirect.gather [hbm4b:s3+s21], $0x40, s24, s21, $0xb8;
	[tilespmem:$0xE600] =	vst v63  }
0xe6: {  	s11 =	smov.u32 s9  }
0xe7: {  	p0 =	sne.s32 s9, $0x5E0000;
	s9 =	sadd.s32 $0x20000, s9;
	_ =	swait.ge [sflag:s26], $0x2000  }
0xe8: {  	[sflag:s26] =	ssyncset.done $0x0  }
0xe9: {  	s12 =	sadd.s32 s11, s14;
	[sflag:s26] =	ssyncadd.s32 $0xFFFFE000  }
0xea: {  	[hbm4b:s12+s2] =	stream.linear.scatter [tilespmem:s23], [sflag:$0x5], $0x2000, $0x38;
	[tilespmem:$0xE600] =	vst v63  }
0xeb: {  	_ =	swait.ge [sflag:s6], $0x2000  }
0xec: {  	[sflag:s6] =	ssyncset.done $0x0  }
0xed: {  	[sflag:s6] =	ssyncadd.s32 $0xFFFFE000  }
0xee: {  	v0 =	vld [tilespmem:s10+$0xFFFFFE10];
	_ =	sdelay $0x4  }
0xef: {  	[tilespmem:$0x6500] =	vst v0  }
0xf0: {  	v0 =	vld [tilespmem:s10+$0xFFFFFE20];
	_ =	sdelay $0x4  }
0xf1: {  	[tilespmem:$0x6510] =	vst v0  }
0xf2: {  	v0 =	vld [tilespmem:s10+$0xFFFFFE30];
	_ =	sdelay $0x4  }
0xf3: {  	[tilespmem:$0x6520] =	vst v0  }
0xf4: {  	v0 =	vld [tilespmem:s10+$0xFFFFFE40];
	_ =	sdelay $0x4  }
0xf5: {  	[tilespmem:$0x6530] =	vst v0  }
0xf6: {  	v0 =	vld [tilespmem:s10+$0xFFFFFE50];
	_ =	sdelay $0x4  }
0xf7: {  	[tilespmem:$0x6540] =	vst v0  }
0xf8: {  	v0 =	vld [tilespmem:s10+$0xFFFFFE60];
	_ =	sdelay $0x4  }
0xf9: {  	[tilespmem:$0x6550] =	vst v0  }
0xfa: {  	v0 =	vld [tilespmem:s10+$0xFFFFFE70];
	_ =	sdelay $0x4  }
0xfb: {  	[tilespmem:$0x6560] =	vst v0  }
0xfc: {  	v0 =	vld [tilespmem:s10+$0xFFFFFE80];
	_ =	sdelay $0x4  }
0xfd: {  	[tilespmem:$0x6570] =	vst v0  }
0xfe: {  	[tilespmem:s29], [sflag:$0x3] =	stream.indirect.gather [hbm4b:s3+s21], $0x40, s28, s21, $0xb8;
	[tilespmem:$0xE600] =	vst v63  }
0xff: {  	_ =	swait.ge [sflag:s30], $0x2000  }
0x100: {  	[sflag:s30] =	ssyncset.done $0x0  }
0x101: {  	s12 =	sadd.s32 s11, s15;
	[sflag:s30] =	ssyncadd.s32 $0xFFFFE000  }
0x102: {  	[hbm4b:s12+s2] =	stream.linear.scatter [tilespmem:s25], [sflag:$0x6], $0x2000, $0x38;
	[tilespmem:$0xE600] =	vst v63  }
0x103: {  	_ =	swait.ge [sflag:s7], $0x2000  }
0x104: {  	[sflag:s7] =	ssyncset.done $0x0  }
0x105: {  	[sflag:s7] =	ssyncadd.s32 $0xFFFFE000  }
0x106: {  	v0 =	vld [tilespmem:s10+$0xFFFFFE90];
	_ =	sdelay $0x4  }
0x107: {  	[tilespmem:$0x6580] =	vst v0  }
0x108: {  	v0 =	vld [tilespmem:s10+$0xFFFFFEA0];
	_ =	sdelay $0x4  }
0x109: {  	[tilespmem:$0x6590] =	vst v0  }
0x10a: {  	v0 =	vld [tilespmem:s10+$0xFFFFFEB0];
	_ =	sdelay $0x4  }
0x10b: {  	[tilespmem:$0x65A0] =	vst v0  }
0x10c: {  	v0 =	vld [tilespmem:s10+$0xFFFFFEC0];
	_ =	sdelay $0x4  }
0x10d: {  	[tilespmem:$0x65B0] =	vst v0  }
0x10e: {  	v0 =	vld [tilespmem:s10+$0xFFFFFED0];
	_ =	sdelay $0x4  }
0x10f: {  	[tilespmem:$0x65C0] =	vst v0  }
0x110: {  	v0 =	vld [tilespmem:s10+$0xFFFFFEE0];
	_ =	sdelay $0x4  }
0x111: {  	[tilespmem:$0x65D0] =	vst v0  }
0x112: {  	v0 =	vld [tilespmem:s10+$0xFFFFFEF0];
	_ =	sdelay $0x4  }
0x113: {  	[tilespmem:$0x65E0] =	vst v0  }
0x114: {  	v0 =	vld [tilespmem:s10+$0xFFFFFF00];
	_ =	sdelay $0x4  }
0x115: {  	[tilespmem:$0x65F0] =	vst v0  }
0x116: {  	[tilespmem:s0], [sflag:$0x4] =	stream.indirect.gather [hbm4b:s3+s21], $0x40, s31, s21, $0xb8;
	[tilespmem:$0xE600] =	vst v63  }
0x117: {  	_ =	swait.ge [sflag:s1], $0x2000  }
0x118: {  	[sflag:s1] =	ssyncset.done $0x0  }
0x119: {  	s12 =	sadd.s32 s11, s16;
	[sflag:s1] =	ssyncadd.s32 $0xFFFFE000  }
0x11a: {  	[hbm4b:s12+s2] =	stream.linear.scatter [tilespmem:s29], [sflag:$0x7], $0x2000, $0x38;
	[tilespmem:$0xE600] =	vst v63  }
0x11b: {  	_ =	swait.ge [sflag:s18], $0x2000  }
0x11c: {  	[sflag:s18] =	ssyncset.done $0x0  }
0x11d: {  	[sflag:s18] =	ssyncadd.s32 $0xFFFFE000  }
0x11e: {  	v0 =	vld [tilespmem:s10+$0xFFFFFF10];
	_ =	sdelay $0x4  }
0x11f: {  	[tilespmem:$0x6400] =	vst v0  }
0x120: {  	v0 =	vld [tilespmem:s10+$0xFFFFFF20];
	_ =	sdelay $0x4  }
0x121: {  	[tilespmem:$0x6410] =	vst v0  }
0x122: {  	v0 =	vld [tilespmem:s10+$0xFFFFFF30];
	_ =	sdelay $0x4  }
0x123: {  	[tilespmem:$0x6420] =	vst v0  }
0x124: {  	v0 =	vld [tilespmem:s10+$0xFFFFFF40];
	_ =	sdelay $0x4  }
0x125: {  	[tilespmem:$0x6430] =	vst v0  }
0x126: {  	v0 =	vld [tilespmem:s10+$0xFFFFFF50];
	_ =	sdelay $0x4  }
0x127: {  	[tilespmem:$0x6440] =	vst v0  }
0x128: {  	v0 =	vld [tilespmem:s10+$0xFFFFFF60];
	_ =	sdelay $0x4  }
0x129: {  	[tilespmem:$0x6450] =	vst v0  }
0x12a: {  	v0 =	vld [tilespmem:s10+$0xFFFFFF70];
	_ =	sdelay $0x4  }
0x12b: {  	[tilespmem:$0x6460] =	vst v0  }
0x12c: {  	v0 =	vld [tilespmem:s10+$0xFFFFFF80];
	_ =	sdelay $0x4  }
0x12d: {  	[tilespmem:$0x6470] =	vst v0  }
0x12e: {  	[tilespmem:s23], [sflag:$0x1] =	stream.indirect.gather [hbm4b:s3+s21], $0x40, s22, s21, $0xb8;
	[tilespmem:$0xE600] =	vst v63  }
0x12f: {  	_ =	swait.ge [sflag:s19], $0x2000  }
0x130: {  	[sflag:s19] =	ssyncset.done $0x0  }
0x131: {  	s11 =	sadd.s32 s11, s17;
	[sflag:s19] =	ssyncadd.s32 $0xFFFFE000  }
0x132: {  	[hbm4b:s11+s2] =	stream.linear.scatter [tilespmem:s0], [sflag:$0x8], $0x2000, $0x38;
	[tilespmem:$0xE600] =	vst v63  }
0x133: {  	_ =	swait.ge [sflag:s5], $0x2000  }
0x134: {  	[sflag:s5] =	ssyncset.done $0x0  }
0x135: {  	[sflag:s5] =	ssyncadd.s32 $0xFFFFE000  }
0x136: {  	v0 =	vld [tilespmem:s10+$0xFFFFFF90];
	_ =	sdelay $0x4  }
0x137: {  	[tilespmem:$0x6480] =	vst v0  }
0x138: {  	v0 =	vld [tilespmem:s10+$0xFFFFFFA0];
	_ =	sdelay $0x4  }
0x139: {  	[tilespmem:$0x6490] =	vst v0  }
0x13a: {  	v0 =	vld [tilespmem:s10+$0xFFFFFFB0];
	_ =	sdelay $0x4  }
0x13b: {  	[tilespmem:$0x64A0] =	vst v0  }
0x13c: {  	v0 =	vld [tilespmem:s10+$0xFFFFFFC0];
	_ =	sdelay $0x4  }
0x13d: {  	[tilespmem:$0x64B0] =	vst v0  }
0x13e: {  	v0 =	vld [tilespmem:s10+$0xFFFFFFD0];
	_ =	sdelay $0x4  }
0x13f: {  	[tilespmem:$0x64C0] =	vst v0  }
0x140: {  	v0 =	vld [tilespmem:s10+$0xFFFFFFE0];
	_ =	sdelay $0x4  }
0x141: {  	[tilespmem:$0x64D0] =	vst v0  }
0x142: {  	v0 =	vld [tilespmem:s10+$0xFFFFFFF0];
	_ =	sdelay $0x4  }
0x143: {  	[tilespmem:$0x64E0] =	vst v0  }
0x144: {  	v0 =	vld [tilespmem:s10+$0x0]  }
.Ltmp0:
0x145: {  	(pc) =	sbr.rel @p0 .LBB2_2-.Ltmp0, $2  }
0x146: {  	_ =	sdelay $0x2  }
0x147: {  	s10 =	sadd.s32 $0x200, s10;
	[tilespmem:$0x64F0] =	vst v0  }
0x148: {  	[tilespmem:s25], [sflag:$0x2] =	stream.indirect.gather [hbm4b:s3+s21], $0x40, s24, s21, $0xb8;
	[tilespmem:$0xE600] =	vst v63  }
0x149: {  	_ =	swait.ge [sflag:s26], $0x2000  }
0x14a: {  	[sflag:s26] =	ssyncset.done $0x0  }
0x14b: {  	s9 =	rddreg [dreg:$0x7];
	[sflag:s26] =	ssyncadd.s32 $0xFFFFE000  }
0x14c: {  	[hbm4b:s9+s2] =	stream.linear.scatter [tilespmem:s23], [sflag:$0x5], $0x2000, $0x38;
	[tilespmem:$0xE600] =	vst v63  }
0x14d: {  	_ =	swait.ge [sflag:s6], $0x2000  }
0x14e: {  	[sflag:s6] =	ssyncset.done $0x0  }
0x14f: {  	[sflag:s6] =	ssyncadd.s32 $0xFFFFE000  }
0x150: {  	v0 =	vld [tilespmem:$0x6300]  }
0x151: {  	v1 =	vld [tilespmem:$0x6310]  }
0x152: {  	v2 =	vld [tilespmem:$0x6320]  }
0x153: {  	v3 =	vld [tilespmem:$0x6330]  }
0x154: {  	v4 =	vld [tilespmem:$0x6340]  }
0x155: {  	v53 =	vld [tilespmem:$0x6350];
	[tilespmem:$0x6500] =	vst v0  }
0x156: {  	v54 =	vld [tilespmem:$0x6360];
	[tilespmem:$0x6510] =	vst v1  }
0x157: {  	v55 =	vld [tilespmem:$0x6370];
	[tilespmem:$0x6520] =	vst v2  }
0x158: {  	[tilespmem:$0x6530] =	vst v3  }
0x159: {  	[tilespmem:$0x6540] =	vst v4  }
0x15a: {  	[tilespmem:$0x6550] =	vst v53  }
0x15b: {  	[tilespmem:$0x6560] =	vst v54  }
0x15c: {  	[tilespmem:$0x6570] =	vst v55  }
0x15d: {  	[tilespmem:s29], [sflag:$0x3] =	stream.indirect.gather [hbm4b:s3+s21], $0x40, s28, s21, $0xb8;
	[tilespmem:$0xE600] =	vst v63  }
0x15e: {  	_ =	swait.ge [sflag:s30], $0x2000  }
0x15f: {  	[sflag:s30] =	ssyncset.done $0x0  }
0x160: {  	s10 =	rddreg [dreg:$0x8];
	[sflag:s30] =	ssyncadd.s32 $0xFFFFE000  }
0x161: {  	[hbm4b:s10+s2] =	stream.linear.scatter [tilespmem:s25], [sflag:$0x6], $0x2000, $0x38;
	[tilespmem:$0xE600] =	vst v63  }
0x162: {  	_ =	swait.ge [sflag:s7], $0x2000  }
0x163: {  	[sflag:s7] =	ssyncset.done $0x0  }
0x164: {  	[sflag:s7] =	ssyncadd.s32 $0xFFFFE000  }
0x165: {  	v56 =	vld [tilespmem:$0x6380]  }
0x166: {  	v57 =	vld [tilespmem:$0x6390]  }
0x167: {  	v58 =	vld [tilespmem:$0x63A0]  }
0x168: {  	v59 =	vld [tilespmem:$0x63B0]  }
0x169: {  	v60 =	vld [tilespmem:$0x63C0]  }
0x16a: {  	v61 =	vld [tilespmem:$0x63D0];
	[tilespmem:$0x6580] =	vst v56  }
0x16b: {  	v62 =	vld [tilespmem:$0x63E0];
	[tilespmem:$0x6590] =	vst v57  }
0x16c: {  	v63 =	vld [tilespmem:$0x63F0];
	[tilespmem:$0x65A0] =	vst v58  }
0x16d: {  	[tilespmem:$0x65B0] =	vst v59  }
0x16e: {  	[tilespmem:$0x65C0] =	vst v60  }
0x16f: {  	[tilespmem:$0x65D0] =	vst v61  }
0x170: {  	[tilespmem:$0x65E0] =	vst v62  }
0x171: {  	[tilespmem:$0x65F0] =	vst v63  }
0x172: {  	[tilespmem:s0], [sflag:$0x4] =	stream.indirect.gather [hbm4b:s3+s21], $0x40, s31, s21, $0xb8;
	[tilespmem:$0xE600] =	vst v63  }
0x173: {  	_ =	swait.ge [sflag:s1], $0x2000  }
0x174: {  	[sflag:s1] =	ssyncset.done $0x0  }
0x175: {  	s11 =	rddreg [dreg:$0x9];
	[sflag:s1] =	ssyncadd.s32 $0xFFFFE000  }
0x176: {  	[hbm4b:s11+s2] =	stream.linear.scatter [tilespmem:s29], [sflag:$0x7], $0x2000, $0x38;
	[tilespmem:$0xE600] =	vst v63  }
0x177: {  	_ =	swait.ge [sflag:s18], $0x2000  }
0x178: {  	[sflag:s18] =	ssyncset.done $0x0  }
0x179: {  	[sflag:s18] =	ssyncadd.s32 $0xFFFFE000  }
0x17a: {  	_ =	swait.ge [sflag:s19], $0x2000  }
0x17b: {  	[sflag:s19] =	ssyncset.done $0x0  }
0x17c: {  	s12 =	rddreg [dreg:$0xa];
	[sflag:s19] =	ssyncadd.s32 $0xFFFFE000  }
0x17d: {  	[hbm4b:s12+s2] =	stream.linear.scatter [tilespmem:s0], [sflag:$0x8], $0x2000, $0x38;
	[tilespmem:$0xE600] =	vst v63  }
0x17e: {  	_ =	swait.ge [sflag:s5], $0x2000  }
0x17f: {  	[sflag:s5] =	ssyncset.done $0x0  }
0x180: {  	s8 =	sadd.s32 $0x1, s8;
	[sflag:s5] =	ssyncadd.s32 $0xFFFFE000  }
0x181: {  	p0 =	sne.s32 s8, s13;
	_ =	swait.ge [sflag:s6], $0x2000  }
.Ltmp1:
0x182: {  	[sflag:s6] =	ssyncset.done $0x0;
	(pc) =	sbr.rel @p0 .LBB2_1-.Ltmp1, $4  }
0x183: {  	[sflag:s6] =	ssyncadd.s32 $0xFFFFE000  }
0x184: {  	_ =	swait.ge [sflag:s7], $0x2000  }
0x185: {  	[sflag:s7] =	ssyncset.done $0x0  }
0x186: {  	[sflag:s7] =	ssyncadd.s32 $0xFFFFE000  }
0x187: {  	_ =	sfence.sel $0x180000  }
0x188: {  	[bflag:$0x0] =	sbarrier.arrive $0xFFFF  }
0x189: {  	_ =	strace $0x90000047  }
0x18a: {  	s0 =	stileid.u32;
	[bflag:$0x2] =	sbarrier.arrive $0xFFFF  }
0x18b: {  	p0 =	sne.s32 s0, $0x0;
	s0 =	rddreg [dreg:$0x2]  }
0x18c: {  	s0 =	sadd.s32 @!p0 $0x100000, s0  }
0x18d: {  	[sflag:s0] =	ssyncadd.tile.s32 @!p0 $0x1;
	_ =	shalt  }
.Lfunc_end2:
_tile_overlayer_lowered:
.L_overlay_start_2:
0x18e: {  	(tag) =	ssettag $0x2  }
0x18f: {  	s0 =	rddreg [dreg:$0x0];
	s2 =	stileid.u32  }
0x190: {  	s1 =	rddreg [dreg:$0x1];
	p0 =	sne.s32 s2, $0x0  }
0x191: {  	s3 =	rddreg [dreg:$0x2];
	[bflag:$0x3] =	sbarrier.arrive $0xFFFF;
	s2 =	simm.s32 @!p0 $0x1C09  }
0x192: {  	[timem:s3], [sflag:s2] =	dma.local @!p0 [hbm:s0], s1  }
0x193: {  	s0 =	simm.s32 @!p0 $0x9  }
0x194: {  	_ =	swait.ge @!p0 [sflag:s0], s1  }
0x195: {  	s1 =	ssub.s32 @!p0 $0x0, s1;
	[sflag:s0] =	ssyncset.done @!p0 $0x0  }
0x196: {  	[sflag:s0] =	ssyncadd.s32 @!p0 s1  }
0x197: {  	[bflag:$0x3] =	sbarrier.arrive $0xFFFF  }
0x198: {  	_ =	shalt  }

// kernel: sparse-core-data-format-call.cloned.1.call-start
scs
called_computation_lowered:
.L_overlay_start_0:
0x0: {  	s2 =	sld [smem:$0x3FD9]  }
0x1: {  	s3 =	sld [smem:$0x3FFE];
	_ =	sdelay $0x1  }
0x2: {  	s1 =	srdreg.scid  }
0x3: {  	s0 =	sand.u32 $0x1, s1  }
0x4: {  	s18 =	sshll.u32 s0, $0xA;
	s2 =	sadd.s32 s3, s2  }
0x5: {  	s2 =	sadd.s32 s2, s18  }
0x6: {  	[smem:$0x3FC6] =	sst s2  }
0x7: {  	_ = 	snop  }
0x8: {  	s2 =	sld [smem:$0x3FD0];
	(tm) =	ssettm $0x1  }
0x9: {  	s19 =	sld [smem:$0x3FFB];
	_ =	sdelay $0x3  }
0xa: {  	_ =	strace s19  }
0xb: {  	s3 =	sld [smem:$0x3FFC];
	_ =	sdelay $0x3  }
0xc: {  	_ =	strace s3  }
0xd: {  	s3 =	sld [smem:$0x3FFD];
	_ =	sdelay $0x3  }
0xe: {  	_ =	strace s3  }
0xf: {  	_ =	strace $0x8FFFFFFF  }
0x10: {  	s20 =	sld [smem:$0x3FDB];
	_ =	sdelay $0x1  }
0x11: {  	s4 =	simm.s32 $_scs_section_size  }
0x12: {  	s5 =	simm.s32 $_size__tile_overlayer_lowered;
	s6 =	simm.s32 $_tile_overlayer_lowered  }
0x13: {  	s23 =	simm.s32 $0x1BFF;
	s22 =	sshll.u32 s6, $0x1;
	s3 =	sadd.s32 s4, s20  }
0x14: {  	s7 =	simm.s32 $0x0;
	s21 =	sshll.u32 s5, $0x1;
	s5 =	sadd.s32 s22, s3  }
0x15: {  	[timem:s7], [sflag:s23] =	dma.local [hbm:s5], s21  }
0x16: {  	_ =	swait.ge [sflag:s23], s21  }
0x17: {  	s4 =	ssub.s32 $0x0, s21;
	[sflag:s23] =	ssyncset.done $0x0  }
0x18: {  	[sflag:s23] =	ssyncadd.s32 s4;
	_ =	sdelay $0x1  }
0x19: {  	s24 =	simm.s32 $0x1B8B  }
0x1a: {  	_ =	swait.ge [sflag:s24], $0x1  }
0x1b: {  	[sflag:s24] =	ssyncset.done $0x0  }
0x1c: {  	s26 =	simm.s32 $0x1B8E;
	s25 =	sld [smem:$0x3FFE];
	[sflag:s24] =	ssyncadd.s32 $0xFFFFFFFF  }
0x1d: {  	s27 =	simm.s32 $execute0_lowered;
	[smem:$0x3FD2] =	sst s26  }
0x1e: {  	s5 =	sshll.u32 s27, $0x1;
	_ =	strace $0x80000049;
	[dreg:$0x1] =	wrdreg $0xFFFFFFFF  }
0x1f: {  	s28 =	simm.s32 $_size_execute0_lowered;
	s3 =	sadd.s32 s3, s5;
	[dreg:$0x0] =	wrdreg $0x0  }
0x20: {  	s5 =	sshll.u32 s28, $0x1;
	[dreg:$0x2] =	wrdreg s3  }
0x21: {  	[dreg:$0x3] =	wrdreg s5  }
0x22: {  	[dreg:$0x4] =	wrdreg $0xC0  }
0x23: {  	_ =	task [dreg:s7], $0x5FFFF  }
0x24: {  	[dreg:$0x1] =	wrdreg $0xFFFFFFFF  }
0x25: {  	[dreg:$0x0] =	wrdreg $0x60  }
0x26: {  	[dreg:$0x2] =	wrdreg s25  }
0x27: {  	[dreg:$0x3] =	wrdreg s2  }
0x28: {  	[dreg:$0x4] =	wrdreg $0x9  }
0x29: {  	_ =	task.clear_ibuf [dreg:s7], $0x5FFFF;
	_ =	strace $0x90000049  }
0x2a: {  	s29 =	simm.s32 $0x9;
	_ =	strace $0x8000004B  }
0x2b: {  	_ =	swait.ge [sflag:s29], $0x1  }
0x2c: {  	[sflag:s29] =	ssyncadd.s32 $0xFFFFFFFF  }
0x2d: {  	_ =	strace $0x9000004B  }
0x2e: {  	_ =	sfence  }
0x2f: {  	s30 =	sld [smem:$0x0];
	_ =	sdelay $0x2  }
0x30: {  	s31 =	sshll.u32 s1, $0xD;
	s1 =	sshrl.u32 s1, $0x2  }
0x31: {  	s3 =	sand.u32 $0x4000, s31;
	s1 =	sadd.s32 s1, s30  }
0x32: {  	s0 =	sor.u32 s3, s0;
	s1 =	sshll.u32 s1, $0x11  }
0x33: {  	s0 =	sor.u32 s1, s0  }
0x34: {  	s0 =	sadd.s32 $0x8F2B, s0  }
0x35: {  	[sflag:s0] =	ssyncadd.remote.s32 $0x1  }
0x36: {  	_ =	sfence.sel $0xFFFF  }
0x37: {  	[dreg:$0x0] =	wrdreg $0xFFFFFFFF;
	(pc) =	sbr.abs _section_cstart, $3  }
0x38: {  	[dreg:$0x1] =	wrdreg $0xFFFFFFFF  }
0x39: {  	_ =	task.clear_ibuf [dreg:s7], $0x2FFFF;
	_ =	strace $0x9FFFFFFF  }
0x3a: {  	(tm) =	ssettm $0x7FFFFFFF  }
0x3b: {  	_ =	shalt  }
tec
execute0_lowered:
.L_overlay_start_1:
0x0: {  	(tag) =	ssettag $0x1  }
0x1: {  	s0 =	srdreg.scid  }
0x2: {  	s1 =	sshll.u32 s0, $0x4  }
0x3: {  	s0 =	stileid.u32;
	s1 =	sand.u32 $0x10, s1  }
0x4: {  	s7 =	rddreg [dreg:$0x0];
	s1 =	sor.u32 s0, s1  }
0x5: {  	s4 =	simm.s32 $0x1;
	s8 =	simm.s32 $0x2;
	s2 =	sshll.u32 s1, $0x7  }
0x6: {  	s13 =	simm.s32 $0x0;
	s9 =	simm.s32 $0x20000;
	s1 =	ssub.s32 $0x4000, s2  }
0x7: {  	s14 =	simm.s32 $0x0;
	s11 =	simm.s32 $0x0;
	s3 =	sand.u32 $0xF80, s1  }
0x8: {  	s12 =	simm.s32 $0x0;
	s5 =	sshrl.u32 s1, $0xC;
	p0 =	sne.s32 s3, $0x0  }
.Ltmp0:
0x9: {  	s1 =	rddreg [dreg:$0x2];
	s4 =	simm.s32 @!p0 $0x0;
	(pc) =	sbr.rel .LBB1_1-.Ltmp0, $4  }
0xa: {  	s6 =	sadd.s32 $0xA00, s7;
	s3 =	rddreg [dreg:$0x1];
	s5 =	sadd.s32 s4, s5  }
0xb: {  	_ =	strace $0x8000004A;
	s4 =	simm.s32 $0x1;
	s5 =	smul.u32 $0x19, s5  }
0xc: {  	s7 =	sadd.s32 $0x40A00, s7;
	s10 =	smov.u32 s2;
	[sflag:s4] =	ssyncpa.u1 $0x0  }
0xd: {  	p0 =	por $0x0, $0x0;
	[sflag:s8] =	ssyncpa.u1 $0x0;
	s8 =	sadd.s32 $0x1, s5  }
.LBB1_7:
0xe: {  	s15 =	sadd.s32 $0x1000, s10  }
0xf: {  	s13 =	sadd.s32 $0x2, s11;
	s17 =	smov.u32 s11;
	p2 =	sgt.s32 s15, $0x3FFF  }
0x10: {  	s17 =	smov.u32 @p2 s13  }
0x11: {  	s15 =	smov.u32 @p2 s2;
	p2 =	sgt.s32 s17, $0x31  }
0x12: {  	s17 =	simm.s32 @p2 $0x0;
	p2 =	sne.s32 s12, s8  }
.Ltmp1:
0x13: {  	p1 =	slt.u32 s12, $0x2;
	(pc) =	sbr.rel @!p2 .LBB1_8-.Ltmp1, $4  }
0x14: {  	s16 =	simm.s32 @!p1 $0x2  }
0x15: {  	s14 =	smov.u32 s11;
	p0 =	por !p0, !p0;
	_ =	swait.ge @!p1 [sflag:s16], $0x4000  }
0x16: {  	s13 =	smov.u32 s10;
	[sflag:s16] =	ssyncset.done @!p1 $0x0;
	s10 =	smov.u32 s15  }
0x17: {  	s12 =	sadd.s32 $0x1, s12;
	[sflag:s16] =	ssyncadd.s32 @!p1 $0xFFFFC000;
	s11 =	smov.u32 s17  }
.LBB1_1:
0x18: {  	p1 =	sge.u32 s12, s5  }
0x19: {  	s15 =	sxor.u32 @!p1 $0xFFFFFFFF, s12;
	s16 =	sshll.u32 @!p1 s11, $0x12  }
0x1a: {  	s17 =	sshll.u32 @!p1 s10, $0x4;
	s19 =	simm.s32 @!p1 $0x40;
	s20 =	simm.s32 @!p1 $0x80  }
0x1b: {  	s15 =	sshll.u32 @!p1 s15, $0xE;
	s17 =	sand.u32 @!p1 $0x3FFF0, s17;
	s18 =	sadd.s32 @!p1 s6, s16  }
0x1c: {  	s16 =	sadd.s32 @!p1 s16, s7;
	s15 =	sand.u32 @!p1 $0x4000, s15;
	s18 =	sadd.s32 @!p1 s17, s18  }
0x1d: {  	[tilespmem:s15], [sflag:$0x1] =	stream.strided.gather @!p1 [hbm4b:s18+s19], $0x2000, s20, s19, $0x38;
	[tilespmem:$0x10100] =	vst v63  }
0x1e: {  	s31 =	sadd.s32 $0xFFFFFFFF, s12;
	s16 =	sadd.s32 @!p1 s17, s16;
	s15 =	sor.u32 @!p1 $0x2000, s15  }
0x1f: {  	[tilespmem:s15], [sflag:$0x1] =	stream.strided.gather @!p1 [hbm4b:s16+s19], $0x2000, s20, s19, $0x38;
	[tilespmem:$0x10100] =	vst v63  }
0x20: {  	p1 =	sge.u32 s31, s5  }
.Ltmp2:
0x21: {  	_ = 	snop;
	(pc) =	sbr.rel @p1 .LBB1_7-.Ltmp2, $1  }
0x22: {  	_ =	sdelay $0x3  }
0x23: {  	s15 =	simm.s32 $0x1;
	s17 =	sand.u32 $0x1, s12  }
0x24: {  	_ =	swait.ge [sflag:s4], $0x4000;
	s15 =	simm.s32 @!p0 $0x0;
	s17 =	smul.u32 $0x10200, s17  }
0x25: {  	p2 =	por $0x1, $0x1;
	[sflag:s4] =	ssyncset.done $0x0;
	s16 =	smul.u32 $0x10200, s15  }
0x26: {  	s18 =	sshll.u32 s15, $0x10;
	[sflag:s4] =	ssyncadd.s32 $0xFFFFC000;
	s30 =	sshrl.u32 s17, $0x2  }
0x27: {  	s31 =	sshrl.u32 s18, $0x2;
	s18 =	simm.s32 $0x0;
	s16 =	sshrl.u32 s16, $0x2  }
0x28: {  	s15 =	sor.u32 $0x8000, s30;
	s17 =	sadd.s32 $0x20, s31;
	s16 =	sor.u32 $0x8000, s16  }
.LBB1_3:
0x29: {  	s19 =	sshll.u32 s18, $0xD  }
0x2a: {  	s19 =	sand.u32 $0x3FFFE000, s19  }
0x2b: {  	s21 =	sadd.s32 s19, s17  }
0x2c: {  	s31 =	smul.u32 $0x8100, s18;
	v3 =	vld [tilespmem:s21+$0x10]  }
0x2d: {  	v1 =	vld [tilespmem:s21+$0xFFFFFFF0]  }
0x2e: {  	s18 =	sshra.s32 s31, $0x2;
	v0 =	vld [tilespmem:s21+$0x0]  }
0x2f: {  	s18 =	sadd.s32 s18, s16;
	v2 =	vld [tilespmem:s21+$0xFFFFFFE0]  }
0x30: {  	s19 =	sadd.s32 $0x0, s18  }
0x31: {  	p1 =	por p2, p2;
	s20 =	simm.s32 $0x4;
	s21 =	sadd.s32 $0x40, s21;
	[tilespmem:s19+$0x1830 ss:$0x81] =	vst.msk $0xffff, v3  }
.LBB1_4:
0x32: {  	v3 =	vld [tilespmem:s21+$0x10];
	p2 =	sne.s32 s20, $0x1FC;
	[tilespmem:s19+$0x810 ss:$0x81] =	vst.msk $0xffff, v1;
	s22 =	smov.u32 s20;
	s20 =	sadd.s32 $0x4, s20  }
.Ltmp3:
0x33: {  	v1 =	vld [tilespmem:s21+$0xFFFFFFF0];
	[tilespmem:s19+$0x1020 ss:$0x81] =	vst.msk $0xffff, v0;
	(pc) =	sbr.rel @p2 .LBB1_4-.Ltmp3, $4  }
0x34: {  	v0 =	vld [tilespmem:s21+$0x0];
	[tilespmem:s19+$0x0 ss:$0x81] =	vst.msk $0xffff, v2  }
0x35: {  	s19 =	sshra.s32 s22, $0x2;
	v2 =	vld [tilespmem:s21+$0xFFFFFFE0]  }
0x36: {  	s19 =	sadd.s32 s19, s18  }
0x37: {  	s21 =	sadd.s32 $0x40, s21;
	[tilespmem:s19+$0x1830 ss:$0x81] =	vst.msk $0xffff, v3  }
.Ltmp4:
0x38: {  	(pc) =	sbr.rel @p1 .LBB1_3-.Ltmp4, $4  }
0x39: {  	_ = 	snop  }
0x3a: {  	[tilespmem:s19+$0x810 ss:$0x81] =	vst.msk $0xffff, v1  }
0x3b: {  	[tilespmem:s19+$0x1020 ss:$0x81] =	vst.msk $0xffff, v0  }
0x3c: {  	s18 =	simm.s32 $0x1;
	p2 =	por $0x0, $0x0;
	[tilespmem:s19+$0x0 ss:$0x81] =	vst.msk $0xffff, v2  }
0x3d: {  	s16 =	sshll.u32 s13, $0x3;
	s17 =	sand.u32 $0x78, s13;
	s14 =	sshll.u32 s14, $0x11  }
.Ltmp5:
0x3e: {  	s30 =	sand.u32 $0x1F800, s13;
	s16 =	sand.u32 $0x3C00, s16;
	(pc) =	sbr.rel .LBB1_7-.Ltmp5, $4  }
0x3f: {  	s31 =	sand.u32 $0x7, s13;
	s14 =	sadd.s32 s3, s14;
	s16 =	sor.u32 s17, s16  }
0x40: {  	s13 =	sshll.u32 s31, $0x12;
	s14 =	sadd.s32 s30, s14;
	s16 =	sshrl.u32 s16, $0x3  }
0x41: {  	s13 =	sor.u32 $0x400, s13;
	s14 =	sadd.s32 s16, s14  }
0x42: {  	[hbm4b:s14+s13] =	stream.strided.scatter [tilespmem:s15], [sflag:$0x2], $0x4000, s9, s13, $0x20;
	[tilespmem:$0x10100] =	vst v63  }
.LBB1_8:
0x43: {  	_ =	sfence.sel $0x180000  }
0x44: {  	s2 =	simm.s32 $0x1;
	[bflag:$0x0] =	sbarrier.arrive $0xFFFF  }
0x45: {  	s31 =	simm.s32 $0x2;
	[sflag:s2] =	ssyncpa.u1 $0x1  }
0x46: {  	[sflag:s31] =	ssyncpa.u1 $0x1  }
0x47: {  	p0 =	sne.s32 s0, $0x0;
	_ =	strace $0x9000004A  }
0x48: {  	s0 =	sadd.s32 @!p0 $0x100000, s1;
	[bflag:$0x2] =	sbarrier.arrive $0xFFFF  }
0x49: {  	[sflag:s0] =	ssyncadd.tile.s32 @!p0 $0x1;
	_ =	shalt  }
.Lfunc_end1:
_tile_overlayer_lowered:
.L_overlay_start_2:
0x4a: {  	(tag) =	ssettag $0x2  }
0x4b: {  	s0 =	rddreg [dreg:$0x0];
	s2 =	stileid.u32  }
0x4c: {  	s1 =	rddreg [dreg:$0x1];
	p0 =	sne.s32 s2, $0x0  }
0x4d: {  	s3 =	rddreg [dreg:$0x2];
	[bflag:$0x3] =	sbarrier.arrive $0xFFFF;
	s2 =	simm.s32 @!p0 $0x1C01  }
0x4e: {  	[timem:s3], [sflag:s2] =	dma.local @!p0 [hbm:s0], s1  }
0x4f: {  	s0 =	simm.s32 @!p0 $0x1  }
0x50: {  	_ =	swait.ge @!p0 [sflag:s0], s1  }
0x51: {  	s1 =	ssub.s32 @!p0 $0x0, s1;
	[sflag:s0] =	ssyncset.done @!p0 $0x0  }
0x52: {  	[sflag:s0] =	ssyncadd.s32 @!p0 s1  }
0x53: {  	[bflag:$0x3] =	sbarrier.arrive $0xFFFF  }
0x54: {  	_ =	shalt  }

</sc_bundles>
